<compile_context>
chip_gen: v7x
topology: tpu7x:2x2x1
jax: 0.10.2.dev20260603
libtpu: 0.0.44.dev20260713+nightly
codegen_flags: <defaults>
</compile_context>

<pallas_src>
import functools

import jax
import jax.numpy as jnp
from jax import lax
from jax.experimental import pallas as pl
from jax.experimental.pallas import tpu as pltpu
from jax.experimental.pallas import tpu_sc as plsc

N = 10000
NS = 16
C = 128
CW = 16
SH = 8
E = N * NS

NPAD = 10240
BQK = 128
BQ = 200
BE = BQ * NS
NBLK = N // BQ
EPS = 1e-5
BIGF = float(3e38)
BIGI = int(2**30)
F32 = jnp.float32
HI = lax.Precision.DEFAULT

SC_CORES = 2
SC_SUBCORES = 16
NW = SC_CORES * SC_SUBCORES
RPW = E // NW
GCH = 128
NFULL = RPW // GCH
TAIL = RPW - NFULL * GCH


def _proj_body(x_ref, wq_ref, wk_ref, wv_ref, bq_ref, bk_ref, bv_ref,
               xq_ref, xk_ref, xv_ref):
    xb = x_ref[...]
    xq_ref[...] = jnp.dot(xb, wq_ref[...], precision=HI) + bq_ref[...]
    xk_ref[...] = jnp.dot(xb, wk_ref[...], precision=HI) + bk_ref[...]
    xv_ref[...] = jnp.dot(xb, wv_ref[...], precision=HI) + bv_ref[...]


def _knn_body(pq_ref, pt_ref, idx_ref):
    pq = pq_ref[...]
    pt = pt_ref[...]
    diff = pq[:, 0:1] - pt[0:1, :]
    d = diff * diff
    for dd in range(1, 3):
        diff = pq[:, dd:dd + 1] - pt[dd:dd + 1, :]
        d = d + diff * diff
    Q = NPAD // 4
    cio = lax.broadcasted_iota(jnp.int32, (BQK, Q), 1)

    def ce(x, y, cx, cy):
        le = x <= y
        return (jnp.minimum(x, y), jnp.maximum(x, y),
                jnp.where(le, cx, cy), jnp.where(le, cy, cx))

    v = [d[:, i * Q:(i + 1) * Q] for i in range(4)]
    c = [cio + i * Q for i in range(4)]
    a1, a2, c1, c2 = ce(v[0], v[1], c[0], c[1])
    a3, a4, c3, c4 = ce(v[2], v[3], c[2], c[3])
    a1, a3, c1, c3 = ce(a1, a3, c1, c3)
    a2, a4, c2, c4 = ce(a2, a4, c2, c4)
    a2, a3, c2, c3 = ce(a2, a3, c2, c3)
    NCH = 4
    R = BQK // NCH
    st = [[x[h * R:(h + 1) * R] for x in (a1, a2, a3, a4, c1, c2, c3, c4)]
          for h in range(NCH)]
    cols = [[] for _ in range(NCH)]
    for t in range(NS):
        for h in range(NCH):
            b1, b2, b3, b4, e1, e2, e3, e4 = st[h]
            m = jnp.min(b1, axis=1, keepdims=True)
            msk = b1 <= m
            j = jnp.min(jnp.where(msk, e1, BIGI), axis=1, keepdims=True)
            cols[h].append(j)
            if t < NS - 1:
                st[h] = [jnp.where(msk, b2, b1), jnp.where(msk, b3, b2),
                         jnp.where(msk, b4, b3), jnp.where(msk, BIGF, b4),
                         jnp.where(msk, e2, e1), jnp.where(msk, e3, e2),
                         jnp.where(msk, e4, e3), e4]
    idx_ref[...] = jnp.concatenate(
        [jnp.concatenate(cs, axis=1) for cs in cols], axis=0)


def _sc_gather_body(xk_hbm, xv_hbm, p16_hbm, idx_hbm,
                    oxk, oxv, op16,
                    idxc, idxt, bk, bv, bp, tk, tv, tp, sem):
    wid = lax.axis_index("s") * SC_CORES + lax.axis_index("c")
    base0 = wid * RPW

    def chunk(i, carry):
        base = base0 + i * GCH
        pltpu.sync_copy(idx_hbm.at[pl.ds(base, GCH)], idxc)
        pltpu.async_copy(xk_hbm.at[idxc], bk, sem).wait()
        pltpu.sync_copy(bk, oxk.at[pl.ds(base, GCH)])
        pltpu.async_copy(xv_hbm.at[idxc], bv, sem).wait()
        pltpu.sync_copy(bv, oxv.at[pl.ds(base, GCH)])
        pltpu.async_copy(p16_hbm.at[idxc], bp, sem).wait()
        pltpu.sync_copy(bp, op16.at[pl.ds(base, GCH)])
        return carry

    lax.fori_loop(0, NFULL, chunk, 0)

    baset = base0 + NFULL * GCH
    pltpu.sync_copy(idx_hbm.at[pl.ds(baset, TAIL)], idxt)
    pltpu.async_copy(xk_hbm.at[idxt], tk, sem).wait()
    pltpu.sync_copy(tk, oxk.at[pl.ds(baset, TAIL)])
    pltpu.async_copy(xv_hbm.at[idxt], tv, sem).wait()
    pltpu.sync_copy(tv, oxv.at[pl.ds(baset, TAIL)])
    pltpu.async_copy(p16_hbm.at[idxt], tp, sem).wait()
    pltpu.sync_copy(tp, op16.at[pl.ds(baset, TAIL)])


def _pe_from(pg, pq, wp1, bp1, sp, hp, wp2, bp2):
    pr = (pg.reshape(BQ, NS, 16) - pq[:, None, :]).reshape(BE, 16)
    t = jnp.dot(pr, wp1, precision=HI) + bp1
    tn = jnp.maximum(t * sp + hp, 0.0)
    return jnp.dot(tn, wp2, precision=HI) + bp2


def _accum(st_ref, s1, s2, pad):
    acc = jnp.concatenate([s1, s2, jnp.zeros((6, pad), F32)], axis=0)
    i = pl.program_id(0)

    @pl.when(i == 0)
    def _():
        st_ref[...] = acc

    @pl.when(i != 0)
    def _():
        st_ref[...] = st_ref[...] + acc


def _tstat_body(gp_ref, p16_ref, wp1_ref, bp1_ref, st_ref):
    pr = (gp_ref[...].reshape(BQ, NS, 16)
          - p16_ref[...][:, None, :]).reshape(BE, 16)
    t = jnp.dot(pr, wp1_ref[...], precision=HI) + bp1_ref[...]
    _accum(st_ref, jnp.sum(t, axis=0, keepdims=True),
           jnp.sum(t * t, axis=0, keepdims=True), 16)


def _wstat_body(gxk_ref, gp_ref, p16_ref, xq_ref,
                wp1_ref, bp1_ref, sp_ref, hp_ref, wp2_ref, bp2_ref, st_ref):
    pe = _pe_from(gp_ref[...], p16_ref[...], wp1_ref[...], bp1_ref[...],
                  sp_ref[...], hp_ref[...], wp2_ref[...], bp2_ref[...])
    w = ((gxk_ref[...] + pe).reshape(BQ, NS, C)
         - xq_ref[...][:, None, :]).reshape(BE, C)
    _accum(st_ref, jnp.sum(w, axis=0, keepdims=True),
           jnp.sum(w * w, axis=0, keepdims=True), C)


def _u_body(gxk_ref, gp_ref, p16_ref, xq_ref,
            wp1_ref, bp1_ref, sp_ref, hp_ref, wp2_ref, bp2_ref,
            scw_ref, shw_ref, ww1_ref, bw1_ref, u_ref, st_ref):
    pe = _pe_from(gp_ref[...], p16_ref[...], wp1_ref[...], bp1_ref[...],
                  sp_ref[...], hp_ref[...], wp2_ref[...], bp2_ref[...])
    w = ((gxk_ref[...] + pe).reshape(BQ, NS, C)
         - xq_ref[...][:, None, :]).reshape(BE, C)
    wn = jnp.maximum(w * scw_ref[...] + shw_ref[...], 0.0)
    u = jnp.dot(wn, ww1_ref[...], precision=HI) + bw1_ref[...]
    u_ref[...] = u
    _accum(st_ref, jnp.sum(u, axis=0, keepdims=True),
           jnp.sum(u * u, axis=0, keepdims=True), CW)


def _out_body(u_ref, gxv_ref, gp_ref, p16_ref,
              wp1_ref, bp1_ref, sp_ref, hp_ref, wp2_ref, bp2_ref,
              scu_ref, shu_ref, ww2_ref, bw2_ref, o_ref):
    pe = _pe_from(gp_ref[...], p16_ref[...], wp1_ref[...], bp1_ref[...],
                  sp_ref[...], hp_ref[...], wp2_ref[...], bp2_ref[...])
    un = jnp.maximum(u_ref[...] * scu_ref[...] + shu_ref[...], 0.0)
    w2 = jnp.dot(un, ww2_ref[...], precision=HI) + bw2_ref[...]
    w3 = w2.reshape(BQ, NS, CW)
    m = jnp.max(w3, axis=1, keepdims=True)
    e = jnp.exp(w3 - m)
    sm = e / jnp.sum(e, axis=1, keepdims=True)
    smt = jnp.concatenate([sm] * SH, axis=2)
    v = (gxv_ref[...] + pe).reshape(BQ, NS, C)
    o_ref[...] = jnp.sum(v * smt, axis=1)


def _seq():
    return pltpu.CompilerParams(dimension_semantics=("arbitrary",))


def kernel(p, x, o, Wq, bq, Wk, bk, Wv, bv, Wp1, bp1, g_p, be_p, Wp2, bp2,
           g_w1, be_w1, Ww1, bw1, g_w2, be_w2, Ww2, bw2):
    del o
    sds = jax.ShapeDtypeStruct

    RB = 2000
    xq_, xk_, xv_ = pl.pallas_call(
        _proj_body,
        grid=(N // RB,),
        in_specs=[pl.BlockSpec((RB, C), lambda i: (i, 0))]
        + [pl.BlockSpec((C, C), lambda i: (0, 0))] * 3
        + [pl.BlockSpec((1, C), lambda i: (0, 0))] * 3,
        out_specs=[pl.BlockSpec((RB, C), lambda i: (i, 0))] * 3,
        out_shape=[sds((N, C), F32)] * 3,
        compiler_params=_seq(),
    )(x, Wq, Wk, Wv, bq[None], bk[None], bv[None])

    pp = jnp.pad(jnp.pad(p, ((0, NPAD - N), (0, 0)), constant_values=1e17),
                 ((0, 0), (0, 13)))
    p16 = pp[:N]
    pp8 = pp[:, :8]
    pt8 = pp8.T
    idx_full = pl.pallas_call(
        _knn_body,
        grid=(NPAD // BQK,),
        in_specs=[pl.BlockSpec((BQK, 8), lambda i: (i, 0)),
                  pl.BlockSpec((8, NPAD), lambda i: (0, 0))],
        out_specs=pl.BlockSpec((BQK, NS), lambda i: (i, 0)),
        out_shape=sds((NPAD, NS), jnp.int32),
        compiler_params=_seq(),
    )(pp8, pt8)
    idxf = idx_full[:N].reshape(-1)

    mesh = plsc.VectorSubcoreMesh(core_axis_name="c", subcore_axis_name="s")
    gxk, gxv, gp = pl.kernel(
        _sc_gather_body,
        mesh=mesh,
        out_type=[sds((E, C), F32), sds((E, C), F32), sds((E, 16), F32)],
        scratch_types=[
            pltpu.VMEM((GCH,), jnp.int32),
            pltpu.VMEM((TAIL,), jnp.int32),
            pltpu.VMEM((GCH, C), F32),
            pltpu.VMEM((GCH, C), F32),
            pltpu.VMEM((GCH, 16), F32),
            pltpu.VMEM((TAIL, C), F32),
            pltpu.VMEM((TAIL, C), F32),
            pltpu.VMEM((TAIL, 16), F32),
            pltpu.SemaphoreType.DMA,
        ],
        compiler_params=pltpu.CompilerParams(use_tc_tiling_on_sc=False),
    )(xk_, xv_, p16, idxf)

    wp1p = jnp.zeros((16, 16), F32).at[0:3, 0:3].set(Wp1)
    bp1p = jnp.zeros((1, 16), F32).at[0, 0:3].set(bp1)
    wp2p = jnp.zeros((16, C), F32).at[0:3].set(Wp2)
    bp2r = bp2[None]

    cst = lambda r, c: pl.BlockSpec((r, c), lambda i: (0, 0))
    gp_spec = pl.BlockSpec((BE, 16), lambda i: (i, 0))
    p16_spec = pl.BlockSpec((BQ, 16), lambda i: (i, 0))
    gc_spec = pl.BlockSpec((BE, C), lambda i: (i, 0))
    xq_spec = pl.BlockSpec((BQ, C), lambda i: (i, 0))

    tst = pl.pallas_call(
        _tstat_body,
        grid=(NBLK,),
        in_specs=[gp_spec, p16_spec, cst(16, 16), cst(1, 16)],
        out_specs=cst(8, 16),
        out_shape=sds((8, 16), F32),
        compiler_params=_seq(),
    )(gp, p16, wp1p, bp1p)
    mt = tst[0, 0:3] / E
    vt = tst[1, 0:3] / E - mt * mt
    scp = g_p / jnp.sqrt(vt + EPS)
    shp = be_p - mt * scp
    sp16 = jnp.zeros((1, 16), F32).at[0, 0:3].set(scp)
    hp16 = jnp.zeros((1, 16), F32).at[0, 0:3].set(shp)

    wst = pl.pallas_call(
        _wstat_body,
        grid=(NBLK,),
        in_specs=[gc_spec, gp_spec, p16_spec, xq_spec,
                  cst(16, 16), cst(1, 16), cst(1, 16), cst(1, 16),
                  cst(16, C), cst(1, C)],
        out_specs=cst(8, C),
        out_shape=sds((8, C), F32),
        compiler_params=_seq(),
    )(gxk, gp, p16, xq_, wp1p, bp1p, sp16, hp16, wp2p, bp2r)
    mw = wst[0] / E
    vw = wst[1] / E - mw * mw
    scw = (g_w1 / jnp.sqrt(vw + EPS))[None]
    shw = (be_w1 - mw * g_w1 / jnp.sqrt(vw + EPS))[None]

    u, ust = pl.pallas_call(
        _u_body,
        grid=(NBLK,),
        in_specs=[gc_spec, gp_spec, p16_spec, xq_spec,
                  cst(16, 16), cst(1, 16), cst(1, 16), cst(1, 16),
                  cst(16, C), cst(1, C),
                  cst(1, C), cst(1, C), cst(C, CW), cst(1, CW)],
        out_specs=[pl.BlockSpec((BE, CW), lambda i: (i, 0)), cst(8, CW)],
        out_shape=[sds((E, CW), F32), sds((8, CW), F32)],
        compiler_params=_seq(),
    )(gxk, gp, p16, xq_, wp1p, bp1p, sp16, hp16, wp2p, bp2r,
      scw, shw, Ww1, bw1[None])
    mu = ust[0] / E
    vu = ust[1] / E - mu * mu
    scu = (g_w2 / jnp.sqrt(vu + EPS))[None]
    shu = (be_w2 - mu * g_w2 / jnp.sqrt(vu + EPS))[None]

    out = pl.pallas_call(
        _out_body,
        grid=(NBLK,),
        in_specs=[pl.BlockSpec((BE, CW), lambda i: (i, 0)),
                  gc_spec, gp_spec, p16_spec,
                  cst(16, 16), cst(1, 16), cst(1, 16), cst(1, 16),
                  cst(16, C), cst(1, C),
                  cst(1, CW), cst(1, CW), cst(CW, CW), cst(1, CW)],
        out_specs=pl.BlockSpec((BQ, C), lambda i: (i, 0)),
        out_shape=sds((N, C), F32),
        compiler_params=_seq(),
    )(u, gxv, gp, p16, wp1p, bp1p, sp16, hp16, wp2p, bp2r,
      scu, shu, Ww2, bw2[None])
    return out

# --- scband reference (transcript-rebuilt; emitter-appended) ---
"""Pipeline reference for scband-transformer-9242769621769 (READ-ONLY COPY).

The authoritative reference and input builder live on the scoring server;
editing this copy changes nothing except your own understanding.
"""

import jax, jax.numpy as jnp
import numpy as np

N = 10000
NSAMPLE = 16
C_IN = 128
C_OUT = 128
MID = 128
SHARE = 8


def knn_idx(p, nsample, chunk=1000):
    # brute-force kNN (includes self, like pointops.knnquery), chunked over queries
    def chunk_fn(pq):
        d = jnp.sum((pq[:, None, :] - p[None, :, :]) ** 2, axis=-1)
        _, idx = jax.lax.top_k(-d, nsample)
        return idx
    idx = jax.lax.map(chunk_fn, p.reshape(-1, chunk, 3))
    return idx.reshape(-1, nsample)


def bn_train(x_ncl, gamma, beta, eps=1e-5):
    # BatchNorm1d on [n, C, L] input, training-mode batch statistics (torch default)
    mean = x_ncl.mean(axis=(0, 2), keepdims=True)
    var = x_ncl.var(axis=(0, 2), keepdims=True)
    return (x_ncl - mean) / jnp.sqrt(var + eps) * gamma[None, :, None] + beta[None, :, None]


def _transformer_fwd(p, x, idx, params):
    (Wq, bq, Wk, bk, Wv, bv, Wp1, bp1, g_p, be_p, Wp2, bp2,
     g_w1, be_w1, Ww1, bw1, g_w2, be_w2, Ww2, bw2) = params
    x_q = x @ Wq + bq
    x_k = x @ Wk + bk
    x_v = x @ Wv + bv
    # pointops.queryandgroup: gather neighbors; use_xyz=True prepends relative coords
    p_r = p[idx] - p[:, None, :]        # [N, ns, 3]   (x_k[:, :, 0:3] in torch code)
    x_k = x_k[idx]                      # [N, ns, MID] (x_k[:, :, 3:])
    x_v = x_v[idx]                      # [N, ns, C_OUT] (use_xyz=False)
    # linear_p: Linear(3,3) -> BN(3) (on transposed) -> ReLU -> Linear(3, C_OUT)
    t = p_r @ Wp1 + bp1
    t = jnp.transpose(bn_train(jnp.transpose(t, (0, 2, 1)), g_p, be_p), (0, 2, 1))
    t = jax.nn.relu(t)
    pe = t @ Wp2 + bp2                  # [N, ns, C_OUT]
    # p_r.view(n, ns, C_OUT//MID, MID).sum(2) == pe since C_OUT//MID == 1
    w = x_k - x_q[:, None, :] + pe
    # linear_w: BN(MID) -> ReLU -> Linear(MID, MID//s) -> BN -> ReLU -> Linear
    w = jnp.transpose(bn_train(jnp.transpose(w, (0, 2, 1)), g_w1, be_w1), (0, 2, 1))
    w = jax.nn.relu(w)
    w = w @ Ww1 + bw1
    w = jnp.transpose(bn_train(jnp.transpose(w, (0, 2, 1)), g_w2, be_w2), (0, 2, 1))
    w = jax.nn.relu(w)
    w = w @ Ww2 + bw2
    w = jax.nn.softmax(w, axis=1)       # softmax over nsample dim
    n, ns, c = x_v.shape
    s = SHARE
    out = ((x_v + pe).reshape(n, ns, s, c // s) * w[:, :, None, :]).sum(axis=1).reshape(n, c)
    return out


def setup_inputs(seed: int = 0):
    key = jax.random.key(seed)
    ks = jax.random.split(key, 16)
    sd = 0.05
    inp = {}
    inp["p"] = jax.random.uniform(ks[0], (N, 3), jnp.float32) * 10.0
    inp["x"] = jax.random.normal(ks[1], (N, C_IN), jnp.float32)
    inp["o"] = jnp.array([N], dtype=jnp.int32)
    inp["Wq"] = jax.random.normal(ks[2], (C_IN, MID), jnp.float32) * sd
    inp["bq"] = jnp.zeros((MID,), jnp.float32)
    inp["Wk"] = jax.random.normal(ks[3], (C_IN, MID), jnp.float32) * sd
    inp["bk"] = jnp.zeros((MID,), jnp.float32)
    inp["Wv"] = jax.random.normal(ks[4], (C_IN, C_OUT), jnp.float32) * sd
    inp["bv"] = jnp.zeros((C_OUT,), jnp.float32)
    inp["Wp1"] = jax.random.normal(ks[5], (3, 3), jnp.float32) * 0.3
    inp["bp1"] = jnp.zeros((3,), jnp.float32)
    inp["g_p"] = jnp.ones((3,), jnp.float32)
    inp["be_p"] = jnp.zeros((3,), jnp.float32)
    inp["Wp2"] = jax.random.normal(ks[6], (3, C_OUT), jnp.float32) * 0.3
    inp["bp2"] = jnp.zeros((C_OUT,), jnp.float32)
    inp["g_w1"] = jnp.ones((MID,), jnp.float32)
    inp["be_w1"] = jnp.zeros((MID,), jnp.float32)
    inp["Ww1"] = jax.random.normal(ks[7], (MID, MID // SHARE), jnp.float32) * sd
    inp["bw1"] = jnp.zeros((MID // SHARE,), jnp.float32)
    inp["g_w2"] = jnp.ones((MID // SHARE,), jnp.float32)
    inp["be_w2"] = jnp.zeros((MID // SHARE,), jnp.float32)
    inp["Ww2"] = jax.random.normal(ks[8], (C_OUT // SHARE, C_OUT // SHARE), jnp.float32) * sd
    inp["bw2"] = jnp.zeros((C_OUT // SHARE,), jnp.float32)
    return inp


def reference(p, x, o, Wq, bq, Wk, bk, Wv, bv, Wp1, bp1, g_p, be_p, Wp2, bp2,
              g_w1, be_w1, Ww1, bw1, g_w2, be_w2, Ww2, bw2):
    # o is the batch offset vector; single batch here (o == [N]) so kNN is global
    idx = knn_idx(p, NSAMPLE)
    params = (Wq, bq, Wk, bk, Wv, bv, Wp1, bp1, g_p, be_p, Wp2, bp2,
              g_w1, be_w1, Ww1, bw1, g_w2, be_w2, Ww2, bw2)
    return _transformer_fwd(p, x, idx, params)

if __name__ == "__main__":
    import jax
    _d = setup_inputs()
    print(jax.jit(kernel)(*tuple(_d.values())))

</pallas_src>

<mosaic_0001>
#map = affine_map<(d0, d1) -> (0, 0)>
#map1 = affine_map<(d0, d1) -> (0)>
module attributes {stable_mosaic.version = 14 : i64} {
  func.func @_sc_gather_body(%arg0: i32, %arg1: i32, %arg2: memref<10000x128xf32, #tpu.memory_space<hbm>>, %arg3: memref<10000x128xf32, #tpu.memory_space<hbm>>, %arg4: memref<10000x16xf32, #tpu.memory_space<hbm>>, %arg5: memref<160000xi32, #tpu.memory_space<hbm>>, %arg6: memref<160000x128xf32, #tpu.memory_space<hbm>>, %arg7: memref<160000x128xf32, #tpu.memory_space<hbm>>, %arg8: memref<160000x16xf32, #tpu.memory_space<hbm>>, %arg9: memref<128xi32, #tpu.memory_space<vmem>>, %arg10: memref<8xi32, #tpu.memory_space<vmem>>, %arg11: memref<128x128xf32, #tpu.memory_space<vmem>>, %arg12: memref<128x128xf32, #tpu.memory_space<vmem>>, %arg13: memref<128x16xf32, #tpu.memory_space<vmem>>, %arg14: memref<8x128xf32, #tpu.memory_space<vmem>>, %arg15: memref<8x128xf32, #tpu.memory_space<vmem>>, %arg16: memref<8x16xf32, #tpu.memory_space<vmem>>, %arg17: memref<!tpu.dma_semaphore, #tpu.memory_space<semaphore_mem>>) attributes {dimension_semantics = [#tpu.dimension_semantics<core_parallel>, #tpu.dimension_semantics<subcore_parallel>], iteration_bounds = array<i64: 2, 16>, scalar_prefetch = 0 : i64, scratch_operands = 9 : i64, tpu.core_type = #tpu.core_type<sc_vector_subcore>, window_params = [{transform_indices = #map}, {transform_indices = #map}, {transform_indices = #map}, {transform_indices = #map1}, {transform_indices = #map}, {transform_indices = #map}, {transform_indices = #map}]} {
    %mul3A = arith.constant 2 : i32
    %mul3A_0 = arith.muli %arg1, %mul3A : i32
    %add3A = arith.addi %mul3A_0, %arg0 : i32
    %mul3A_1 = arith.constant 5000 : i32
    %mul3A_2 = arith.muli %add3A, %mul3A_1 : i32
    %scan3A = arith.constant 0 : i32
    %scan3A_3 = arith.constant 0 : i32
    %scan3A_4 = arith.constant 39 : i32
    %scan3A_5 = arith.addi %scan3A_3, %scan3A_4 : i32
    %scan3A_6 = arith.constant 1 : i32
    scf.for %scan3A_26 = %scan3A_3 to %scan3A_5 step %scan3A_6  : i32 {
      %mul3A_27 = arith.constant 128 : i32
      %mul3A_28 = arith.muli %scan3A_26, %mul3A_27 : i32
      %add3A_29 = arith.addi %mul3A_2, %mul3A_28 : i32
      "tpu.region"() ({
        %run_scoped3A = tpu.sem_alloc : memref<!tpu.dma_semaphore, #tpu.memory_space<semaphore_mem>>
        %dma_start3A_48 = tpu.memref_slice %arg5[%add3A_29] : memref<160000xi32, #tpu.memory_space<hbm>> -> memref<128xi32, #tpu.memory_space<hbm>>
        %dma_start3A_49 = tpu.memref_slice %arg5[%add3A_29] : memref<160000xi32, #tpu.memory_space<hbm>> -> memref<128xi32, #tpu.memory_space<hbm>>
        tpu.enqueue_dma source(%dma_start3A_49 : memref<128xi32, #tpu.memory_space<hbm>>) target(%arg9 : memref<128xi32, #tpu.memory_space<vmem>>) target_semaphore(%run_scoped3A : memref<!tpu.dma_semaphore, #tpu.memory_space<semaphore_mem>>)
        %dma_wait3A_50 = tpu.memref_slice %arg5[%add3A_29] : memref<160000xi32, #tpu.memory_space<hbm>> -> memref<128xi32, #tpu.memory_space<hbm>>
        %dma_wait3A_51 = tpu.memref_slice %arg5[%add3A_29] : memref<160000xi32, #tpu.memory_space<hbm>> -> memref<128xi32, #tpu.memory_space<hbm>>
        tpu.wait_dma2 semaphore(%run_scoped3A : memref<!tpu.dma_semaphore, #tpu.memory_space<semaphore_mem>>) src(%dma_wait3A_51 : memref<128xi32, #tpu.memory_space<hbm>>) dst(%arg9 : memref<128xi32, #tpu.memory_space<vmem>>)
        tpu.yield
      }) : () -> ()
      %dma_start3A_30 = arith.constant 0 : i32
      %dma_start3A_31 = arith.constant 0 : i32
      %dma_start3A_32 = tpu.memref_slice %arg2[%dma_start3A_30, %dma_start3A_31] : memref<10000x128xf32, #tpu.memory_space<hbm>> -> memref<10000x128xf32, #tpu.memory_space<hbm>>
      tpu.enqueue_indirect_dma source(%dma_start3A_32 : memref<10000x128xf32, #tpu.memory_space<hbm>>) target(%arg11 : memref<128x128xf32, #tpu.memory_space<vmem>>) offsets(%arg9 : memref<128xi32, #tpu.memory_space<vmem>>) semaphore(%arg17 : memref<!tpu.dma_semaphore, #tpu.memory_space<semaphore_mem>>)
      %dma_wait3A_33 = arith.constant 0 : i32
      %dma_wait3A_34 = arith.constant 0 : i32
      %dma_wait3A_35 = tpu.memref_slice %arg2[%dma_wait3A_33, %dma_wait3A_34] : memref<10000x128xf32, #tpu.memory_space<hbm>> -> memref<10000x128xf32, #tpu.memory_space<hbm>>
      tpu.wait_indirect_dma semaphore(%arg17 : memref<!tpu.dma_semaphore, #tpu.memory_space<semaphore_mem>>) src(%dma_wait3A_35 : memref<10000x128xf32, #tpu.memory_space<hbm>>) dst(%arg11 : memref<128x128xf32, #tpu.memory_space<vmem>>)
      "tpu.region"() ({
        %run_scoped3A = tpu.sem_alloc : memref<!tpu.dma_semaphore, #tpu.memory_space<semaphore_mem>>
        %dma_start3A_48 = arith.constant 0 : i32
        %dma_start3A_49 = tpu.memref_slice %arg6[%add3A_29, %dma_start3A_48] : memref<160000x128xf32, #tpu.memory_space<hbm>> -> memref<128x128xf32, #tpu.memory_space<hbm>>
        %dma_start3A_50 = arith.constant 0 : i32
        %dma_start3A_51 = tpu.memref_slice %arg6[%add3A_29, %dma_start3A_50] : memref<160000x128xf32, #tpu.memory_space<hbm>> -> memref<128x128xf32, #tpu.memory_space<hbm>>
        tpu.enqueue_dma source(%arg11 : memref<128x128xf32, #tpu.memory_space<vmem>>) target(%dma_start3A_51 : memref<128x128xf32, #tpu.memory_space<hbm>>) target_semaphore(%run_scoped3A : memref<!tpu.dma_semaphore, #tpu.memory_space<semaphore_mem>>)
        %dma_wait3A_52 = arith.constant 0 : i32
        %dma_wait3A_53 = tpu.memref_slice %arg6[%add3A_29, %dma_wait3A_52] : memref<160000x128xf32, #tpu.memory_space<hbm>> -> memref<128x128xf32, #tpu.memory_space<hbm>>
        %dma_wait3A_54 = arith.constant 0 : i32
        %dma_wait3A_55 = tpu.memref_slice %arg6[%add3A_29, %dma_wait3A_54] : memref<160000x128xf32, #tpu.memory_space<hbm>> -> memref<128x128xf32, #tpu.memory_space<hbm>>
        tpu.wait_dma2 semaphore(%run_scoped3A : memref<!tpu.dma_semaphore, #tpu.memory_space<semaphore_mem>>) src(%arg11 : memref<128x128xf32, #tpu.memory_space<vmem>>) dst(%dma_wait3A_55 : memref<128x128xf32, #tpu.memory_space<hbm>>)
        tpu.yield
      }) : () -> ()
      %dma_start3A_36 = arith.constant 0 : i32
      %dma_start3A_37 = arith.constant 0 : i32
      %dma_start3A_38 = tpu.memref_slice %arg3[%dma_start3A_36, %dma_start3A_37] : memref<10000x128xf32, #tpu.memory_space<hbm>> -> memref<10000x128xf32, #tpu.memory_space<hbm>>
      tpu.enqueue_indirect_dma source(%dma_start3A_38 : memref<10000x128xf32, #tpu.memory_space<hbm>>) target(%arg12 : memref<128x128xf32, #tpu.memory_space<vmem>>) offsets(%arg9 : memref<128xi32, #tpu.memory_space<vmem>>) semaphore(%arg17 : memref<!tpu.dma_semaphore, #tpu.memory_space<semaphore_mem>>)
      %dma_wait3A_39 = arith.constant 0 : i32
      %dma_wait3A_40 = arith.constant 0 : i32
      %dma_wait3A_41 = tpu.memref_slice %arg3[%dma_wait3A_39, %dma_wait3A_40] : memref<10000x128xf32, #tpu.memory_space<hbm>> -> memref<10000x128xf32, #tpu.memory_space<hbm>>
      tpu.wait_indirect_dma semaphore(%arg17 : memref<!tpu.dma_semaphore, #tpu.memory_space<semaphore_mem>>) src(%dma_wait3A_41 : memref<10000x128xf32, #tpu.memory_space<hbm>>) dst(%arg12 : memref<128x128xf32, #tpu.memory_space<vmem>>)
      "tpu.region"() ({
        %run_scoped3A = tpu.sem_alloc : memref<!tpu.dma_semaphore, #tpu.memory_space<semaphore_mem>>
        %dma_start3A_48 = arith.constant 0 : i32
        %dma_start3A_49 = tpu.memref_slice %arg7[%add3A_29, %dma_start3A_48] : memref<160000x128xf32, #tpu.memory_space<hbm>> -> memref<128x128xf32, #tpu.memory_space<hbm>>
        %dma_start3A_50 = arith.constant 0 : i32
        %dma_start3A_51 = tpu.memref_slice %arg7[%add3A_29, %dma_start3A_50] : memref<160000x128xf32, #tpu.memory_space<hbm>> -> memref<128x128xf32, #tpu.memory_space<hbm>>
        tpu.enqueue_dma source(%arg12 : memref<128x128xf32, #tpu.memory_space<vmem>>) target(%dma_start3A_51 : memref<128x128xf32, #tpu.memory_space<hbm>>) target_semaphore(%run_scoped3A : memref<!tpu.dma_semaphore, #tpu.memory_space<semaphore_mem>>)
        %dma_wait3A_52 = arith.constant 0 : i32
        %dma_wait3A_53 = tpu.memref_slice %arg7[%add3A_29, %dma_wait3A_52] : memref<160000x128xf32, #tpu.memory_space<hbm>> -> memref<128x128xf32, #tpu.memory_space<hbm>>
        %dma_wait3A_54 = arith.constant 0 : i32
        %dma_wait3A_55 = tpu.memref_slice %arg7[%add3A_29, %dma_wait3A_54] : memref<160000x128xf32, #tpu.memory_space<hbm>> -> memref<128x128xf32, #tpu.memory_space<hbm>>
        tpu.wait_dma2 semaphore(%run_scoped3A : memref<!tpu.dma_semaphore, #tpu.memory_space<semaphore_mem>>) src(%arg12 : memref<128x128xf32, #tpu.memory_space<vmem>>) dst(%dma_wait3A_55 : memref<128x128xf32, #tpu.memory_space<hbm>>)
        tpu.yield
      }) : () -> ()
      %dma_start3A_42 = arith.constant 0 : i32
      %dma_start3A_43 = arith.constant 0 : i32
      %dma_start3A_44 = tpu.memref_slice %arg4[%dma_start3A_42, %dma_start3A_43] : memref<10000x16xf32, #tpu.memory_space<hbm>> -> memref<10000x16xf32, #tpu.memory_space<hbm>>
      tpu.enqueue_indirect_dma source(%dma_start3A_44 : memref<10000x16xf32, #tpu.memory_space<hbm>>) target(%arg13 : memref<128x16xf32, #tpu.memory_space<vmem>>) offsets(%arg9 : memref<128xi32, #tpu.memory_space<vmem>>) semaphore(%arg17 : memref<!tpu.dma_semaphore, #tpu.memory_space<semaphore_mem>>)
      %dma_wait3A_45 = arith.constant 0 : i32
      %dma_wait3A_46 = arith.constant 0 : i32
      %dma_wait3A_47 = tpu.memref_slice %arg4[%dma_wait3A_45, %dma_wait3A_46] : memref<10000x16xf32, #tpu.memory_space<hbm>> -> memref<10000x16xf32, #tpu.memory_space<hbm>>
      tpu.wait_indirect_dma semaphore(%arg17 : memref<!tpu.dma_semaphore, #tpu.memory_space<semaphore_mem>>) src(%dma_wait3A_47 : memref<10000x16xf32, #tpu.memory_space<hbm>>) dst(%arg13 : memref<128x16xf32, #tpu.memory_space<vmem>>)
      "tpu.region"() ({
        %run_scoped3A = tpu.sem_alloc : memref<!tpu.dma_semaphore, #tpu.memory_space<semaphore_mem>>
        %dma_start3A_48 = arith.constant 0 : i32
        %dma_start3A_49 = tpu.memref_slice %arg8[%add3A_29, %dma_start3A_48] : memref<160000x16xf32, #tpu.memory_space<hbm>> -> memref<128x16xf32, #tpu.memory_space<hbm>>
        %dma_start3A_50 = arith.constant 0 : i32
        %dma_start3A_51 = tpu.memref_slice %arg8[%add3A_29, %dma_start3A_50] : memref<160000x16xf32, #tpu.memory_space<hbm>> -> memref<128x16xf32, #tpu.memory_space<hbm>>
        tpu.enqueue_dma source(%arg13 : memref<128x16xf32, #tpu.memory_space<vmem>>) target(%dma_start3A_51 : memref<128x16xf32, #tpu.memory_space<hbm>>) target_semaphore(%run_scoped3A : memref<!tpu.dma_semaphore, #tpu.memory_space<semaphore_mem>>)
        %dma_wait3A_52 = arith.constant 0 : i32
        %dma_wait3A_53 = tpu.memref_slice %arg8[%add3A_29, %dma_wait3A_52] : memref<160000x16xf32, #tpu.memory_space<hbm>> -> memref<128x16xf32, #tpu.memory_space<hbm>>
        %dma_wait3A_54 = arith.constant 0 : i32
        %dma_wait3A_55 = tpu.memref_slice %arg8[%add3A_29, %dma_wait3A_54] : memref<160000x16xf32, #tpu.memory_space<hbm>> -> memref<128x16xf32, #tpu.memory_space<hbm>>
        tpu.wait_dma2 semaphore(%run_scoped3A : memref<!tpu.dma_semaphore, #tpu.memory_space<semaphore_mem>>) src(%arg13 : memref<128x16xf32, #tpu.memory_space<vmem>>) dst(%dma_wait3A_55 : memref<128x16xf32, #tpu.memory_space<hbm>>)
        tpu.yield
      }) : () -> ()
    }
    %scan3A_7 = arith.constant 39 : i32
    %add3A_8 = arith.constant 4992 : i32
    %add3A_9 = arith.addi %mul3A_2, %add3A_8 : i32
    "tpu.region"() ({
      %run_scoped3A = tpu.sem_alloc : memref<!tpu.dma_semaphore, #tpu.memory_space<semaphore_mem>>
      %dma_start3A_26 = tpu.memref_slice %arg5[%add3A_9] : memref<160000xi32, #tpu.memory_space<hbm>> -> memref<8xi32, #tpu.memory_space<hbm>>
      %dma_start3A_27 = tpu.memref_slice %arg5[%add3A_9] : memref<160000xi32, #tpu.memory_space<hbm>> -> memref<8xi32, #tpu.memory_space<hbm>>
      tpu.enqueue_dma source(%dma_start3A_27 : memref<8xi32, #tpu.memory_space<hbm>>) target(%arg10 : memref<8xi32, #tpu.memory_space<vmem>>) target_semaphore(%run_scoped3A : memref<!tpu.dma_semaphore, #tpu.memory_space<semaphore_mem>>)
      %dma_wait3A_28 = tpu.memref_slice %arg5[%add3A_9] : memref<160000xi32, #tpu.memory_space<hbm>> -> memref<8xi32, #tpu.memory_space<hbm>>
      %dma_wait3A_29 = tpu.memref_slice %arg5[%add3A_9] : memref<160000xi32, #tpu.memory_space<hbm>> -> memref<8xi32, #tpu.memory_space<hbm>>
      tpu.wait_dma2 semaphore(%run_scoped3A : memref<!tpu.dma_semaphore, #tpu.memory_space<semaphore_mem>>) src(%dma_wait3A_29 : memref<8xi32, #tpu.memory_space<hbm>>) dst(%arg10 : memref<8xi32, #tpu.memory_space<vmem>>)
      tpu.yield
    }) : () -> ()
    %dma_start3A = arith.constant 0 : i32
    %dma_start3A_10 = arith.constant 0 : i32
    %dma_start3A_11 = tpu.memref_slice %arg2[%dma_start3A, %dma_start3A_10] : memref<10000x128xf32, #tpu.memory_space<hbm>> -> memref<10000x128xf32, #tpu.memory_space<hbm>>
    tpu.enqueue_indirect_dma source(%dma_start3A_11 : memref<10000x128xf32, #tpu.memory_space<hbm>>) target(%arg14 : memref<8x128xf32, #tpu.memory_space<vmem>>) offsets(%arg10 : memref<8xi32, #tpu.memory_space<vmem>>) semaphore(%arg17 : memref<!tpu.dma_semaphore, #tpu.memory_space<semaphore_mem>>)
    %dma_wait3A = arith.constant 0 : i32
    %dma_wait3A_12 = arith.constant 0 : i32
    %dma_wait3A_13 = tpu.memref_slice %arg2[%dma_wait3A, %dma_wait3A_12] : memref<10000x128xf32, #tpu.memory_space<hbm>> -> memref<10000x128xf32, #tpu.memory_space<hbm>>
    tpu.wait_indirect_dma semaphore(%arg17 : memref<!tpu.dma_semaphore, #tpu.memory_space<semaphore_mem>>) src(%dma_wait3A_13 : memref<10000x128xf32, #tpu.memory_space<hbm>>) dst(%arg14 : memref<8x128xf32, #tpu.memory_space<vmem>>)
    "tpu.region"() ({
      %run_scoped3A = tpu.sem_alloc : memref<!tpu.dma_semaphore, #tpu.memory_space<semaphore_mem>>
      %dma_start3A_26 = arith.constant 0 : i32
      %dma_start3A_27 = tpu.memref_slice %arg6[%add3A_9, %dma_start3A_26] : memref<160000x128xf32, #tpu.memory_space<hbm>> -> memref<8x128xf32, #tpu.memory_space<hbm>>
      %dma_start3A_28 = arith.constant 0 : i32
      %dma_start3A_29 = tpu.memref_slice %arg6[%add3A_9, %dma_start3A_28] : memref<160000x128xf32, #tpu.memory_space<hbm>> -> memref<8x128xf32, #tpu.memory_space<hbm>>
      tpu.enqueue_dma source(%arg14 : memref<8x128xf32, #tpu.memory_space<vmem>>) target(%dma_start3A_29 : memref<8x128xf32, #tpu.memory_space<hbm>>) target_semaphore(%run_scoped3A : memref<!tpu.dma_semaphore, #tpu.memory_space<semaphore_mem>>)
      %dma_wait3A_30 = arith.constant 0 : i32
      %dma_wait3A_31 = tpu.memref_slice %arg6[%add3A_9, %dma_wait3A_30] : memref<160000x128xf32, #tpu.memory_space<hbm>> -> memref<8x128xf32, #tpu.memory_space<hbm>>
      %dma_wait3A_32 = arith.constant 0 : i32
      %dma_wait3A_33 = tpu.memref_slice %arg6[%add3A_9, %dma_wait3A_32] : memref<160000x128xf32, #tpu.memory_space<hbm>> -> memref<8x128xf32, #tpu.memory_space<hbm>>
      tpu.wait_dma2 semaphore(%run_scoped3A : memref<!tpu.dma_semaphore, #tpu.memory_space<semaphore_mem>>) src(%arg14 : memref<8x128xf32, #tpu.memory_space<vmem>>) dst(%dma_wait3A_33 : memref<8x128xf32, #tpu.memory_space<hbm>>)
      tpu.yield
    }) : () -> ()
    %dma_start3A_14 = arith.constant 0 : i32
    %dma_start3A_15 = arith.constant 0 : i32
    %dma_start3A_16 = tpu.memref_slice %arg3[%dma_start3A_14, %dma_start3A_15] : memref<10000x128xf32, #tpu.memory_space<hbm>> -> memref<10000x128xf32, #tpu.memory_space<hbm>>
    tpu.enqueue_indirect_dma source(%dma_start3A_16 : memref<10000x128xf32, #tpu.memory_space<hbm>>) target(%arg15 : memref<8x128xf32, #tpu.memory_space<vmem>>) offsets(%arg10 : memref<8xi32, #tpu.memory_space<vmem>>) semaphore(%arg17 : memref<!tpu.dma_semaphore, #tpu.memory_space<semaphore_mem>>)
    %dma_wait3A_17 = arith.constant 0 : i32
    %dma_wait3A_18 = arith.constant 0 : i32
    %dma_wait3A_19 = tpu.memref_slice %arg3[%dma_wait3A_17, %dma_wait3A_18] : memref<10000x128xf32, #tpu.memory_space<hbm>> -> memref<10000x128xf32, #tpu.memory_space<hbm>>
    tpu.wait_indirect_dma semaphore(%arg17 : memref<!tpu.dma_semaphore, #tpu.memory_space<semaphore_mem>>) src(%dma_wait3A_19 : memref<10000x128xf32, #tpu.memory_space<hbm>>) dst(%arg15 : memref<8x128xf32, #tpu.memory_space<vmem>>)
    "tpu.region"() ({
      %run_scoped3A = tpu.sem_alloc : memref<!tpu.dma_semaphore, #tpu.memory_space<semaphore_mem>>
      %dma_start3A_26 = arith.constant 0 : i32
      %dma_start3A_27 = tpu.memref_slice %arg7[%add3A_9, %dma_start3A_26] : memref<160000x128xf32, #tpu.memory_space<hbm>> -> memref<8x128xf32, #tpu.memory_space<hbm>>
      %dma_start3A_28 = arith.constant 0 : i32
      %dma_start3A_29 = tpu.memref_slice %arg7[%add3A_9, %dma_start3A_28] : memref<160000x128xf32, #tpu.memory_space<hbm>> -> memref<8x128xf32, #tpu.memory_space<hbm>>
      tpu.enqueue_dma source(%arg15 : memref<8x128xf32, #tpu.memory_space<vmem>>) target(%dma_start3A_29 : memref<8x128xf32, #tpu.memory_space<hbm>>) target_semaphore(%run_scoped3A : memref<!tpu.dma_semaphore, #tpu.memory_space<semaphore_mem>>)
      %dma_wait3A_30 = arith.constant 0 : i32
      %dma_wait3A_31 = tpu.memref_slice %arg7[%add3A_9, %dma_wait3A_30] : memref<160000x128xf32, #tpu.memory_space<hbm>> -> memref<8x128xf32, #tpu.memory_space<hbm>>
      %dma_wait3A_32 = arith.constant 0 : i32
      %dma_wait3A_33 = tpu.memref_slice %arg7[%add3A_9, %dma_wait3A_32] : memref<160000x128xf32, #tpu.memory_space<hbm>> -> memref<8x128xf32, #tpu.memory_space<hbm>>
      tpu.wait_dma2 semaphore(%run_scoped3A : memref<!tpu.dma_semaphore, #tpu.memory_space<semaphore_mem>>) src(%arg15 : memref<8x128xf32, #tpu.memory_space<vmem>>) dst(%dma_wait3A_33 : memref<8x128xf32, #tpu.memory_space<hbm>>)
      tpu.yield
    }) : () -> ()
    %dma_start3A_20 = arith.constant 0 : i32
    %dma_start3A_21 = arith.constant 0 : i32
    %dma_start3A_22 = tpu.memref_slice %arg4[%dma_start3A_20, %dma_start3A_21] : memref<10000x16xf32, #tpu.memory_space<hbm>> -> memref<10000x16xf32, #tpu.memory_space<hbm>>
    tpu.enqueue_indirect_dma source(%dma_start3A_22 : memref<10000x16xf32, #tpu.memory_space<hbm>>) target(%arg16 : memref<8x16xf32, #tpu.memory_space<vmem>>) offsets(%arg10 : memref<8xi32, #tpu.memory_space<vmem>>) semaphore(%arg17 : memref<!tpu.dma_semaphore, #tpu.memory_space<semaphore_mem>>)
    %dma_wait3A_23 = arith.constant 0 : i32
    %dma_wait3A_24 = arith.constant 0 : i32
    %dma_wait3A_25 = tpu.memref_slice %arg4[%dma_wait3A_23, %dma_wait3A_24] : memref<10000x16xf32, #tpu.memory_space<hbm>> -> memref<10000x16xf32, #tpu.memory_space<hbm>>
    tpu.wait_indirect_dma semaphore(%arg17 : memref<!tpu.dma_semaphore, #tpu.memory_space<semaphore_mem>>) src(%dma_wait3A_25 : memref<10000x16xf32, #tpu.memory_space<hbm>>) dst(%arg16 : memref<8x16xf32, #tpu.memory_space<vmem>>)
    "tpu.region"() ({
      %run_scoped3A = tpu.sem_alloc : memref<!tpu.dma_semaphore, #tpu.memory_space<semaphore_mem>>
      %dma_start3A_26 = arith.constant 0 : i32
      %dma_start3A_27 = tpu.memref_slice %arg8[%add3A_9, %dma_start3A_26] : memref<160000x16xf32, #tpu.memory_space<hbm>> -> memref<8x16xf32, #tpu.memory_space<hbm>>
      %dma_start3A_28 = arith.constant 0 : i32
      %dma_start3A_29 = tpu.memref_slice %arg8[%add3A_9, %dma_start3A_28] : memref<160000x16xf32, #tpu.memory_space<hbm>> -> memref<8x16xf32, #tpu.memory_space<hbm>>
      tpu.enqueue_dma source(%arg16 : memref<8x16xf32, #tpu.memory_space<vmem>>) target(%dma_start3A_29 : memref<8x16xf32, #tpu.memory_space<hbm>>) target_semaphore(%run_scoped3A : memref<!tpu.dma_semaphore, #tpu.memory_space<semaphore_mem>>)
      %dma_wait3A_30 = arith.constant 0 : i32
      %dma_wait3A_31 = tpu.memref_slice %arg8[%add3A_9, %dma_wait3A_30] : memref<160000x16xf32, #tpu.memory_space<hbm>> -> memref<8x16xf32, #tpu.memory_space<hbm>>
      %dma_wait3A_32 = arith.constant 0 : i32
      %dma_wait3A_33 = tpu.memref_slice %arg8[%add3A_9, %dma_wait3A_32] : memref<160000x16xf32, #tpu.memory_space<hbm>> -> memref<8x16xf32, #tpu.memory_space<hbm>>
      tpu.wait_dma2 semaphore(%run_scoped3A : memref<!tpu.dma_semaphore, #tpu.memory_space<semaphore_mem>>) src(%arg16 : memref<8x16xf32, #tpu.memory_space<vmem>>) dst(%dma_wait3A_33 : memref<8x16xf32, #tpu.memory_space<hbm>>)
      tpu.yield
    }) : () -> ()
    return
  }
}

module attributes {stable_mosaic.version = 14 : i64} {
  func.func @_knn_body(%arg0: i32, %arg1: memref<128x8xf32, #tpu.memory_space<vmem>>, %arg2: memref<8x10240xf32, #tpu.memory_space<vmem>>, %arg3: memref<128x16xi32, #tpu.memory_space<vmem>>) attributes {dimension_semantics = [#tpu.dimension_semantics<arbitrary>], iteration_bounds = array<i64: 80>, scalar_prefetch = 0 : i64, scratch_operands = 0 : i64, tpu.core_type = #tpu.core_type<tc>, window_params = [{transform_indices = @transform_0, window_bounds = array<i64: 128, 8>}, {pipeline_mode = #tpu.pipeline_mode<synchronous>, transform_indices = @transform_1, window_bounds = array<i64: 8, 10240>}, {transform_indices = @transform_2, window_bounds = array<i64: 128, 16>}]} {
    %get3A = arith.constant 0 : index
    %get3A_0 = arith.constant 0 : index
    %get3A_1 = vector.load %arg1[%get3A, %get3A_0] : memref<128x8xf32, #tpu.memory_space<vmem>>, vector<128x8xf32>
    %get3A_2 = arith.constant 0 : index
    %get3A_3 = arith.constant 0 : index
    %get3A_4 = vector.load %arg2[%get3A_2, %get3A_3] : memref<8x10240xf32, #tpu.memory_space<vmem>>, vector<8x10240xf32>
    %slice3A = vector.extract_strided_slice %get3A_1 {offsets = [0, 0], sizes = [128, 1], strides = [1, 1]} : vector<128x8xf32> to vector<128x1xf32>
    %slice3A_5 = vector.extract_strided_slice %get3A_4 {offsets = [0, 0], sizes = [1, 10240], strides = [1, 1]} : vector<8x10240xf32> to vector<1x10240xf32>
    %sub3A = vector.broadcast %slice3A : vector<128x1xf32> to vector<128x10240xf32>
    %sub3A_6 = vector.broadcast %slice3A_5 : vector<1x10240xf32> to vector<128x10240xf32>
    %sub3A_7 = arith.subf %sub3A, %sub3A_6 : vector<128x10240xf32>
    %mul3A = arith.mulf %sub3A_7, %sub3A_7 : vector<128x10240xf32>
    %slice3A_8 = vector.extract_strided_slice %get3A_1 {offsets = [0, 1], sizes = [128, 1], strides = [1, 1]} : vector<128x8xf32> to vector<128x1xf32>
    %slice3A_9 = vector.extract_strided_slice %get3A_4 {offsets = [1, 0], sizes = [1, 10240], strides = [1, 1]} : vector<8x10240xf32> to vector<1x10240xf32>
    %sub3A_10 = vector.broadcast %slice3A_8 : vector<128x1xf32> to vector<128x10240xf32>
    %sub3A_11 = vector.broadcast %slice3A_9 : vector<1x10240xf32> to vector<128x10240xf32>
    %sub3A_12 = arith.subf %sub3A_10, %sub3A_11 : vector<128x10240xf32>
    %mul3A_13 = arith.mulf %sub3A_12, %sub3A_12 : vector<128x10240xf32>
    %add3A = arith.addf %mul3A, %mul3A_13 : vector<128x10240xf32>
    %slice3A_14 = vector.extract_strided_slice %get3A_1 {offsets = [0, 2], sizes = [128, 1], strides = [1, 1]} : vector<128x8xf32> to vector<128x1xf32>
    %slice3A_15 = vector.extract_strided_slice %get3A_4 {offsets = [2, 0], sizes = [1, 10240], strides = [1, 1]} : vector<8x10240xf32> to vector<1x10240xf32>
    %sub3A_16 = vector.broadcast %slice3A_14 : vector<128x1xf32> to vector<128x10240xf32>
    %sub3A_17 = vector.broadcast %slice3A_15 : vector<1x10240xf32> to vector<128x10240xf32>
    %sub3A_18 = arith.subf %sub3A_16, %sub3A_17 : vector<128x10240xf32>
    %mul3A_19 = arith.mulf %sub3A_18, %sub3A_18 : vector<128x10240xf32>
    %add3A_20 = arith.addf %add3A, %mul3A_19 : vector<128x10240xf32>
    %iota3A = tpu.iota {dimensions = array<i32: 1>} : vector<128x2560xi32>
    %slice3A_21 = vector.extract_strided_slice %add3A_20 {offsets = [0, 0], sizes = [128, 2560], strides = [1, 1]} : vector<128x10240xf32> to vector<128x2560xf32>
    %slice3A_22 = vector.extract_strided_slice %add3A_20 {offsets = [0, 2560], sizes = [128, 2560], strides = [1, 1]} : vector<128x10240xf32> to vector<128x2560xf32>
    %slice3A_23 = vector.extract_strided_slice %add3A_20 {offsets = [0, 5120], sizes = [128, 2560], strides = [1, 1]} : vector<128x10240xf32> to vector<128x2560xf32>
    %slice3A_24 = vector.extract_strided_slice %add3A_20 {offsets = [0, 7680], sizes = [128, 2560], strides = [1, 1]} : vector<128x10240xf32> to vector<128x2560xf32>
    %add3A_25 = arith.constant 0 : i32
    %add3A_26 = vector.broadcast %add3A_25 : i32 to vector<128x2560xi32>
    %add3A_27 = arith.addi %iota3A, %add3A_26 : vector<128x2560xi32>
    %add3A_28 = arith.constant 2560 : i32
    %add3A_29 = vector.broadcast %add3A_28 : i32 to vector<128x2560xi32>
    %add3A_30 = arith.addi %iota3A, %add3A_29 : vector<128x2560xi32>
    %add3A_31 = arith.constant 5120 : i32
    %add3A_32 = vector.broadcast %add3A_31 : i32 to vector<128x2560xi32>
    %add3A_33 = arith.addi %iota3A, %add3A_32 : vector<128x2560xi32>
    %add3A_34 = arith.constant 7680 : i32
    %add3A_35 = vector.broadcast %add3A_34 : i32 to vector<128x2560xi32>
    %add3A_36 = arith.addi %iota3A, %add3A_35 : vector<128x2560xi32>
    %le3A = arith.cmpf ole, %slice3A_21, %slice3A_22 : vector<128x2560xf32>
    %min3A = arith.minimumf %slice3A_21, %slice3A_22 : vector<128x2560xf32>
    %max3A = arith.maximumf %slice3A_21, %slice3A_22 : vector<128x2560xf32>
    %select_n3A = arith.select %le3A, %add3A_27, %add3A_30 : vector<128x2560xi1>, vector<128x2560xi32>
    %select_n3A_37 = arith.select %le3A, %add3A_30, %add3A_27 : vector<128x2560xi1>, vector<128x2560xi32>
    %le3A_38 = arith.cmpf ole, %slice3A_23, %slice3A_24 : vector<128x2560xf32>
    %min3A_39 = arith.minimumf %slice3A_23, %slice3A_24 : vector<128x2560xf32>
    %max3A_40 = arith.maximumf %slice3A_23, %slice3A_24 : vector<128x2560xf32>
    %select_n3A_41 = arith.select %le3A_38, %add3A_33, %add3A_36 : vector<128x2560xi1>, vector<128x2560xi32>
    %select_n3A_42 = arith.select %le3A_38, %add3A_36, %add3A_33 : vector<128x2560xi1>, vector<128x2560xi32>
    %le3A_43 = arith.cmpf ole, %min3A, %min3A_39 : vector<128x2560xf32>
    %min3A_44 = arith.minimumf %min3A, %min3A_39 : vector<128x2560xf32>
    %max3A_45 = arith.maximumf %min3A, %min3A_39 : vector<128x2560xf32>
    %select_n3A_46 = arith.select %le3A_43, %select_n3A, %select_n3A_41 : vector<128x2560xi1>, vector<128x2560xi32>
    %select_n3A_47 = arith.select %le3A_43, %select_n3A_41, %select_n3A : vector<128x2560xi1>, vector<128x2560xi32>
    %le3A_48 = arith.cmpf ole, %max3A, %max3A_40 : vector<128x2560xf32>
    %min3A_49 = arith.minimumf %max3A, %max3A_40 : vector<128x2560xf32>
    %max3A_50 = arith.maximumf %max3A, %max3A_40 : vector<128x2560xf32>
    %select_n3A_51 = arith.select %le3A_48, %select_n3A_37, %select_n3A_42 : vector<128x2560xi1>, vector<128x2560xi32>
    %select_n3A_52 = arith.select %le3A_48, %select_n3A_42, %select_n3A_37 : vector<128x2560xi1>, vector<128x2560xi32>
    %le3A_53 = arith.cmpf ole, %min3A_49, %max3A_45 : vector<128x2560xf32>
    %min3A_54 = arith.minimumf %min3A_49, %max3A_45 : vector<128x2560xf32>
    %max3A_55 = arith.maximumf %min3A_49, %max3A_45 : vector<128x2560xf32>
    %select_n3A_56 = arith.select %le3A_53, %select_n3A_51, %select_n3A_47 : vector<128x2560xi1>, vector<128x2560xi32>
    %select_n3A_57 = arith.select %le3A_53, %select_n3A_47, %select_n3A_51 : vector<128x2560xi1>, vector<128x2560xi32>
    %slice3A_58 = vector.extract_strided_slice %min3A_44 {offsets = [0, 0], sizes = [32, 2560], strides = [1, 1]} : vector<128x2560xf32> to vector<32x2560xf32>
    %slice3A_59 = vector.extract_strided_slice %min3A_54 {offsets = [0, 0], sizes = [32, 2560], strides = [1, 1]} : vector<128x2560xf32> to vector<32x2560xf32>
    %slice3A_60 = vector.extract_strided_slice %max3A_55 {offsets = [0, 0], sizes = [32, 2560], strides = [1, 1]} : vector<128x2560xf32> to vector<32x2560xf32>
    %slice3A_61 = vector.extract_strided_slice %max3A_50 {offsets = [0, 0], sizes = [32, 2560], strides = [1, 1]} : vector<128x2560xf32> to vector<32x2560xf32>
    %slice3A_62 = vector.extract_strided_slice %select_n3A_46 {offsets = [0, 0], sizes = [32, 2560], strides = [1, 1]} : vector<128x2560xi32> to vector<32x2560xi32>
    %slice3A_63 = vector.extract_strided_slice %select_n3A_56 {offsets = [0, 0], sizes = [32, 2560], strides = [1, 1]} : vector<128x2560xi32> to vector<32x2560xi32>
    %slice3A_64 = vector.extract_strided_slice %select_n3A_57 {offsets = [0, 0], sizes = [32, 2560], strides = [1, 1]} : vector<128x2560xi32> to vector<32x2560xi32>
    %slice3A_65 = vector.extract_strided_slice %select_n3A_52 {offsets = [0, 0], sizes = [32, 2560], strides = [1, 1]} : vector<128x2560xi32> to vector<32x2560xi32>
    %slice3A_66 = vector.extract_strided_slice %min3A_44 {offsets = [32, 0], sizes = [32, 2560], strides = [1, 1]} : vector<128x2560xf32> to vector<32x2560xf32>
    %slice3A_67 = vector.extract_strided_slice %min3A_54 {offsets = [32, 0], sizes = [32, 2560], strides = [1, 1]} : vector<128x2560xf32> to vector<32x2560xf32>
    %slice3A_68 = vector.extract_strided_slice %max3A_55 {offsets = [32, 0], sizes = [32, 2560], strides = [1, 1]} : vector<128x2560xf32> to vector<32x2560xf32>
    %slice3A_69 = vector.extract_strided_slice %max3A_50 {offsets = [32, 0], sizes = [32, 2560], strides = [1, 1]} : vector<128x2560xf32> to vector<32x2560xf32>
    %slice3A_70 = vector.extract_strided_slice %select_n3A_46 {offsets = [32, 0], sizes = [32, 2560], strides = [1, 1]} : vector<128x2560xi32> to vector<32x2560xi32>
    %slice3A_71 = vector.extract_strided_slice %select_n3A_56 {offsets = [32, 0], sizes = [32, 2560], strides = [1, 1]} : vector<128x2560xi32> to vector<32x2560xi32>
    %slice3A_72 = vector.extract_strided_slice %select_n3A_57 {offsets = [32, 0], sizes = [32, 2560], strides = [1, 1]} : vector<128x2560xi32> to vector<32x2560xi32>
    %slice3A_73 = vector.extract_strided_slice %select_n3A_52 {offsets = [32, 0], sizes = [32, 2560], strides = [1, 1]} : vector<128x2560xi32> to vector<32x2560xi32>
    %slice3A_74 = vector.extract_strided_slice %min3A_44 {offsets = [64, 0], sizes = [32, 2560], strides = [1, 1]} : vector<128x2560xf32> to vector<32x2560xf32>
    %slice3A_75 = vector.extract_strided_slice %min3A_54 {offsets = [64, 0], sizes = [32, 2560], strides = [1, 1]} : vector<128x2560xf32> to vector<32x2560xf32>
    %slice3A_76 = vector.extract_strided_slice %max3A_55 {offsets = [64, 0], sizes = [32, 2560], strides = [1, 1]} : vector<128x2560xf32> to vector<32x2560xf32>
    %slice3A_77 = vector.extract_strided_slice %max3A_50 {offsets = [64, 0], sizes = [32, 2560], strides = [1, 1]} : vector<128x2560xf32> to vector<32x2560xf32>
    %slice3A_78 = vector.extract_strided_slice %select_n3A_46 {offsets = [64, 0], sizes = [32, 2560], strides = [1, 1]} : vector<128x2560xi32> to vector<32x2560xi32>
    %slice3A_79 = vector.extract_strided_slice %select_n3A_56 {offsets = [64, 0], sizes = [32, 2560], strides = [1, 1]} : vector<128x2560xi32> to vector<32x2560xi32>
    %slice3A_80 = vector.extract_strided_slice %select_n3A_57 {offsets = [64, 0], sizes = [32, 2560], strides = [1, 1]} : vector<128x2560xi32> to vector<32x2560xi32>
    %slice3A_81 = vector.extract_strided_slice %select_n3A_52 {offsets = [64, 0], sizes = [32, 2560], strides = [1, 1]} : vector<128x2560xi32> to vector<32x2560xi32>
    %slice3A_82 = vector.extract_strided_slice %min3A_44 {offsets = [96, 0], sizes = [32, 2560], strides = [1, 1]} : vector<128x2560xf32> to vector<32x2560xf32>
    %slice3A_83 = vector.extract_strided_slice %min3A_54 {offsets = [96, 0], sizes = [32, 2560], strides = [1, 1]} : vector<128x2560xf32> to vector<32x2560xf32>
    %slice3A_84 = vector.extract_strided_slice %max3A_55 {offsets = [96, 0], sizes = [32, 2560], strides = [1, 1]} : vector<128x2560xf32> to vector<32x2560xf32>
    %slice3A_85 = vector.extract_strided_slice %max3A_50 {offsets = [96, 0], sizes = [32, 2560], strides = [1, 1]} : vector<128x2560xf32> to vector<32x2560xf32>
    %slice3A_86 = vector.extract_strided_slice %select_n3A_46 {offsets = [96, 0], sizes = [32, 2560], strides = [1, 1]} : vector<128x2560xi32> to vector<32x2560xi32>
    %slice3A_87 = vector.extract_strided_slice %select_n3A_56 {offsets = [96, 0], sizes = [32, 2560], strides = [1, 1]} : vector<128x2560xi32> to vector<32x2560xi32>
    %slice3A_88 = vector.extract_strided_slice %select_n3A_57 {offsets = [96, 0], sizes = [32, 2560], strides = [1, 1]} : vector<128x2560xi32> to vector<32x2560xi32>
    %slice3A_89 = vector.extract_strided_slice %select_n3A_52 {offsets = [96, 0], sizes = [32, 2560], strides = [1, 1]} : vector<128x2560xi32> to vector<32x2560xi32>
    %reduce_min3A = arith.constant dense<0x7F800000> : vector<32xf32>
    %reduce_min3A_90 = vector.multi_reduction <minimumf>, %slice3A_58, %reduce_min3A [1] : vector<32x2560xf32> to vector<32xf32>
    %broadcast_in_dim3A = vector.shape_cast %reduce_min3A_90 : vector<32xf32> to vector<32x1xf32>
    %le3A_91 = vector.broadcast %broadcast_in_dim3A : vector<32x1xf32> to vector<32x2560xf32>
    %le3A_92 = arith.cmpf ole, %slice3A_58, %le3A_91 : vector<32x2560xf32>
    %jit3A = arith.constant 1073741824 : i32
    %broadcast_in_dim3A_93 = vector.broadcast %jit3A : i32 to vector<32x2560xi32>
    %select_n3A_94 = arith.select %le3A_92, %slice3A_62, %broadcast_in_dim3A_93 : vector<32x2560xi1>, vector<32x2560xi32>
    %reduce_min3A_95 = arith.constant dense<2147483647> : vector<32xi32>
    %reduce_min3A_96 = vector.multi_reduction <minsi>, %select_n3A_94, %reduce_min3A_95 [1] : vector<32x2560xi32> to vector<32xi32>
    %broadcast_in_dim3A_97 = vector.shape_cast %reduce_min3A_96 : vector<32xi32> to vector<32x1xi32>
    %select_n3A_98 = arith.select %le3A_92, %slice3A_59, %slice3A_58 : vector<32x2560xi1>, vector<32x2560xf32>
    %select_n3A_99 = arith.select %le3A_92, %slice3A_60, %slice3A_59 : vector<32x2560xi1>, vector<32x2560xf32>
    %select_n3A_100 = arith.select %le3A_92, %slice3A_61, %slice3A_60 : vector<32x2560xi1>, vector<32x2560xf32>
    %jit3A_101 = arith.constant 3.000000e+38 : f32
    %broadcast_in_dim3A_102 = vector.broadcast %jit3A_101 : f32 to vector<32x2560xf32>
    %select_n3A_103 = arith.select %le3A_92, %broadcast_in_dim3A_102, %slice3A_61 : vector<32x2560xi1>, vector<32x2560xf32>
    %select_n3A_104 = arith.select %le3A_92, %slice3A_63, %slice3A_62 : vector<32x2560xi1>, vector<32x2560xi32>
    %select_n3A_105 = arith.select %le3A_92, %slice3A_64, %slice3A_63 : vector<32x2560xi1>, vector<32x2560xi32>
    %select_n3A_106 = arith.select %le3A_92, %slice3A_65, %slice3A_64 : vector<32x2560xi1>, vector<32x2560xi32>
    %reduce_min3A_107 = arith.constant dense<0x7F800000> : vector<32xf32>
    %reduce_min3A_108 = vector.multi_reduction <minimumf>, %slice3A_66, %reduce_min3A_107 [1] : vector<32x2560xf32> to vector<32xf32>
    %broadcast_in_dim3A_109 = vector.shape_cast %reduce_min3A_108 : vector<32xf32> to vector<32x1xf32>
    %le3A_110 = vector.broadcast %broadcast_in_dim3A_109 : vector<32x1xf32> to vector<32x2560xf32>
    %le3A_111 = arith.cmpf ole, %slice3A_66, %le3A_110 : vector<32x2560xf32>
    %jit3A_112 = arith.constant 1073741824 : i32
    %broadcast_in_dim3A_113 = vector.broadcast %jit3A_112 : i32 to vector<32x2560xi32>
    %select_n3A_114 = arith.select %le3A_111, %slice3A_70, %broadcast_in_dim3A_113 : vector<32x2560xi1>, vector<32x2560xi32>
    %reduce_min3A_115 = arith.constant dense<2147483647> : vector<32xi32>
    %reduce_min3A_116 = vector.multi_reduction <minsi>, %select_n3A_114, %reduce_min3A_115 [1] : vector<32x2560xi32> to vector<32xi32>
    %broadcast_in_dim3A_117 = vector.shape_cast %reduce_min3A_116 : vector<32xi32> to vector<32x1xi32>
    %select_n3A_118 = arith.select %le3A_111, %slice3A_67, %slice3A_66 : vector<32x2560xi1>, vector<32x2560xf32>
    %select_n3A_119 = arith.select %le3A_111, %slice3A_68, %slice3A_67 : vector<32x2560xi1>, vector<32x2560xf32>
    %select_n3A_120 = arith.select %le3A_111, %slice3A_69, %slice3A_68 : vector<32x2560xi1>, vector<32x2560xf32>
    %jit3A_121 = arith.constant 3.000000e+38 : f32
    %broadcast_in_dim3A_122 = vector.broadcast %jit3A_121 : f32 to vector<32x2560xf32>
    %select_n3A_123 = arith.select %le3A_111, %broadcast_in_dim3A_122, %slice3A_69 : vector<32x2560xi1>, vector<32x2560xf32>
    %select_n3A_124 = arith.select %le3A_111, %slice3A_71, %slice3A_70 : vector<32x2560xi1>, vector<32x2560xi32>
    %select_n3A_125 = arith.select %le3A_111, %slice3A_72, %slice3A_71 : vector<32x2560xi1>, vector<32x2560xi32>
    %select_n3A_126 = arith.select %le3A_111, %slice3A_73, %slice3A_72 : vector<32x2560xi1>, vector<32x2560xi32>
    %reduce_min3A_127 = arith.constant dense<0x7F800000> : vector<32xf32>
    %reduce_min3A_128 = vector.multi_reduction <minimumf>, %slice3A_74, %reduce_min3A_127 [1] : vector<32x2560xf32> to vector<32xf32>
    %broadcast_in_dim3A_129 = vector.shape_cast %reduce_min3A_128 : vector<32xf32> to vector<32x1xf32>
    %le3A_130 = vector.broadcast %broadcast_in_dim3A_129 : vector<32x1xf32> to vector<32x2560xf32>
    %le3A_131 = arith.cmpf ole, %slice3A_74, %le3A_130 : vector<32x2560xf32>
    %jit3A_132 = arith.constant 1073741824 : i32
    %broadcast_in_dim3A_133 = vector.broadcast %jit3A_132 : i32 to vector<32x2560xi32>
    %select_n3A_134 = arith.select %le3A_131, %slice3A_78, %broadcast_in_dim3A_133 : vector<32x2560xi1>, vector<32x2560xi32>
    %reduce_min3A_135 = arith.constant dense<2147483647> : vector<32xi32>
    %reduce_min3A_136 = vector.multi_reduction <minsi>, %select_n3A_134, %reduce_min3A_135 [1] : vector<32x2560xi32> to vector<32xi32>
    %broadcast_in_dim3A_137 = vector.shape_cast %reduce_min3A_136 : vector<32xi32> to vector<32x1xi32>
    %select_n3A_138 = arith.select %le3A_131, %slice3A_75, %slice3A_74 : vector<32x2560xi1>, vector<32x2560xf32>
    %select_n3A_139 = arith.select %le3A_131, %slice3A_76, %slice3A_75 : vector<32x2560xi1>, vector<32x2560xf32>
    %select_n3A_140 = arith.select %le3A_131, %slice3A_77, %slice3A_76 : vector<32x2560xi1>, vector<32x2560xf32>
    %jit3A_141 = arith.constant 3.000000e+38 : f32
    %broadcast_in_dim3A_142 = vector.broadcast %jit3A_141 : f32 to vector<32x2560xf32>
    %select_n3A_143 = arith.select %le3A_131, %broadcast_in_dim3A_142, %slice3A_77 : vector<32x2560xi1>, vector<32x2560xf32>
    %select_n3A_144 = arith.select %le3A_131, %slice3A_79, %slice3A_78 : vector<32x2560xi1>, vector<32x2560xi32>
    %select_n3A_145 = arith.select %le3A_131, %slice3A_80, %slice3A_79 : vector<32x2560xi1>, vector<32x2560xi32>
    %select_n3A_146 = arith.select %le3A_131, %slice3A_81, %slice3A_80 : vector<32x2560xi1>, vector<32x2560xi32>
    %reduce_min3A_147 = arith.constant dense<0x7F800000> : vector<32xf32>
    %reduce_min3A_148 = vector.multi_reduction <minimumf>, %slice3A_82, %reduce_min3A_147 [1] : vector<32x2560xf32> to vector<32xf32>
    %broadcast_in_dim3A_149 = vector.shape_cast %reduce_min3A_148 : vector<32xf32> to vector<32x1xf32>
    %le3A_150 = vector.broadcast %broadcast_in_dim3A_149 : vector<32x1xf32> to vector<32x2560xf32>
    %le3A_151 = arith.cmpf ole, %slice3A_82, %le3A_150 : vector<32x2560xf32>
    %jit3A_152 = arith.constant 1073741824 : i32
    %broadcast_in_dim3A_153 = vector.broadcast %jit3A_152 : i32 to vector<32x2560xi32>
    %select_n3A_154 = arith.select %le3A_151, %slice3A_86, %broadcast_in_dim3A_153 : vector<32x2560xi1>, vector<32x2560xi32>
    %reduce_min3A_155 = arith.constant dense<2147483647> : vector<32xi32>
    %reduce_min3A_156 = vector.multi_reduction <minsi>, %select_n3A_154, %reduce_min3A_155 [1] : vector<32x2560xi32> to vector<32xi32>
    %broadcast_in_dim3A_157 = vector.shape_cast %reduce_min3A_156 : vector<32xi32> to vector<32x1xi32>
    %select_n3A_158 = arith.select %le3A_151, %slice3A_83, %slice3A_82 : vector<32x2560xi1>, vector<32x2560xf32>
    %select_n3A_159 = arith.select %le3A_151, %slice3A_84, %slice3A_83 : vector<32x2560xi1>, vector<32x2560xf32>
    %select_n3A_160 = arith.select %le3A_151, %slice3A_85, %slice3A_84 : vector<32x2560xi1>, vector<32x2560xf32>
    %jit3A_161 = arith.constant 3.000000e+38 : f32
    %broadcast_in_dim3A_162 = vector.broadcast %jit3A_161 : f32 to vector<32x2560xf32>
    %select_n3A_163 = arith.select %le3A_151, %broadcast_in_dim3A_162, %slice3A_85 : vector<32x2560xi1>, vector<32x2560xf32>
    %select_n3A_164 = arith.select %le3A_151, %slice3A_87, %slice3A_86 : vector<32x2560xi1>, vector<32x2560xi32>
    %select_n3A_165 = arith.select %le3A_151, %slice3A_88, %slice3A_87 : vector<32x2560xi1>, vector<32x2560xi32>
    %select_n3A_166 = arith.select %le3A_151, %slice3A_89, %slice3A_88 : vector<32x2560xi1>, vector<32x2560xi32>
    %reduce_min3A_167 = arith.constant dense<0x7F800000> : vector<32xf32>
    %reduce_min3A_168 = vector.multi_reduction <minimumf>, %select_n3A_98, %reduce_min3A_167 [1] : vector<32x2560xf32> to vector<32xf32>
    %broadcast_in_dim3A_169 = vector.shape_cast %reduce_min3A_168 : vector<32xf32> to vector<32x1xf32>
    %le3A_170 = vector.broadcast %broadcast_in_dim3A_169 : vector<32x1xf32> to vector<32x2560xf32>
    %le3A_171 = arith.cmpf ole, %select_n3A_98, %le3A_170 : vector<32x2560xf32>
    %jit3A_172 = arith.constant 1073741824 : i32
    %broadcast_in_dim3A_173 = vector.broadcast %jit3A_172 : i32 to vector<32x2560xi32>
    %select_n3A_174 = arith.select %le3A_171, %select_n3A_104, %broadcast_in_dim3A_173 : vector<32x2560xi1>, vector<32x2560xi32>
    %reduce_min3A_175 = arith.constant dense<2147483647> : vector<32xi32>
    %reduce_min3A_176 = vector.multi_reduction <minsi>, %select_n3A_174, %reduce_min3A_175 [1] : vector<32x2560xi32> to vector<32xi32>
    %broadcast_in_dim3A_177 = vector.shape_cast %reduce_min3A_176 : vector<32xi32> to vector<32x1xi32>
    %select_n3A_178 = arith.select %le3A_171, %select_n3A_99, %select_n3A_98 : vector<32x2560xi1>, vector<32x2560xf32>
    %select_n3A_179 = arith.select %le3A_171, %select_n3A_100, %select_n3A_99 : vector<32x2560xi1>, vector<32x2560xf32>
    %select_n3A_180 = arith.select %le3A_171, %select_n3A_103, %select_n3A_100 : vector<32x2560xi1>, vector<32x2560xf32>
    %jit3A_181 = arith.constant 3.000000e+38 : f32
    %broadcast_in_dim3A_182 = vector.broadcast %jit3A_181 : f32 to vector<32x2560xf32>
    %select_n3A_183 = arith.select %le3A_171, %broadcast_in_dim3A_182, %select_n3A_103 : vector<32x2560xi1>, vector<32x2560xf32>
    %select_n3A_184 = arith.select %le3A_171, %select_n3A_105, %select_n3A_104 : vector<32x2560xi1>, vector<32x2560xi32>
    %select_n3A_185 = arith.select %le3A_171, %select_n3A_106, %select_n3A_105 : vector<32x2560xi1>, vector<32x2560xi32>
    %select_n3A_186 = arith.select %le3A_171, %slice3A_65, %select_n3A_106 : vector<32x2560xi1>, vector<32x2560xi32>
    %reduce_min3A_187 = arith.constant dense<0x7F800000> : vector<32xf32>
    %reduce_min3A_188 = vector.multi_reduction <minimumf>, %select_n3A_118, %reduce_min3A_187 [1] : vector<32x2560xf32> to vector<32xf32>
    %broadcast_in_dim3A_189 = vector.shape_cast %reduce_min3A_188 : vector<32xf32> to vector<32x1xf32>
    %le3A_190 = vector.broadcast %broadcast_in_dim3A_189 : vector<32x1xf32> to vector<32x2560xf32>
    %le3A_191 = arith.cmpf ole, %select_n3A_118, %le3A_190 : vector<32x2560xf32>
    %jit3A_192 = arith.constant 1073741824 : i32
    %broadcast_in_dim3A_193 = vector.broadcast %jit3A_192 : i32 to vector<32x2560xi32>
    %select_n3A_194 = arith.select %le3A_191, %select_n3A_124, %broadcast_in_dim3A_193 : vector<32x2560xi1>, vector<32x2560xi32>
    %reduce_min3A_195 = arith.constant dense<2147483647> : vector<32xi32>
    %reduce_min3A_196 = vector.multi_reduction <minsi>, %select_n3A_194, %reduce_min3A_195 [1] : vector<32x2560xi32> to vector<32xi32>
    %broadcast_in_dim3A_197 = vector.shape_cast %reduce_min3A_196 : vector<32xi32> to vector<32x1xi32>
    %select_n3A_198 = arith.select %le3A_191, %select_n3A_119, %select_n3A_118 : vector<32x2560xi1>, vector<32x2560xf32>
    %select_n3A_199 = arith.select %le3A_191, %select_n3A_120, %select_n3A_119 : vector<32x2560xi1>, vector<32x2560xf32>
    %select_n3A_200 = arith.select %le3A_191, %select_n3A_123, %select_n3A_120 : vector<32x2560xi1>, vector<32x2560xf32>
    %jit3A_201 = arith.constant 3.000000e+38 : f32
    %broadcast_in_dim3A_202 = vector.broadcast %jit3A_201 : f32 to vector<32x2560xf32>
    %select_n3A_203 = arith.select %le3A_191, %broadcast_in_dim3A_202, %select_n3A_123 : vector<32x2560xi1>, vector<32x2560xf32>
    %select_n3A_204 = arith.select %le3A_191, %select_n3A_125, %select_n3A_124 : vector<32x2560xi1>, vector<32x2560xi32>
    %select_n3A_205 = arith.select %le3A_191, %select_n3A_126, %select_n3A_125 : vector<32x2560xi1>, vector<32x2560xi32>
    %select_n3A_206 = arith.select %le3A_191, %slice3A_73, %select_n3A_126 : vector<32x2560xi1>, vector<32x2560xi32>
    %reduce_min3A_207 = arith.constant dense<0x7F800000> : vector<32xf32>
    %reduce_min3A_208 = vector.multi_reduction <minimumf>, %select_n3A_138, %reduce_min3A_207 [1] : vector<32x2560xf32> to vector<32xf32>
    %broadcast_in_dim3A_209 = vector.shape_cast %reduce_min3A_208 : vector<32xf32> to vector<32x1xf32>
    %le3A_210 = vector.broadcast %broadcast_in_dim3A_209 : vector<32x1xf32> to vector<32x2560xf32>
    %le3A_211 = arith.cmpf ole, %select_n3A_138, %le3A_210 : vector<32x2560xf32>
    %jit3A_212 = arith.constant 1073741824 : i32
    %broadcast_in_dim3A_213 = vector.broadcast %jit3A_212 : i32 to vector<32x2560xi32>
    %select_n3A_214 = arith.select %le3A_211, %select_n3A_144, %broadcast_in_dim3A_213 : vector<32x2560xi1>, vector<32x2560xi32>
    %reduce_min3A_215 = arith.constant dense<2147483647> : vector<32xi32>
    %reduce_min3A_216 = vector.multi_reduction <minsi>, %select_n3A_214, %reduce_min3A_215 [1] : vector<32x2560xi32> to vector<32xi32>
    %broadcast_in_dim3A_217 = vector.shape_cast %reduce_min3A_216 : vector<32xi32> to vector<32x1xi32>
    %select_n3A_218 = arith.select %le3A_211, %select_n3A_139, %select_n3A_138 : vector<32x2560xi1>, vector<32x2560xf32>
    %select_n3A_219 = arith.select %le3A_211, %select_n3A_140, %select_n3A_139 : vector<32x2560xi1>, vector<32x2560xf32>
    %select_n3A_220 = arith.select %le3A_211, %select_n3A_143, %select_n3A_140 : vector<32x2560xi1>, vector<32x2560xf32>
    %jit3A_221 = arith.constant 3.000000e+38 : f32
    %broadcast_in_dim3A_222 = vector.broadcast %jit3A_221 : f32 to vector<32x2560xf32>
    %select_n3A_223 = arith.select %le3A_211, %broadcast_in_dim3A_222, %select_n3A_143 : vector<32x2560xi1>, vector<32x2560xf32>
    %select_n3A_224 = arith.select %le3A_211, %select_n3A_145, %select_n3A_144 : vector<32x2560xi1>, vector<32x2560xi32>
    %select_n3A_225 = arith.select %le3A_211, %select_n3A_146, %select_n3A_145 : vector<32x2560xi1>, vector<32x2560xi32>
    %select_n3A_226 = arith.select %le3A_211, %slice3A_81, %select_n3A_146 : vector<32x2560xi1>, vector<32x2560xi32>
    %reduce_min3A_227 = arith.constant dense<0x7F800000> : vector<32xf32>
    %reduce_min3A_228 = vector.multi_reduction <minimumf>, %select_n3A_158, %reduce_min3A_227 [1] : vector<32x2560xf32> to vector<32xf32>
    %broadcast_in_dim3A_229 = vector.shape_cast %reduce_min3A_228 : vector<32xf32> to vector<32x1xf32>
    %le3A_230 = vector.broadcast %broadcast_in_dim3A_229 : vector<32x1xf32> to vector<32x2560xf32>
    %le3A_231 = arith.cmpf ole, %select_n3A_158, %le3A_230 : vector<32x2560xf32>
    %jit3A_232 = arith.constant 1073741824 : i32
    %broadcast_in_dim3A_233 = vector.broadcast %jit3A_232 : i32 to vector<32x2560xi32>
    %select_n3A_234 = arith.select %le3A_231, %select_n3A_164, %broadcast_in_dim3A_233 : vector<32x2560xi1>, vector<32x2560xi32>
    %reduce_min3A_235 = arith.constant dense<2147483647> : vector<32xi32>
    %reduce_min3A_236 = vector.multi_reduction <minsi>, %select_n3A_234, %reduce_min3A_235 [1] : vector<32x2560xi32> to vector<32xi32>
    %broadcast_in_dim3A_237 = vector.shape_cast %reduce_min3A_236 : vector<32xi32> to vector<32x1xi32>
    %select_n3A_238 = arith.select %le3A_231, %select_n3A_159, %select_n3A_158 : vector<32x2560xi1>, vector<32x2560xf32>
    %select_n3A_239 = arith.select %le3A_231, %select_n3A_160, %select_n3A_159 : vector<32x2560xi1>, vector<32x2560xf32>
    %select_n3A_240 = arith.select %le3A_231, %select_n3A_163, %select_n3A_160 : vector<32x2560xi1>, vector<32x2560xf32>
    %jit3A_241 = arith.constant 3.000000e+38 : f32
    %broadcast_in_dim3A_242 = vector.broadcast %jit3A_241 : f32 to vector<32x2560xf32>
    %select_n3A_243 = arith.select %le3A_231, %broadcast_in_dim3A_242, %select_n3A_163 : vector<32x2560xi1>, vector<32x2560xf32>
    %select_n3A_244 = arith.select %le3A_231, %select_n3A_165, %select_n3A_164 : vector<32x2560xi1>, vector<32x2560xi32>
    %select_n3A_245 = arith.select %le3A_231, %select_n3A_166, %select_n3A_165 : vector<32x2560xi1>, vector<32x2560xi32>
    %select_n3A_246 = arith.select %le3A_231, %slice3A_89, %select_n3A_166 : vector<32x2560xi1>, vector<32x2560xi32>
    %reduce_min3A_247 = arith.constant dense<0x7F800000> : vector<32xf32>
    %reduce_min3A_248 = vector.multi_reduction <minimumf>, %select_n3A_178, %reduce_min3A_247 [1] : vector<32x2560xf32> to vector<32xf32>
    %broadcast_in_dim3A_249 = vector.shape_cast %reduce_min3A_248 : vector<32xf32> to vector<32x1xf32>
    %le3A_250 = vector.broadcast %broadcast_in_dim3A_249 : vector<32x1xf32> to vector<32x2560xf32>
    %le3A_251 = arith.cmpf ole, %select_n3A_178, %le3A_250 : vector<32x2560xf32>
    %jit3A_252 = arith.constant 1073741824 : i32
    %broadcast_in_dim3A_253 = vector.broadcast %jit3A_252 : i32 to vector<32x2560xi32>
    %select_n3A_254 = arith.select %le3A_251, %select_n3A_184, %broadcast_in_dim3A_253 : vector<32x2560xi1>, vector<32x2560xi32>
    %reduce_min3A_255 = arith.constant dense<2147483647> : vector<32xi32>
    %reduce_min3A_256 = vector.multi_reduction <minsi>, %select_n3A_254, %reduce_min3A_255 [1] : vector<32x2560xi32> to vector<32xi32>
    %broadcast_in_dim3A_257 = vector.shape_cast %reduce_min3A_256 : vector<32xi32> to vector<32x1xi32>
    %select_n3A_258 = arith.select %le3A_251, %select_n3A_179, %select_n3A_178 : vector<32x2560xi1>, vector<32x2560xf32>
    %select_n3A_259 = arith.select %le3A_251, %select_n3A_180, %select_n3A_179 : vector<32x2560xi1>, vector<32x2560xf32>
    %select_n3A_260 = arith.select %le3A_251, %select_n3A_183, %select_n3A_180 : vector<32x2560xi1>, vector<32x2560xf32>
    %jit3A_261 = arith.constant 3.000000e+38 : f32
    %broadcast_in_dim3A_262 = vector.broadcast %jit3A_261 : f32 to vector<32x2560xf32>
    %select_n3A_263 = arith.select %le3A_251, %broadcast_in_dim3A_262, %select_n3A_183 : vector<32x2560xi1>, vector<32x2560xf32>
    %select_n3A_264 = arith.select %le3A_251, %select_n3A_185, %select_n3A_184 : vector<32x2560xi1>, vector<32x2560xi32>
    %select_n3A_265 = arith.select %le3A_251, %select_n3A_186, %select_n3A_185 : vector<32x2560xi1>, vector<32x2560xi32>
    %select_n3A_266 = arith.select %le3A_251, %slice3A_65, %select_n3A_186 : vector<32x2560xi1>, vector<32x2560xi32>
    %reduce_min3A_267 = arith.constant dense<0x7F800000> : vector<32xf32>
    %reduce_min3A_268 = vector.multi_reduction <minimumf>, %select_n3A_198, %reduce_min3A_267 [1] : vector<32x2560xf32> to vector<32xf32>
    %broadcast_in_dim3A_269 = vector.shape_cast %reduce_min3A_268 : vector<32xf32> to vector<32x1xf32>
    %le3A_270 = vector.broadcast %broadcast_in_dim3A_269 : vector<32x1xf32> to vector<32x2560xf32>
    %le3A_271 = arith.cmpf ole, %select_n3A_198, %le3A_270 : vector<32x2560xf32>
    %jit3A_272 = arith.constant 1073741824 : i32
    %broadcast_in_dim3A_273 = vector.broadcast %jit3A_272 : i32 to vector<32x2560xi32>
    %select_n3A_274 = arith.select %le3A_271, %select_n3A_204, %broadcast_in_dim3A_273 : vector<32x2560xi1>, vector<32x2560xi32>
    %reduce_min3A_275 = arith.constant dense<2147483647> : vector<32xi32>
    %reduce_min3A_276 = vector.multi_reduction <minsi>, %select_n3A_274, %reduce_min3A_275 [1] : vector<32x2560xi32> to vector<32xi32>
    %broadcast_in_dim3A_277 = vector.shape_cast %reduce_min3A_276 : vector<32xi32> to vector<32x1xi32>
    %select_n3A_278 = arith.select %le3A_271, %select_n3A_199, %select_n3A_198 : vector<32x2560xi1>, vector<32x2560xf32>
    %select_n3A_279 = arith.select %le3A_271, %select_n3A_200, %select_n3A_199 : vector<32x2560xi1>, vector<32x2560xf32>
    %select_n3A_280 = arith.select %le3A_271, %select_n3A_203, %select_n3A_200 : vector<32x2560xi1>, vector<32x2560xf32>
    %jit3A_281 = arith.constant 3.000000e+38 : f32
    %broadcast_in_dim3A_282 = vector.broadcast %jit3A_281 : f32 to vector<32x2560xf32>
    %select_n3A_283 = arith.select %le3A_271, %broadcast_in_dim3A_282, %select_n3A_203 : vector<32x2560xi1>, vector<32x2560xf32>
    %select_n3A_284 = arith.select %le3A_271, %select_n3A_205, %select_n3A_204 : vector<32x2560xi1>, vector<32x2560xi32>
    %select_n3A_285 = arith.select %le3A_271, %select_n3A_206, %select_n3A_205 : vector<32x2560xi1>, vector<32x2560xi32>
    %select_n3A_286 = arith.select %le3A_271, %slice3A_73, %select_n3A_206 : vector<32x2560xi1>, vector<32x2560xi32>
    %reduce_min3A_287 = arith.constant dense<0x7F800000> : vector<32xf32>
    %reduce_min3A_288 = vector.multi_reduction <minimumf>, %select_n3A_218, %reduce_min3A_287 [1] : vector<32x2560xf32> to vector<32xf32>
    %broadcast_in_dim3A_289 = vector.shape_cast %reduce_min3A_288 : vector<32xf32> to vector<32x1xf32>
    %le3A_290 = vector.broadcast %broadcast_in_dim3A_289 : vector<32x1xf32> to vector<32x2560xf32>
    %le3A_291 = arith.cmpf ole, %select_n3A_218, %le3A_290 : vector<32x2560xf32>
    %jit3A_292 = arith.constant 1073741824 : i32
    %broadcast_in_dim3A_293 = vector.broadcast %jit3A_292 : i32 to vector<32x2560xi32>
    %select_n3A_294 = arith.select %le3A_291, %select_n3A_224, %broadcast_in_dim3A_293 : vector<32x2560xi1>, vector<32x2560xi32>
    %reduce_min3A_295 = arith.constant dense<2147483647> : vector<32xi32>
    %reduce_min3A_296 = vector.multi_reduction <minsi>, %select_n3A_294, %reduce_min3A_295 [1] : vector<32x2560xi32> to vector<32xi32>
    %broadcast_in_dim3A_297 = vector.shape_cast %reduce_min3A_296 : vector<32xi32> to vector<32x1xi32>
    %select_n3A_298 = arith.select %le3A_291, %select_n3A_219, %select_n3A_218 : vector<32x2560xi1>, vector<32x2560xf32>
    %select_n3A_299 = arith.select %le3A_291, %select_n3A_220, %select_n3A_219 : vector<32x2560xi1>, vector<32x2560xf32>
    %select_n3A_300 = arith.select %le3A_291, %select_n3A_223, %select_n3A_220 : vector<32x2560xi1>, vector<32x2560xf32>
    %jit3A_301 = arith.constant 3.000000e+38 : f32
    %broadcast_in_dim3A_302 = vector.broadcast %jit3A_301 : f32 to vector<32x2560xf32>
    %select_n3A_303 = arith.select %le3A_291, %broadcast_in_dim3A_302, %select_n3A_223 : vector<32x2560xi1>, vector<32x2560xf32>
    %select_n3A_304 = arith.select %le3A_291, %select_n3A_225, %select_n3A_224 : vector<32x2560xi1>, vector<32x2560xi32>
    %select_n3A_305 = arith.select %le3A_291, %select_n3A_226, %select_n3A_225 : vector<32x2560xi1>, vector<32x2560xi32>
    %select_n3A_306 = arith.select %le3A_291, %slice3A_81, %select_n3A_226 : vector<32x2560xi1>, vector<32x2560xi32>
    %reduce_min3A_307 = arith.constant dense<0x7F800000> : vector<32xf32>
    %reduce_min3A_308 = vector.multi_reduction <minimumf>, %select_n3A_238, %reduce_min3A_307 [1] : vector<32x2560xf32> to vector<32xf32>
    %broadcast_in_dim3A_309 = vector.shape_cast %reduce_min3A_308 : vector<32xf32> to vector<32x1xf32>
    %le3A_310 = vector.broadcast %broadcast_in_dim3A_309 : vector<32x1xf32> to vector<32x2560xf32>
    %le3A_311 = arith.cmpf ole, %select_n3A_238, %le3A_310 : vector<32x2560xf32>
    %jit3A_312 = arith.constant 1073741824 : i32
    %broadcast_in_dim3A_313 = vector.broadcast %jit3A_312 : i32 to vector<32x2560xi32>
    %select_n3A_314 = arith.select %le3A_311, %select_n3A_244, %broadcast_in_dim3A_313 : vector<32x2560xi1>, vector<32x2560xi32>
    %reduce_min3A_315 = arith.constant dense<2147483647> : vector<32xi32>
    %reduce_min3A_316 = vector.multi_reduction <minsi>, %select_n3A_314, %reduce_min3A_315 [1] : vector<32x2560xi32> to vector<32xi32>
    %broadcast_in_dim3A_317 = vector.shape_cast %reduce_min3A_316 : vector<32xi32> to vector<32x1xi32>
    %select_n3A_318 = arith.select %le3A_311, %select_n3A_239, %select_n3A_238 : vector<32x2560xi1>, vector<32x2560xf32>
    %select_n3A_319 = arith.select %le3A_311, %select_n3A_240, %select_n3A_239 : vector<32x2560xi1>, vector<32x2560xf32>
    %select_n3A_320 = arith.select %le3A_311, %select_n3A_243, %select_n3A_240 : vector<32x2560xi1>, vector<32x2560xf32>
    %jit3A_321 = arith.constant 3.000000e+38 : f32
    %broadcast_in_dim3A_322 = vector.broadcast %jit3A_321 : f32 to vector<32x2560xf32>
    %select_n3A_323 = arith.select %le3A_311, %broadcast_in_dim3A_322, %select_n3A_243 : vector<32x2560xi1>, vector<32x2560xf32>
    %select_n3A_324 = arith.select %le3A_311, %select_n3A_245, %select_n3A_244 : vector<32x2560xi1>, vector<32x2560xi32>
    %select_n3A_325 = arith.select %le3A_311, %select_n3A_246, %select_n3A_245 : vector<32x2560xi1>, vector<32x2560xi32>
    %select_n3A_326 = arith.select %le3A_311, %slice3A_89, %select_n3A_246 : vector<32x2560xi1>, vector<32x2560xi32>
    %reduce_min3A_327 = arith.constant dense<0x7F800000> : vector<32xf32>
    %reduce_min3A_328 = vector.multi_reduction <minimumf>, %select_n3A_258, %reduce_min3A_327 [1] : vector<32x2560xf32> to vector<32xf32>
    %broadcast_in_dim3A_329 = vector.shape_cast %reduce_min3A_328 : vector<32xf32> to vector<32x1xf32>
    %le3A_330 = vector.broadcast %broadcast_in_dim3A_329 : vector<32x1xf32> to vector<32x2560xf32>
    %le3A_331 = arith.cmpf ole, %select_n3A_258, %le3A_330 : vector<32x2560xf32>
    %jit3A_332 = arith.constant 1073741824 : i32
    %broadcast_in_dim3A_333 = vector.broadcast %jit3A_332 : i32 to vector<32x2560xi32>
    %select_n3A_334 = arith.select %le3A_331, %select_n3A_264, %broadcast_in_dim3A_333 : vector<32x2560xi1>, vector<32x2560xi32>
    %reduce_min3A_335 = arith.constant dense<2147483647> : vector<32xi32>
    %reduce_min3A_336 = vector.multi_reduction <minsi>, %select_n3A_334, %reduce_min3A_335 [1] : vector<32x2560xi32> to vector<32xi32>
    %broadcast_in_dim3A_337 = vector.shape_cast %reduce_min3A_336 : vector<32xi32> to vector<32x1xi32>
    %select_n3A_338 = arith.select %le3A_331, %select_n3A_259, %select_n3A_258 : vector<32x2560xi1>, vector<32x2560xf32>
    %select_n3A_339 = arith.select %le3A_331, %select_n3A_260, %select_n3A_259 : vector<32x2560xi1>, vector<32x2560xf32>
    %select_n3A_340 = arith.select %le3A_331, %select_n3A_263, %select_n3A_260 : vector<32x2560xi1>, vector<32x2560xf32>
    %jit3A_341 = arith.constant 3.000000e+38 : f32
    %broadcast_in_dim3A_342 = vector.broadcast %jit3A_341 : f32 to vector<32x2560xf32>
    %select_n3A_343 = arith.select %le3A_331, %broadcast_in_dim3A_342, %select_n3A_263 : vector<32x2560xi1>, vector<32x2560xf32>
    %select_n3A_344 = arith.select %le3A_331, %select_n3A_265, %select_n3A_264 : vector<32x2560xi1>, vector<32x2560xi32>
    %select_n3A_345 = arith.select %le3A_331, %select_n3A_266, %select_n3A_265 : vector<32x2560xi1>, vector<32x2560xi32>
    %select_n3A_346 = arith.select %le3A_331, %slice3A_65, %select_n3A_266 : vector<32x2560xi1>, vector<32x2560xi32>
    %reduce_min3A_347 = arith.constant dense<0x7F800000> : vector<32xf32>
    %reduce_min3A_348 = vector.multi_reduction <minimumf>, %select_n3A_278, %reduce_min3A_347 [1] : vector<32x2560xf32> to vector<32xf32>
    %broadcast_in_dim3A_349 = vector.shape_cast %reduce_min3A_348 : vector<32xf32> to vector<32x1xf32>
    %le3A_350 = vector.broadcast %broadcast_in_dim3A_349 : vector<32x1xf32> to vector<32x2560xf32>
    %le3A_351 = arith.cmpf ole, %select_n3A_278, %le3A_350 : vector<32x2560xf32>
    %jit3A_352 = arith.constant 1073741824 : i32
    %broadcast_in_dim3A_353 = vector.broadcast %jit3A_352 : i32 to vector<32x2560xi32>
    %select_n3A_354 = arith.select %le3A_351, %select_n3A_284, %broadcast_in_dim3A_353 : vector<32x2560xi1>, vector<32x2560xi32>
    %reduce_min3A_355 = arith.constant dense<2147483647> : vector<32xi32>
    %reduce_min3A_356 = vector.multi_reduction <minsi>, %select_n3A_354, %reduce_min3A_355 [1] : vector<32x2560xi32> to vector<32xi32>
    %broadcast_in_dim3A_357 = vector.shape_cast %reduce_min3A_356 : vector<32xi32> to vector<32x1xi32>
    %select_n3A_358 = arith.select %le3A_351, %select_n3A_279, %select_n3A_278 : vector<32x2560xi1>, vector<32x2560xf32>
    %select_n3A_359 = arith.select %le3A_351, %select_n3A_280, %select_n3A_279 : vector<32x2560xi1>, vector<32x2560xf32>
    %select_n3A_360 = arith.select %le3A_351, %select_n3A_283, %select_n3A_280 : vector<32x2560xi1>, vector<32x2560xf32>
    %jit3A_361 = arith.constant 3.000000e+38 : f32
    %broadcast_in_dim3A_362 = vector.broadcast %jit3A_361 : f32 to vector<32x2560xf32>
    %select_n3A_363 = arith.select %le3A_351, %broadcast_in_dim3A_362, %select_n3A_283 : vector<32x2560xi1>, vector<32x2560xf32>
    %select_n3A_364 = arith.select %le3A_351, %select_n3A_285, %select_n3A_284 : vector<32x2560xi1>, vector<32x2560xi32>
    %select_n3A_365 = arith.select %le3A_351, %select_n3A_286, %select_n3A_285 : vector<32x2560xi1>, vector<32x2560xi32>
    %select_n3A_366 = arith.select %le3A_351, %slice3A_73, %select_n3A_286 : vector<32x2560xi1>, vector<32x2560xi32>
    %reduce_min3A_367 = arith.constant dense<0x7F800000> : vector<32xf32>
    %reduce_min3A_368 = vector.multi_reduction <minimumf>, %select_n3A_298, %reduce_min3A_367 [1] : vector<32x2560xf32> to vector<32xf32>
    %broadcast_in_dim3A_369 = vector.shape_cast %reduce_min3A_368 : vector<32xf32> to vector<32x1xf32>
    %le3A_370 = vector.broadcast %broadcast_in_dim3A_369 : vector<32x1xf32> to vector<32x2560xf32>
    %le3A_371 = arith.cmpf ole, %select_n3A_298, %le3A_370 : vector<32x2560xf32>
    %jit3A_372 = arith.constant 1073741824 : i32
    %broadcast_in_dim3A_373 = vector.broadcast %jit3A_372 : i32 to vector<32x2560xi32>
    %select_n3A_374 = arith.select %le3A_371, %select_n3A_304, %broadcast_in_dim3A_373 : vector<32x2560xi1>, vector<32x2560xi32>
    %reduce_min3A_375 = arith.constant dense<2147483647> : vector<32xi32>
    %reduce_min3A_376 = vector.multi_reduction <minsi>, %select_n3A_374, %reduce_min3A_375 [1] : vector<32x2560xi32> to vector<32xi32>
    %broadcast_in_dim3A_377 = vector.shape_cast %reduce_min3A_376 : vector<32xi32> to vector<32x1xi32>
    %select_n3A_378 = arith.select %le3A_371, %select_n3A_299, %select_n3A_298 : vector<32x2560xi1>, vector<32x2560xf32>
    %select_n3A_379 = arith.select %le3A_371, %select_n3A_300, %select_n3A_299 : vector<32x2560xi1>, vector<32x2560xf32>
    %select_n3A_380 = arith.select %le3A_371, %select_n3A_303, %select_n3A_300 : vector<32x2560xi1>, vector<32x2560xf32>
    %jit3A_381 = arith.constant 3.000000e+38 : f32
    %broadcast_in_dim3A_382 = vector.broadcast %jit3A_381 : f32 to vector<32x2560xf32>
    %select_n3A_383 = arith.select %le3A_371, %broadcast_in_dim3A_382, %select_n3A_303 : vector<32x2560xi1>, vector<32x2560xf32>
    %select_n3A_384 = arith.select %le3A_371, %select_n3A_305, %select_n3A_304 : vector<32x2560xi1>, vector<32x2560xi32>
    %select_n3A_385 = arith.select %le3A_371, %select_n3A_306, %select_n3A_305 : vector<32x2560xi1>, vector<32x2560xi32>
    %select_n3A_386 = arith.select %le3A_371, %slice3A_81, %select_n3A_306 : vector<32x2560xi1>, vector<32x2560xi32>
    %reduce_min3A_387 = arith.constant dense<0x7F800000> : vector<32xf32>
    %reduce_min3A_388 = vector.multi_reduction <minimumf>, %select_n3A_318, %reduce_min3A_387 [1] : vector<32x2560xf32> to vector<32xf32>
    %broadcast_in_dim3A_389 = vector.shape_cast %reduce_min3A_388 : vector<32xf32> to vector<32x1xf32>
    %le3A_390 = vector.broadcast %broadcast_in_dim3A_389 : vector<32x1xf32> to vector<32x2560xf32>
    %le3A_391 = arith.cmpf ole, %select_n3A_318, %le3A_390 : vector<32x2560xf32>
    %jit3A_392 = arith.constant 1073741824 : i32
    %broadcast_in_dim3A_393 = vector.broadcast %jit3A_392 : i32 to vector<32x2560xi32>
    %select_n3A_394 = arith.select %le3A_391, %select_n3A_324, %broadcast_in_dim3A_393 : vector<32x2560xi1>, vector<32x2560xi32>
    %reduce_min3A_395 = arith.constant dense<2147483647> : vector<32xi32>
    %reduce_min3A_396 = vector.multi_reduction <minsi>, %select_n3A_394, %reduce_min3A_395 [1] : vector<32x2560xi32> to vector<32xi32>
    %broadcast_in_dim3A_397 = vector.shape_cast %reduce_min3A_396 : vector<32xi32> to vector<32x1xi32>
    %select_n3A_398 = arith.select %le3A_391, %select_n3A_319, %select_n3A_318 : vector<32x2560xi1>, vector<32x2560xf32>
    %select_n3A_399 = arith.select %le3A_391, %select_n3A_320, %select_n3A_319 : vector<32x2560xi1>, vector<32x2560xf32>
    %select_n3A_400 = arith.select %le3A_391, %select_n3A_323, %select_n3A_320 : vector<32x2560xi1>, vector<32x2560xf32>
    %jit3A_401 = arith.constant 3.000000e+38 : f32
    %broadcast_in_dim3A_402 = vector.broadcast %jit3A_401 : f32 to vector<32x2560xf32>
    %select_n3A_403 = arith.select %le3A_391, %broadcast_in_dim3A_402, %select_n3A_323 : vector<32x2560xi1>, vector<32x2560xf32>
    %select_n3A_404 = arith.select %le3A_391, %select_n3A_325, %select_n3A_324 : vector<32x2560xi1>, vector<32x2560xi32>
    %select_n3A_405 = arith.select %le3A_391, %select_n3A_326, %select_n3A_325 : vector<32x2560xi1>, vector<32x2560xi32>
    %select_n3A_406 = arith.select %le3A_391, %slice3A_89, %select_n3A_326 : vector<32x2560xi1>, vector<32x2560xi32>
    %reduce_min3A_407 = arith.constant dense<0x7F800000> : vector<32xf32>
    %reduce_min3A_408 = vector.multi_reduction <minimumf>, %select_n3A_338, %reduce_min3A_407 [1] : vector<32x2560xf32> to vector<32xf32>
    %broadcast_in_dim3A_409 = vector.shape_cast %reduce_min3A_408 : vector<32xf32> to vector<32x1xf32>
    %le3A_410 = vector.broadcast %broadcast_in_dim3A_409 : vector<32x1xf32> to vector<32x2560xf32>
    %le3A_411 = arith.cmpf ole, %select_n3A_338, %le3A_410 : vector<32x2560xf32>
    %jit3A_412 = arith.constant 1073741824 : i32
    %broadcast_in_dim3A_413 = vector.broadcast %jit3A_412 : i32 to vector<32x2560xi32>
    %select_n3A_414 = arith.select %le3A_411, %select_n3A_344, %broadcast_in_dim3A_413 : vector<32x2560xi1>, vector<32x2560xi32>
    %reduce_min3A_415 = arith.constant dense<2147483647> : vector<32xi32>
    %reduce_min3A_416 = vector.multi_reduction <minsi>, %select_n3A_414, %reduce_min3A_415 [1] : vector<32x2560xi32> to vector<32xi32>
    %broadcast_in_dim3A_417 = vector.shape_cast %reduce_min3A_416 : vector<32xi32> to vector<32x1xi32>
    %select_n3A_418 = arith.select %le3A_411, %select_n3A_339, %select_n3A_338 : vector<32x2560xi1>, vector<32x2560xf32>
    %select_n3A_419 = arith.select %le3A_411, %select_n3A_340, %select_n3A_339 : vector<32x2560xi1>, vector<32x2560xf32>
    %select_n3A_420 = arith.select %le3A_411, %select_n3A_343, %select_n3A_340 : vector<32x2560xi1>, vector<32x2560xf32>
    %jit3A_421 = arith.constant 3.000000e+38 : f32
    %broadcast_in_dim3A_422 = vector.broadcast %jit3A_421 : f32 to vector<32x2560xf32>
    %select_n3A_423 = arith.select %le3A_411, %broadcast_in_dim3A_422, %select_n3A_343 : vector<32x2560xi1>, vector<32x2560xf32>
    %select_n3A_424 = arith.select %le3A_411, %select_n3A_345, %select_n3A_344 : vector<32x2560xi1>, vector<32x2560xi32>
    %select_n3A_425 = arith.select %le3A_411, %select_n3A_346, %select_n3A_345 : vector<32x2560xi1>, vector<32x2560xi32>
    %select_n3A_426 = arith.select %le3A_411, %slice3A_65, %select_n3A_346 : vector<32x2560xi1>, vector<32x2560xi32>
    %reduce_min3A_427 = arith.constant dense<0x7F800000> : vector<32xf32>
    %reduce_min3A_428 = vector.multi_reduction <minimumf>, %select_n3A_358, %reduce_min3A_427 [1] : vector<32x2560xf32> to vector<32xf32>
    %broadcast_in_dim3A_429 = vector.shape_cast %reduce_min3A_428 : vector<32xf32> to vector<32x1xf32>
    %le3A_430 = vector.broadcast %broadcast_in_dim3A_429 : vector<32x1xf32> to vector<32x2560xf32>
    %le3A_431 = arith.cmpf ole, %select_n3A_358, %le3A_430 : vector<32x2560xf32>
    %jit3A_432 = arith.constant 1073741824 : i32
    %broadcast_in_dim3A_433 = vector.broadcast %jit3A_432 : i32 to vector<32x2560xi32>
    %select_n3A_434 = arith.select %le3A_431, %select_n3A_364, %broadcast_in_dim3A_433 : vector<32x2560xi1>, vector<32x2560xi32>
    %reduce_min3A_435 = arith.constant dense<2147483647> : vector<32xi32>
    %reduce_min3A_436 = vector.multi_reduction <minsi>, %select_n3A_434, %reduce_min3A_435 [1] : vector<32x2560xi32> to vector<32xi32>
    %broadcast_in_dim3A_437 = vector.shape_cast %reduce_min3A_436 : vector<32xi32> to vector<32x1xi32>
    %select_n3A_438 = arith.select %le3A_431, %select_n3A_359, %select_n3A_358 : vector<32x2560xi1>, vector<32x2560xf32>
    %select_n3A_439 = arith.select %le3A_431, %select_n3A_360, %select_n3A_359 : vector<32x2560xi1>, vector<32x2560xf32>
    %select_n3A_440 = arith.select %le3A_431, %select_n3A_363, %select_n3A_360 : vector<32x2560xi1>, vector<32x2560xf32>
    %jit3A_441 = arith.constant 3.000000e+38 : f32
    %broadcast_in_dim3A_442 = vector.broadcast %jit3A_441 : f32 to vector<32x2560xf32>
    %select_n3A_443 = arith.select %le3A_431, %broadcast_in_dim3A_442, %select_n3A_363 : vector<32x2560xi1>, vector<32x2560xf32>
    %select_n3A_444 = arith.select %le3A_431, %select_n3A_365, %select_n3A_364 : vector<32x2560xi1>, vector<32x2560xi32>
    %select_n3A_445 = arith.select %le3A_431, %select_n3A_366, %select_n3A_365 : vector<32x2560xi1>, vector<32x2560xi32>
    %select_n3A_446 = arith.select %le3A_431, %slice3A_73, %select_n3A_366 : vector<32x2560xi1>, vector<32x2560xi32>
    %reduce_min3A_447 = arith.constant dense<0x7F800000> : vector<32xf32>
    %reduce_min3A_448 = vector.multi_reduction <minimumf>, %select_n3A_378, %reduce_min3A_447 [1] : vector<32x2560xf32> to vector<32xf32>
    %broadcast_in_dim3A_449 = vector.shape_cast %reduce_min3A_448 : vector<32xf32> to vector<32x1xf32>
    %le3A_450 = vector.broadcast %broadcast_in_dim3A_449 : vector<32x1xf32> to vector<32x2560xf32>
    %le3A_451 = arith.cmpf ole, %select_n3A_378, %le3A_450 : vector<32x2560xf32>
    %jit3A_452 = arith.constant 1073741824 : i32
    %broadcast_in_dim3A_453 = vector.broadcast %jit3A_452 : i32 to vector<32x2560xi32>
    %select_n3A_454 = arith.select %le3A_451, %select_n3A_384, %broadcast_in_dim3A_453 : vector<32x2560xi1>, vector<32x2560xi32>
    %reduce_min3A_455 = arith.constant dense<2147483647> : vector<32xi32>
    %reduce_min3A_456 = vector.multi_reduction <minsi>, %select_n3A_454, %reduce_min3A_455 [1] : vector<32x2560xi32> to vector<32xi32>
    %broadcast_in_dim3A_457 = vector.shape_cast %reduce_min3A_456 : vector<32xi32> to vector<32x1xi32>
    %select_n3A_458 = arith.select %le3A_451, %select_n3A_379, %select_n3A_378 : vector<32x2560xi1>, vector<32x2560xf32>
    %select_n3A_459 = arith.select %le3A_451, %select_n3A_380, %select_n3A_379 : vector<32x2560xi1>, vector<32x2560xf32>
    %select_n3A_460 = arith.select %le3A_451, %select_n3A_383, %select_n3A_380 : vector<32x2560xi1>, vector<32x2560xf32>
    %jit3A_461 = arith.constant 3.000000e+38 : f32
    %broadcast_in_dim3A_462 = vector.broadcast %jit3A_461 : f32 to vector<32x2560xf32>
    %select_n3A_463 = arith.select %le3A_451, %broadcast_in_dim3A_462, %select_n3A_383 : vector<32x2560xi1>, vector<32x2560xf32>
    %select_n3A_464 = arith.select %le3A_451, %select_n3A_385, %select_n3A_384 : vector<32x2560xi1>, vector<32x2560xi32>
    %select_n3A_465 = arith.select %le3A_451, %select_n3A_386, %select_n3A_385 : vector<32x2560xi1>, vector<32x2560xi32>
    %select_n3A_466 = arith.select %le3A_451, %slice3A_81, %select_n3A_386 : vector<32x2560xi1>, vector<32x2560xi32>
    %reduce_min3A_467 = arith.constant dense<0x7F800000> : vector<32xf32>
    %reduce_min3A_468 = vector.multi_reduction <minimumf>, %select_n3A_398, %reduce_min3A_467 [1] : vector<32x2560xf32> to vector<32xf32>
    %broadcast_in_dim3A_469 = vector.shape_cast %reduce_min3A_468 : vector<32xf32> to vector<32x1xf32>
    %le3A_470 = vector.broadcast %broadcast_in_dim3A_469 : vector<32x1xf32> to vector<32x2560xf32>
    %le3A_471 = arith.cmpf ole, %select_n3A_398, %le3A_470 : vector<32x2560xf32>
    %jit3A_472 = arith.constant 1073741824 : i32
    %broadcast_in_dim3A_473 = vector.broadcast %jit3A_472 : i32 to vector<32x2560xi32>
    %select_n3A_474 = arith.select %le3A_471, %select_n3A_404, %broadcast_in_dim3A_473 : vector<32x2560xi1>, vector<32x2560xi32>
    %reduce_min3A_475 = arith.constant dense<2147483647> : vector<32xi32>
    %reduce_min3A_476 = vector.multi_reduction <minsi>, %select_n3A_474, %reduce_min3A_475 [1] : vector<32x2560xi32> to vector<32xi32>
    %broadcast_in_dim3A_477 = vector.shape_cast %reduce_min3A_476 : vector<32xi32> to vector<32x1xi32>
    %select_n3A_478 = arith.select %le3A_471, %select_n3A_399, %select_n3A_398 : vector<32x2560xi1>, vector<32x2560xf32>
    %select_n3A_479 = arith.select %le3A_471, %select_n3A_400, %select_n3A_399 : vector<32x2560xi1>, vector<32x2560xf32>
    %select_n3A_480 = arith.select %le3A_471, %select_n3A_403, %select_n3A_400 : vector<32x2560xi1>, vector<32x2560xf32>
    %jit3A_481 = arith.constant 3.000000e+38 : f32
    %broadcast_in_dim3A_482 = vector.broadcast %jit3A_481 : f32 to vector<32x2560xf32>
    %select_n3A_483 = arith.select %le3A_471, %broadcast_in_dim3A_482, %select_n3A_403 : vector<32x2560xi1>, vector<32x2560xf32>
    %select_n3A_484 = arith.select %le3A_471, %select_n3A_405, %select_n3A_404 : vector<32x2560xi1>, vector<32x2560xi32>
    %select_n3A_485 = arith.select %le3A_471, %select_n3A_406, %select_n3A_405 : vector<32x2560xi1>, vector<32x2560xi32>
    %select_n3A_486 = arith.select %le3A_471, %slice3A_89, %select_n3A_406 : vector<32x2560xi1>, vector<32x2560xi32>
    %reduce_min3A_487 = arith.constant dense<0x7F800000> : vector<32xf32>
    %reduce_min3A_488 = vector.multi_reduction <minimumf>, %select_n3A_418, %reduce_min3A_487 [1] : vector<32x2560xf32> to vector<32xf32>
    %broadcast_in_dim3A_489 = vector.shape_cast %reduce_min3A_488 : vector<32xf32> to vector<32x1xf32>
    %le3A_490 = vector.broadcast %broadcast_in_dim3A_489 : vector<32x1xf32> to vector<32x2560xf32>
    %le3A_491 = arith.cmpf ole, %select_n3A_418, %le3A_490 : vector<32x2560xf32>
    %jit3A_492 = arith.constant 1073741824 : i32
    %broadcast_in_dim3A_493 = vector.broadcast %jit3A_492 : i32 to vector<32x2560xi32>
    %select_n3A_494 = arith.select %le3A_491, %select_n3A_424, %broadcast_in_dim3A_493 : vector<32x2560xi1>, vector<32x2560xi32>
    %reduce_min3A_495 = arith.constant dense<2147483647> : vector<32xi32>
    %reduce_min3A_496 = vector.multi_reduction <minsi>, %select_n3A_494, %reduce_min3A_495 [1] : vector<32x2560xi32> to vector<32xi32>
    %broadcast_in_dim3A_497 = vector.shape_cast %reduce_min3A_496 : vector<32xi32> to vector<32x1xi32>
    %select_n3A_498 = arith.select %le3A_491, %select_n3A_419, %select_n3A_418 : vector<32x2560xi1>, vector<32x2560xf32>
    %select_n3A_499 = arith.select %le3A_491, %select_n3A_420, %select_n3A_419 : vector<32x2560xi1>, vector<32x2560xf32>
    %select_n3A_500 = arith.select %le3A_491, %select_n3A_423, %select_n3A_420 : vector<32x2560xi1>, vector<32x2560xf32>
    %jit3A_501 = arith.constant 3.000000e+38 : f32
    %broadcast_in_dim3A_502 = vector.broadcast %jit3A_501 : f32 to vector<32x2560xf32>
    %select_n3A_503 = arith.select %le3A_491, %broadcast_in_dim3A_502, %select_n3A_423 : vector<32x2560xi1>, vector<32x2560xf32>
    %select_n3A_504 = arith.select %le3A_491, %select_n3A_425, %select_n3A_424 : vector<32x2560xi1>, vector<32x2560xi32>
    %select_n3A_505 = arith.select %le3A_491, %select_n3A_426, %select_n3A_425 : vector<32x2560xi1>, vector<32x2560xi32>
    %select_n3A_506 = arith.select %le3A_491, %slice3A_65, %select_n3A_426 : vector<32x2560xi1>, vector<32x2560xi32>
    %reduce_min3A_507 = arith.constant dense<0x7F800000> : vector<32xf32>
    %reduce_min3A_508 = vector.multi_reduction <minimumf>, %select_n3A_438, %reduce_min3A_507 [1] : vector<32x2560xf32> to vector<32xf32>
    %broadcast_in_dim3A_509 = vector.shape_cast %reduce_min3A_508 : vector<32xf32> to vector<32x1xf32>
    %le3A_510 = vector.broadcast %broadcast_in_dim3A_509 : vector<32x1xf32> to vector<32x2560xf32>
    %le3A_511 = arith.cmpf ole, %select_n3A_438, %le3A_510 : vector<32x2560xf32>
    %jit3A_512 = arith.constant 1073741824 : i32
    %broadcast_in_dim3A_513 = vector.broadcast %jit3A_512 : i32 to vector<32x2560xi32>
    %select_n3A_514 = arith.select %le3A_511, %select_n3A_444, %broadcast_in_dim3A_513 : vector<32x2560xi1>, vector<32x2560xi32>
    %reduce_min3A_515 = arith.constant dense<2147483647> : vector<32xi32>
    %reduce_min3A_516 = vector.multi_reduction <minsi>, %select_n3A_514, %reduce_min3A_515 [1] : vector<32x2560xi32> to vector<32xi32>
    %broadcast_in_dim3A_517 = vector.shape_cast %reduce_min3A_516 : vector<32xi32> to vector<32x1xi32>
    %select_n3A_518 = arith.select %le3A_511, %select_n3A_439, %select_n3A_438 : vector<32x2560xi1>, vector<32x2560xf32>
    %select_n3A_519 = arith.select %le3A_511, %select_n3A_440, %select_n3A_439 : vector<32x2560xi1>, vector<32x2560xf32>
    %select_n3A_520 = arith.select %le3A_511, %select_n3A_443, %select_n3A_440 : vector<32x2560xi1>, vector<32x2560xf32>
    %jit3A_521 = arith.constant 3.000000e+38 : f32
    %broadcast_in_dim3A_522 = vector.broadcast %jit3A_521 : f32 to vector<32x2560xf32>
    %select_n3A_523 = arith.select %le3A_511, %broadcast_in_dim3A_522, %select_n3A_443 : vector<32x2560xi1>, vector<32x2560xf32>
    %select_n3A_524 = arith.select %le3A_511, %select_n3A_445, %select_n3A_444 : vector<32x2560xi1>, vector<32x2560xi32>
    %select_n3A_525 = arith.select %le3A_511, %select_n3A_446, %select_n3A_445 : vector<32x2560xi1>, vector<32x2560xi32>
    %select_n3A_526 = arith.select %le3A_511, %slice3A_73, %select_n3A_446 : vector<32x2560xi1>, vector<32x2560xi32>
    %reduce_min3A_527 = arith.constant dense<0x7F800000> : vector<32xf32>
    %reduce_min3A_528 = vector.multi_reduction <minimumf>, %select_n3A_458, %reduce_min3A_527 [1] : vector<32x2560xf32> to vector<32xf32>
    %broadcast_in_dim3A_529 = vector.shape_cast %reduce_min3A_528 : vector<32xf32> to vector<32x1xf32>
    %le3A_530 = vector.broadcast %broadcast_in_dim3A_529 : vector<32x1xf32> to vector<32x2560xf32>
    %le3A_531 = arith.cmpf ole, %select_n3A_458, %le3A_530 : vector<32x2560xf32>
    %jit3A_532 = arith.constant 1073741824 : i32
    %broadcast_in_dim3A_533 = vector.broadcast %jit3A_532 : i32 to vector<32x2560xi32>
    %select_n3A_534 = arith.select %le3A_531, %select_n3A_464, %broadcast_in_dim3A_533 : vector<32x2560xi1>, vector<32x2560xi32>
    %reduce_min3A_535 = arith.constant dense<2147483647> : vector<32xi32>
    %reduce_min3A_536 = vector.multi_reduction <minsi>, %select_n3A_534, %reduce_min3A_535 [1] : vector<32x2560xi32> to vector<32xi32>
    %broadcast_in_dim3A_537 = vector.shape_cast %reduce_min3A_536 : vector<32xi32> to vector<32x1xi32>
    %select_n3A_538 = arith.select %le3A_531, %select_n3A_459, %select_n3A_458 : vector<32x2560xi1>, vector<32x2560xf32>
    %select_n3A_539 = arith.select %le3A_531, %select_n3A_460, %select_n3A_459 : vector<32x2560xi1>, vector<32x2560xf32>
    %select_n3A_540 = arith.select %le3A_531, %select_n3A_463, %select_n3A_460 : vector<32x2560xi1>, vector<32x2560xf32>
    %jit3A_541 = arith.constant 3.000000e+38 : f32
    %broadcast_in_dim3A_542 = vector.broadcast %jit3A_541 : f32 to vector<32x2560xf32>
    %select_n3A_543 = arith.select %le3A_531, %broadcast_in_dim3A_542, %select_n3A_463 : vector<32x2560xi1>, vector<32x2560xf32>
    %select_n3A_544 = arith.select %le3A_531, %select_n3A_465, %select_n3A_464 : vector<32x2560xi1>, vector<32x2560xi32>
    %select_n3A_545 = arith.select %le3A_531, %select_n3A_466, %select_n3A_465 : vector<32x2560xi1>, vector<32x2560xi32>
    %select_n3A_546 = arith.select %le3A_531, %slice3A_81, %select_n3A_466 : vector<32x2560xi1>, vector<32x2560xi32>
    %reduce_min3A_547 = arith.constant dense<0x7F800000> : vector<32xf32>
    %reduce_min3A_548 = vector.multi_reduction <minimumf>, %select_n3A_478, %reduce_min3A_547 [1] : vector<32x2560xf32> to vector<32xf32>
    %broadcast_in_dim3A_549 = vector.shape_cast %reduce_min3A_548 : vector<32xf32> to vector<32x1xf32>
    %le3A_550 = vector.broadcast %broadcast_in_dim3A_549 : vector<32x1xf32> to vector<32x2560xf32>
    %le3A_551 = arith.cmpf ole, %select_n3A_478, %le3A_550 : vector<32x2560xf32>
    %jit3A_552 = arith.constant 1073741824 : i32
    %broadcast_in_dim3A_553 = vector.broadcast %jit3A_552 : i32 to vector<32x2560xi32>
    %select_n3A_554 = arith.select %le3A_551, %select_n3A_484, %broadcast_in_dim3A_553 : vector<32x2560xi1>, vector<32x2560xi32>
    %reduce_min3A_555 = arith.constant dense<2147483647> : vector<32xi32>
    %reduce_min3A_556 = vector.multi_reduction <minsi>, %select_n3A_554, %reduce_min3A_555 [1] : vector<32x2560xi32> to vector<32xi32>
    %broadcast_in_dim3A_557 = vector.shape_cast %reduce_min3A_556 : vector<32xi32> to vector<32x1xi32>
    %select_n3A_558 = arith.select %le3A_551, %select_n3A_479, %select_n3A_478 : vector<32x2560xi1>, vector<32x2560xf32>
    %select_n3A_559 = arith.select %le3A_551, %select_n3A_480, %select_n3A_479 : vector<32x2560xi1>, vector<32x2560xf32>
    %select_n3A_560 = arith.select %le3A_551, %select_n3A_483, %select_n3A_480 : vector<32x2560xi1>, vector<32x2560xf32>
    %jit3A_561 = arith.constant 3.000000e+38 : f32
    %broadcast_in_dim3A_562 = vector.broadcast %jit3A_561 : f32 to vector<32x2560xf32>
    %select_n3A_563 = arith.select %le3A_551, %broadcast_in_dim3A_562, %select_n3A_483 : vector<32x2560xi1>, vector<32x2560xf32>
    %select_n3A_564 = arith.select %le3A_551, %select_n3A_485, %select_n3A_484 : vector<32x2560xi1>, vector<32x2560xi32>
    %select_n3A_565 = arith.select %le3A_551, %select_n3A_486, %select_n3A_485 : vector<32x2560xi1>, vector<32x2560xi32>
    %select_n3A_566 = arith.select %le3A_551, %slice3A_89, %select_n3A_486 : vector<32x2560xi1>, vector<32x2560xi32>
    %reduce_min3A_567 = arith.constant dense<0x7F800000> : vector<32xf32>
    %reduce_min3A_568 = vector.multi_reduction <minimumf>, %select_n3A_498, %reduce_min3A_567 [1] : vector<32x2560xf32> to vector<32xf32>
    %broadcast_in_dim3A_569 = vector.shape_cast %reduce_min3A_568 : vector<32xf32> to vector<32x1xf32>
    %le3A_570 = vector.broadcast %broadcast_in_dim3A_569 : vector<32x1xf32> to vector<32x2560xf32>
    %le3A_571 = arith.cmpf ole, %select_n3A_498, %le3A_570 : vector<32x2560xf32>
    %jit3A_572 = arith.constant 1073741824 : i32
    %broadcast_in_dim3A_573 = vector.broadcast %jit3A_572 : i32 to vector<32x2560xi32>
    %select_n3A_574 = arith.select %le3A_571, %select_n3A_504, %broadcast_in_dim3A_573 : vector<32x2560xi1>, vector<32x2560xi32>
    %reduce_min3A_575 = arith.constant dense<2147483647> : vector<32xi32>
    %reduce_min3A_576 = vector.multi_reduction <minsi>, %select_n3A_574, %reduce_min3A_575 [1] : vector<32x2560xi32> to vector<32xi32>
    %broadcast_in_dim3A_577 = vector.shape_cast %reduce_min3A_576 : vector<32xi32> to vector<32x1xi32>
    %select_n3A_578 = arith.select %le3A_571, %select_n3A_499, %select_n3A_498 : vector<32x2560xi1>, vector<32x2560xf32>
    %select_n3A_579 = arith.select %le3A_571, %select_n3A_500, %select_n3A_499 : vector<32x2560xi1>, vector<32x2560xf32>
    %select_n3A_580 = arith.select %le3A_571, %select_n3A_503, %select_n3A_500 : vector<32x2560xi1>, vector<32x2560xf32>
    %jit3A_581 = arith.constant 3.000000e+38 : f32
    %broadcast_in_dim3A_582 = vector.broadcast %jit3A_581 : f32 to vector<32x2560xf32>
    %select_n3A_583 = arith.select %le3A_571, %broadcast_in_dim3A_582, %select_n3A_503 : vector<32x2560xi1>, vector<32x2560xf32>
    %select_n3A_584 = arith.select %le3A_571, %select_n3A_505, %select_n3A_504 : vector<32x2560xi1>, vector<32x2560xi32>
    %select_n3A_585 = arith.select %le3A_571, %select_n3A_506, %select_n3A_505 : vector<32x2560xi1>, vector<32x2560xi32>
    %select_n3A_586 = arith.select %le3A_571, %slice3A_65, %select_n3A_506 : vector<32x2560xi1>, vector<32x2560xi32>
    %reduce_min3A_587 = arith.constant dense<0x7F800000> : vector<32xf32>
    %reduce_min3A_588 = vector.multi_reduction <minimumf>, %select_n3A_518, %reduce_min3A_587 [1] : vector<32x2560xf32> to vector<32xf32>
    %broadcast_in_dim3A_589 = vector.shape_cast %reduce_min3A_588 : vector<32xf32> to vector<32x1xf32>
    %le3A_590 = vector.broadcast %broadcast_in_dim3A_589 : vector<32x1xf32> to vector<32x2560xf32>
    %le3A_591 = arith.cmpf ole, %select_n3A_518, %le3A_590 : vector<32x2560xf32>
    %jit3A_592 = arith.constant 1073741824 : i32
    %broadcast_in_dim3A_593 = vector.broadcast %jit3A_592 : i32 to vector<32x2560xi32>
    %select_n3A_594 = arith.select %le3A_591, %select_n3A_524, %broadcast_in_dim3A_593 : vector<32x2560xi1>, vector<32x2560xi32>
    %reduce_min3A_595 = arith.constant dense<2147483647> : vector<32xi32>
    %reduce_min3A_596 = vector.multi_reduction <minsi>, %select_n3A_594, %reduce_min3A_595 [1] : vector<32x2560xi32> to vector<32xi32>
    %broadcast_in_dim3A_597 = vector.shape_cast %reduce_min3A_596 : vector<32xi32> to vector<32x1xi32>
    %select_n3A_598 = arith.select %le3A_591, %select_n3A_519, %select_n3A_518 : vector<32x2560xi1>, vector<32x2560xf32>
    %select_n3A_599 = arith.select %le3A_591, %select_n3A_520, %select_n3A_519 : vector<32x2560xi1>, vector<32x2560xf32>
    %select_n3A_600 = arith.select %le3A_591, %select_n3A_523, %select_n3A_520 : vector<32x2560xi1>, vector<32x2560xf32>
    %jit3A_601 = arith.constant 3.000000e+38 : f32
    %broadcast_in_dim3A_602 = vector.broadcast %jit3A_601 : f32 to vector<32x2560xf32>
    %select_n3A_603 = arith.select %le3A_591, %broadcast_in_dim3A_602, %select_n3A_523 : vector<32x2560xi1>, vector<32x2560xf32>
    %select_n3A_604 = arith.select %le3A_591, %select_n3A_525, %select_n3A_524 : vector<32x2560xi1>, vector<32x2560xi32>
    %select_n3A_605 = arith.select %le3A_591, %select_n3A_526, %select_n3A_525 : vector<32x2560xi1>, vector<32x2560xi32>
    %select_n3A_606 = arith.select %le3A_591, %slice3A_73, %select_n3A_526 : vector<32x2560xi1>, vector<32x2560xi32>
    %reduce_min3A_607 = arith.constant dense<0x7F800000> : vector<32xf32>
    %reduce_min3A_608 = vector.multi_reduction <minimumf>, %select_n3A_538, %reduce_min3A_607 [1] : vector<32x2560xf32> to vector<32xf32>
    %broadcast_in_dim3A_609 = vector.shape_cast %reduce_min3A_608 : vector<32xf32> to vector<32x1xf32>
    %le3A_610 = vector.broadcast %broadcast_in_dim3A_609 : vector<32x1xf32> to vector<32x2560xf32>
    %le3A_611 = arith.cmpf ole, %select_n3A_538, %le3A_610 : vector<32x2560xf32>
    %jit3A_612 = arith.constant 1073741824 : i32
    %broadcast_in_dim3A_613 = vector.broadcast %jit3A_612 : i32 to vector<32x2560xi32>
    %select_n3A_614 = arith.select %le3A_611, %select_n3A_544, %broadcast_in_dim3A_613 : vector<32x2560xi1>, vector<32x2560xi32>
    %reduce_min3A_615 = arith.constant dense<2147483647> : vector<32xi32>
    %reduce_min3A_616 = vector.multi_reduction <minsi>, %select_n3A_614, %reduce_min3A_615 [1] : vector<32x2560xi32> to vector<32xi32>
    %broadcast_in_dim3A_617 = vector.shape_cast %reduce_min3A_616 : vector<32xi32> to vector<32x1xi32>
    %select_n3A_618 = arith.select %le3A_611, %select_n3A_539, %select_n3A_538 : vector<32x2560xi1>, vector<32x2560xf32>
    %select_n3A_619 = arith.select %le3A_611, %select_n3A_540, %select_n3A_539 : vector<32x2560xi1>, vector<32x2560xf32>
    %select_n3A_620 = arith.select %le3A_611, %select_n3A_543, %select_n3A_540 : vector<32x2560xi1>, vector<32x2560xf32>
    %jit3A_621 = arith.constant 3.000000e+38 : f32
    %broadcast_in_dim3A_622 = vector.broadcast %jit3A_621 : f32 to vector<32x2560xf32>
    %select_n3A_623 = arith.select %le3A_611, %broadcast_in_dim3A_622, %select_n3A_543 : vector<32x2560xi1>, vector<32x2560xf32>
    %select_n3A_624 = arith.select %le3A_611, %select_n3A_545, %select_n3A_544 : vector<32x2560xi1>, vector<32x2560xi32>
    %select_n3A_625 = arith.select %le3A_611, %select_n3A_546, %select_n3A_545 : vector<32x2560xi1>, vector<32x2560xi32>
    %select_n3A_626 = arith.select %le3A_611, %slice3A_81, %select_n3A_546 : vector<32x2560xi1>, vector<32x2560xi32>
    %reduce_min3A_627 = arith.constant dense<0x7F800000> : vector<32xf32>
    %reduce_min3A_628 = vector.multi_reduction <minimumf>, %select_n3A_558, %reduce_min3A_627 [1] : vector<32x2560xf32> to vector<32xf32>
    %broadcast_in_dim3A_629 = vector.shape_cast %reduce_min3A_628 : vector<32xf32> to vector<32x1xf32>
    %le3A_630 = vector.broadcast %broadcast_in_dim3A_629 : vector<32x1xf32> to vector<32x2560xf32>
    %le3A_631 = arith.cmpf ole, %select_n3A_558, %le3A_630 : vector<32x2560xf32>
    %jit3A_632 = arith.constant 1073741824 : i32
    %broadcast_in_dim3A_633 = vector.broadcast %jit3A_632 : i32 to vector<32x2560xi32>
    %select_n3A_634 = arith.select %le3A_631, %select_n3A_564, %broadcast_in_dim3A_633 : vector<32x2560xi1>, vector<32x2560xi32>
    %reduce_min3A_635 = arith.constant dense<2147483647> : vector<32xi32>
    %reduce_min3A_636 = vector.multi_reduction <minsi>, %select_n3A_634, %reduce_min3A_635 [1] : vector<32x2560xi32> to vector<32xi32>
    %broadcast_in_dim3A_637 = vector.shape_cast %reduce_min3A_636 : vector<32xi32> to vector<32x1xi32>
    %select_n3A_638 = arith.select %le3A_631, %select_n3A_559, %select_n3A_558 : vector<32x2560xi1>, vector<32x2560xf32>
    %select_n3A_639 = arith.select %le3A_631, %select_n3A_560, %select_n3A_559 : vector<32x2560xi1>, vector<32x2560xf32>
    %select_n3A_640 = arith.select %le3A_631, %select_n3A_563, %select_n3A_560 : vector<32x2560xi1>, vector<32x2560xf32>
    %jit3A_641 = arith.constant 3.000000e+38 : f32
    %broadcast_in_dim3A_642 = vector.broadcast %jit3A_641 : f32 to vector<32x2560xf32>
    %select_n3A_643 = arith.select %le3A_631, %broadcast_in_dim3A_642, %select_n3A_563 : vector<32x2560xi1>, vector<32x2560xf32>
    %select_n3A_644 = arith.select %le3A_631, %select_n3A_565, %select_n3A_564 : vector<32x2560xi1>, vector<32x2560xi32>
    %select_n3A_645 = arith.select %le3A_631, %select_n3A_566, %select_n3A_565 : vector<32x2560xi1>, vector<32x2560xi32>
    %select_n3A_646 = arith.select %le3A_631, %slice3A_89, %select_n3A_566 : vector<32x2560xi1>, vector<32x2560xi32>
    %reduce_min3A_647 = arith.constant dense<0x7F800000> : vector<32xf32>
    %reduce_min3A_648 = vector.multi_reduction <minimumf>, %select_n3A_578, %reduce_min3A_647 [1] : vector<32x2560xf32> to vector<32xf32>
    %broadcast_in_dim3A_649 = vector.shape_cast %reduce_min3A_648 : vector<32xf32> to vector<32x1xf32>
    %le3A_650 = vector.broadcast %broadcast_in_dim3A_649 : vector<32x1xf32> to vector<32x2560xf32>
    %le3A_651 = arith.cmpf ole, %select_n3A_578, %le3A_650 : vector<32x2560xf32>
    %jit3A_652 = arith.constant 1073741824 : i32
    %broadcast_in_dim3A_653 = vector.broadcast %jit3A_652 : i32 to vector<32x2560xi32>
    %select_n3A_654 = arith.select %le3A_651, %select_n3A_584, %broadcast_in_dim3A_653 : vector<32x2560xi1>, vector<32x2560xi32>
    %reduce_min3A_655 = arith.constant dense<2147483647> : vector<32xi32>
    %reduce_min3A_656 = vector.multi_reduction <minsi>, %select_n3A_654, %reduce_min3A_655 [1] : vector<32x2560xi32> to vector<32xi32>
    %broadcast_in_dim3A_657 = vector.shape_cast %reduce_min3A_656 : vector<32xi32> to vector<32x1xi32>
    %select_n3A_658 = arith.select %le3A_651, %select_n3A_579, %select_n3A_578 : vector<32x2560xi1>, vector<32x2560xf32>
    %select_n3A_659 = arith.select %le3A_651, %select_n3A_580, %select_n3A_579 : vector<32x2560xi1>, vector<32x2560xf32>
    %select_n3A_660 = arith.select %le3A_651, %select_n3A_583, %select_n3A_580 : vector<32x2560xi1>, vector<32x2560xf32>
    %jit3A_661 = arith.constant 3.000000e+38 : f32
    %broadcast_in_dim3A_662 = vector.broadcast %jit3A_661 : f32 to vector<32x2560xf32>
    %select_n3A_663 = arith.select %le3A_651, %broadcast_in_dim3A_662, %select_n3A_583 : vector<32x2560xi1>, vector<32x2560xf32>
    %select_n3A_664 = arith.select %le3A_651, %select_n3A_585, %select_n3A_584 : vector<32x2560xi1>, vector<32x2560xi32>
    %select_n3A_665 = arith.select %le3A_651, %select_n3A_586, %select_n3A_585 : vector<32x2560xi1>, vector<32x2560xi32>
    %select_n3A_666 = arith.select %le3A_651, %slice3A_65, %select_n3A_586 : vector<32x2560xi1>, vector<32x2560xi32>
    %reduce_min3A_667 = arith.constant dense<0x7F800000> : vector<32xf32>
    %reduce_min3A_668 = vector.multi_reduction <minimumf>, %select_n3A_598, %reduce_min3A_667 [1] : vector<32x2560xf32> to vector<32xf32>
    %broadcast_in_dim3A_669 = vector.shape_cast %reduce_min3A_668 : vector<32xf32> to vector<32x1xf32>
    %le3A_670 = vector.broadcast %broadcast_in_dim3A_669 : vector<32x1xf32> to vector<32x2560xf32>
    %le3A_671 = arith.cmpf ole, %select_n3A_598, %le3A_670 : vector<32x2560xf32>
    %jit3A_672 = arith.constant 1073741824 : i32
    %broadcast_in_dim3A_673 = vector.broadcast %jit3A_672 : i32 to vector<32x2560xi32>
    %select_n3A_674 = arith.select %le3A_671, %select_n3A_604, %broadcast_in_dim3A_673 : vector<32x2560xi1>, vector<32x2560xi32>
    %reduce_min3A_675 = arith.constant dense<2147483647> : vector<32xi32>
    %reduce_min3A_676 = vector.multi_reduction <minsi>, %select_n3A_674, %reduce_min3A_675 [1] : vector<32x2560xi32> to vector<32xi32>
    %broadcast_in_dim3A_677 = vector.shape_cast %reduce_min3A_676 : vector<32xi32> to vector<32x1xi32>
    %select_n3A_678 = arith.select %le3A_671, %select_n3A_599, %select_n3A_598 : vector<32x2560xi1>, vector<32x2560xf32>
    %select_n3A_679 = arith.select %le3A_671, %select_n3A_600, %select_n3A_599 : vector<32x2560xi1>, vector<32x2560xf32>
    %select_n3A_680 = arith.select %le3A_671, %select_n3A_603, %select_n3A_600 : vector<32x2560xi1>, vector<32x2560xf32>
    %jit3A_681 = arith.constant 3.000000e+38 : f32
    %broadcast_in_dim3A_682 = vector.broadcast %jit3A_681 : f32 to vector<32x2560xf32>
    %select_n3A_683 = arith.select %le3A_671, %broadcast_in_dim3A_682, %select_n3A_603 : vector<32x2560xi1>, vector<32x2560xf32>
    %select_n3A_684 = arith.select %le3A_671, %select_n3A_605, %select_n3A_604 : vector<32x2560xi1>, vector<32x2560xi32>
    %select_n3A_685 = arith.select %le3A_671, %select_n3A_606, %select_n3A_605 : vector<32x2560xi1>, vector<32x2560xi32>
    %select_n3A_686 = arith.select %le3A_671, %slice3A_73, %select_n3A_606 : vector<32x2560xi1>, vector<32x2560xi32>
    %reduce_min3A_687 = arith.constant dense<0x7F800000> : vector<32xf32>
    %reduce_min3A_688 = vector.multi_reduction <minimumf>, %select_n3A_618, %reduce_min3A_687 [1] : vector<32x2560xf32> to vector<32xf32>
    %broadcast_in_dim3A_689 = vector.shape_cast %reduce_min3A_688 : vector<32xf32> to vector<32x1xf32>
    %le3A_690 = vector.broadcast %broadcast_in_dim3A_689 : vector<32x1xf32> to vector<32x2560xf32>
    %le3A_691 = arith.cmpf ole, %select_n3A_618, %le3A_690 : vector<32x2560xf32>
    %jit3A_692 = arith.constant 1073741824 : i32
    %broadcast_in_dim3A_693 = vector.broadcast %jit3A_692 : i32 to vector<32x2560xi32>
    %select_n3A_694 = arith.select %le3A_691, %select_n3A_624, %broadcast_in_dim3A_693 : vector<32x2560xi1>, vector<32x2560xi32>
    %reduce_min3A_695 = arith.constant dense<2147483647> : vector<32xi32>
    %reduce_min3A_696 = vector.multi_reduction <minsi>, %select_n3A_694, %reduce_min3A_695 [1] : vector<32x2560xi32> to vector<32xi32>
    %broadcast_in_dim3A_697 = vector.shape_cast %reduce_min3A_696 : vector<32xi32> to vector<32x1xi32>
    %select_n3A_698 = arith.select %le3A_691, %select_n3A_619, %select_n3A_618 : vector<32x2560xi1>, vector<32x2560xf32>
    %select_n3A_699 = arith.select %le3A_691, %select_n3A_620, %select_n3A_619 : vector<32x2560xi1>, vector<32x2560xf32>
    %select_n3A_700 = arith.select %le3A_691, %select_n3A_623, %select_n3A_620 : vector<32x2560xi1>, vector<32x2560xf32>
    %jit3A_701 = arith.constant 3.000000e+38 : f32
    %broadcast_in_dim3A_702 = vector.broadcast %jit3A_701 : f32 to vector<32x2560xf32>
    %select_n3A_703 = arith.select %le3A_691, %broadcast_in_dim3A_702, %select_n3A_623 : vector<32x2560xi1>, vector<32x2560xf32>
    %select_n3A_704 = arith.select %le3A_691, %select_n3A_625, %select_n3A_624 : vector<32x2560xi1>, vector<32x2560xi32>
    %select_n3A_705 = arith.select %le3A_691, %select_n3A_626, %select_n3A_625 : vector<32x2560xi1>, vector<32x2560xi32>
    %select_n3A_706 = arith.select %le3A_691, %slice3A_81, %select_n3A_626 : vector<32x2560xi1>, vector<32x2560xi32>
    %reduce_min3A_707 = arith.constant dense<0x7F800000> : vector<32xf32>
    %reduce_min3A_708 = vector.multi_reduction <minimumf>, %select_n3A_638, %reduce_min3A_707 [1] : vector<32x2560xf32> to vector<32xf32>
    %broadcast_in_dim3A_709 = vector.shape_cast %reduce_min3A_708 : vector<32xf32> to vector<32x1xf32>
    %le3A_710 = vector.broadcast %broadcast_in_dim3A_709 : vector<32x1xf32> to vector<32x2560xf32>
    %le3A_711 = arith.cmpf ole, %select_n3A_638, %le3A_710 : vector<32x2560xf32>
    %jit3A_712 = arith.constant 1073741824 : i32
    %broadcast_in_dim3A_713 = vector.broadcast %jit3A_712 : i32 to vector<32x2560xi32>
    %select_n3A_714 = arith.select %le3A_711, %select_n3A_644, %broadcast_in_dim3A_713 : vector<32x2560xi1>, vector<32x2560xi32>
    %reduce_min3A_715 = arith.constant dense<2147483647> : vector<32xi32>
    %reduce_min3A_716 = vector.multi_reduction <minsi>, %select_n3A_714, %reduce_min3A_715 [1] : vector<32x2560xi32> to vector<32xi32>
    %broadcast_in_dim3A_717 = vector.shape_cast %reduce_min3A_716 : vector<32xi32> to vector<32x1xi32>
    %select_n3A_718 = arith.select %le3A_711, %select_n3A_639, %select_n3A_638 : vector<32x2560xi1>, vector<32x2560xf32>
    %select_n3A_719 = arith.select %le3A_711, %select_n3A_640, %select_n3A_639 : vector<32x2560xi1>, vector<32x2560xf32>
    %select_n3A_720 = arith.select %le3A_711, %select_n3A_643, %select_n3A_640 : vector<32x2560xi1>, vector<32x2560xf32>
    %jit3A_721 = arith.constant 3.000000e+38 : f32
    %broadcast_in_dim3A_722 = vector.broadcast %jit3A_721 : f32 to vector<32x2560xf32>
    %select_n3A_723 = arith.select %le3A_711, %broadcast_in_dim3A_722, %select_n3A_643 : vector<32x2560xi1>, vector<32x2560xf32>
    %select_n3A_724 = arith.select %le3A_711, %select_n3A_645, %select_n3A_644 : vector<32x2560xi1>, vector<32x2560xi32>
    %select_n3A_725 = arith.select %le3A_711, %select_n3A_646, %select_n3A_645 : vector<32x2560xi1>, vector<32x2560xi32>
    %select_n3A_726 = arith.select %le3A_711, %slice3A_89, %select_n3A_646 : vector<32x2560xi1>, vector<32x2560xi32>
    %reduce_min3A_727 = arith.constant dense<0x7F800000> : vector<32xf32>
    %reduce_min3A_728 = vector.multi_reduction <minimumf>, %select_n3A_658, %reduce_min3A_727 [1] : vector<32x2560xf32> to vector<32xf32>
    %broadcast_in_dim3A_729 = vector.shape_cast %reduce_min3A_728 : vector<32xf32> to vector<32x1xf32>
    %le3A_730 = vector.broadcast %broadcast_in_dim3A_729 : vector<32x1xf32> to vector<32x2560xf32>
    %le3A_731 = arith.cmpf ole, %select_n3A_658, %le3A_730 : vector<32x2560xf32>
    %jit3A_732 = arith.constant 1073741824 : i32
    %broadcast_in_dim3A_733 = vector.broadcast %jit3A_732 : i32 to vector<32x2560xi32>
    %select_n3A_734 = arith.select %le3A_731, %select_n3A_664, %broadcast_in_dim3A_733 : vector<32x2560xi1>, vector<32x2560xi32>
    %reduce_min3A_735 = arith.constant dense<2147483647> : vector<32xi32>
    %reduce_min3A_736 = vector.multi_reduction <minsi>, %select_n3A_734, %reduce_min3A_735 [1] : vector<32x2560xi32> to vector<32xi32>
    %broadcast_in_dim3A_737 = vector.shape_cast %reduce_min3A_736 : vector<32xi32> to vector<32x1xi32>
    %select_n3A_738 = arith.select %le3A_731, %select_n3A_659, %select_n3A_658 : vector<32x2560xi1>, vector<32x2560xf32>
    %select_n3A_739 = arith.select %le3A_731, %select_n3A_660, %select_n3A_659 : vector<32x2560xi1>, vector<32x2560xf32>
    %select_n3A_740 = arith.select %le3A_731, %select_n3A_663, %select_n3A_660 : vector<32x2560xi1>, vector<32x2560xf32>
    %jit3A_741 = arith.constant 3.000000e+38 : f32
    %broadcast_in_dim3A_742 = vector.broadcast %jit3A_741 : f32 to vector<32x2560xf32>
    %select_n3A_743 = arith.select %le3A_731, %broadcast_in_dim3A_742, %select_n3A_663 : vector<32x2560xi1>, vector<32x2560xf32>
    %select_n3A_744 = arith.select %le3A_731, %select_n3A_665, %select_n3A_664 : vector<32x2560xi1>, vector<32x2560xi32>
    %select_n3A_745 = arith.select %le3A_731, %select_n3A_666, %select_n3A_665 : vector<32x2560xi1>, vector<32x2560xi32>
    %select_n3A_746 = arith.select %le3A_731, %slice3A_65, %select_n3A_666 : vector<32x2560xi1>, vector<32x2560xi32>
    %reduce_min3A_747 = arith.constant dense<0x7F800000> : vector<32xf32>
    %reduce_min3A_748 = vector.multi_reduction <minimumf>, %select_n3A_678, %reduce_min3A_747 [1] : vector<32x2560xf32> to vector<32xf32>
    %broadcast_in_dim3A_749 = vector.shape_cast %reduce_min3A_748 : vector<32xf32> to vector<32x1xf32>
    %le3A_750 = vector.broadcast %broadcast_in_dim3A_749 : vector<32x1xf32> to vector<32x2560xf32>
    %le3A_751 = arith.cmpf ole, %select_n3A_678, %le3A_750 : vector<32x2560xf32>
    %jit3A_752 = arith.constant 1073741824 : i32
    %broadcast_in_dim3A_753 = vector.broadcast %jit3A_752 : i32 to vector<32x2560xi32>
    %select_n3A_754 = arith.select %le3A_751, %select_n3A_684, %broadcast_in_dim3A_753 : vector<32x2560xi1>, vector<32x2560xi32>
    %reduce_min3A_755 = arith.constant dense<2147483647> : vector<32xi32>
    %reduce_min3A_756 = vector.multi_reduction <minsi>, %select_n3A_754, %reduce_min3A_755 [1] : vector<32x2560xi32> to vector<32xi32>
    %broadcast_in_dim3A_757 = vector.shape_cast %reduce_min3A_756 : vector<32xi32> to vector<32x1xi32>
    %select_n3A_758 = arith.select %le3A_751, %select_n3A_679, %select_n3A_678 : vector<32x2560xi1>, vector<32x2560xf32>
    %select_n3A_759 = arith.select %le3A_751, %select_n3A_680, %select_n3A_679 : vector<32x2560xi1>, vector<32x2560xf32>
    %select_n3A_760 = arith.select %le3A_751, %select_n3A_683, %select_n3A_680 : vector<32x2560xi1>, vector<32x2560xf32>
    %jit3A_761 = arith.constant 3.000000e+38 : f32
    %broadcast_in_dim3A_762 = vector.broadcast %jit3A_761 : f32 to vector<32x2560xf32>
    %select_n3A_763 = arith.select %le3A_751, %broadcast_in_dim3A_762, %select_n3A_683 : vector<32x2560xi1>, vector<32x2560xf32>
    %select_n3A_764 = arith.select %le3A_751, %select_n3A_685, %select_n3A_684 : vector<32x2560xi1>, vector<32x2560xi32>
    %select_n3A_765 = arith.select %le3A_751, %select_n3A_686, %select_n3A_685 : vector<32x2560xi1>, vector<32x2560xi32>
    %select_n3A_766 = arith.select %le3A_751, %slice3A_73, %select_n3A_686 : vector<32x2560xi1>, vector<32x2560xi32>
    %reduce_min3A_767 = arith.constant dense<0x7F800000> : vector<32xf32>
    %reduce_min3A_768 = vector.multi_reduction <minimumf>, %select_n3A_698, %reduce_min3A_767 [1] : vector<32x2560xf32> to vector<32xf32>
    %broadcast_in_dim3A_769 = vector.shape_cast %reduce_min3A_768 : vector<32xf32> to vector<32x1xf32>
    %le3A_770 = vector.broadcast %broadcast_in_dim3A_769 : vector<32x1xf32> to vector<32x2560xf32>
    %le3A_771 = arith.cmpf ole, %select_n3A_698, %le3A_770 : vector<32x2560xf32>
    %jit3A_772 = arith.constant 1073741824 : i32
    %broadcast_in_dim3A_773 = vector.broadcast %jit3A_772 : i32 to vector<32x2560xi32>
    %select_n3A_774 = arith.select %le3A_771, %select_n3A_704, %broadcast_in_dim3A_773 : vector<32x2560xi1>, vector<32x2560xi32>
    %reduce_min3A_775 = arith.constant dense<2147483647> : vector<32xi32>
    %reduce_min3A_776 = vector.multi_reduction <minsi>, %select_n3A_774, %reduce_min3A_775 [1] : vector<32x2560xi32> to vector<32xi32>
    %broadcast_in_dim3A_777 = vector.shape_cast %reduce_min3A_776 : vector<32xi32> to vector<32x1xi32>
    %select_n3A_778 = arith.select %le3A_771, %select_n3A_699, %select_n3A_698 : vector<32x2560xi1>, vector<32x2560xf32>
    %select_n3A_779 = arith.select %le3A_771, %select_n3A_700, %select_n3A_699 : vector<32x2560xi1>, vector<32x2560xf32>
    %select_n3A_780 = arith.select %le3A_771, %select_n3A_703, %select_n3A_700 : vector<32x2560xi1>, vector<32x2560xf32>
    %jit3A_781 = arith.constant 3.000000e+38 : f32
    %broadcast_in_dim3A_782 = vector.broadcast %jit3A_781 : f32 to vector<32x2560xf32>
    %select_n3A_783 = arith.select %le3A_771, %broadcast_in_dim3A_782, %select_n3A_703 : vector<32x2560xi1>, vector<32x2560xf32>
    %select_n3A_784 = arith.select %le3A_771, %select_n3A_705, %select_n3A_704 : vector<32x2560xi1>, vector<32x2560xi32>
    %select_n3A_785 = arith.select %le3A_771, %select_n3A_706, %select_n3A_705 : vector<32x2560xi1>, vector<32x2560xi32>
    %select_n3A_786 = arith.select %le3A_771, %slice3A_81, %select_n3A_706 : vector<32x2560xi1>, vector<32x2560xi32>
    %reduce_min3A_787 = arith.constant dense<0x7F800000> : vector<32xf32>
    %reduce_min3A_788 = vector.multi_reduction <minimumf>, %select_n3A_718, %reduce_min3A_787 [1] : vector<32x2560xf32> to vector<32xf32>
    %broadcast_in_dim3A_789 = vector.shape_cast %reduce_min3A_788 : vector<32xf32> to vector<32x1xf32>
    %le3A_790 = vector.broadcast %broadcast_in_dim3A_789 : vector<32x1xf32> to vector<32x2560xf32>
    %le3A_791 = arith.cmpf ole, %select_n3A_718, %le3A_790 : vector<32x2560xf32>
    %jit3A_792 = arith.constant 1073741824 : i32
    %broadcast_in_dim3A_793 = vector.broadcast %jit3A_792 : i32 to vector<32x2560xi32>
    %select_n3A_794 = arith.select %le3A_791, %select_n3A_724, %broadcast_in_dim3A_793 : vector<32x2560xi1>, vector<32x2560xi32>
    %reduce_min3A_795 = arith.constant dense<2147483647> : vector<32xi32>
    %reduce_min3A_796 = vector.multi_reduction <minsi>, %select_n3A_794, %reduce_min3A_795 [1] : vector<32x2560xi32> to vector<32xi32>
    %broadcast_in_dim3A_797 = vector.shape_cast %reduce_min3A_796 : vector<32xi32> to vector<32x1xi32>
    %select_n3A_798 = arith.select %le3A_791, %select_n3A_719, %select_n3A_718 : vector<32x2560xi1>, vector<32x2560xf32>
    %select_n3A_799 = arith.select %le3A_791, %select_n3A_720, %select_n3A_719 : vector<32x2560xi1>, vector<32x2560xf32>
    %select_n3A_800 = arith.select %le3A_791, %select_n3A_723, %select_n3A_720 : vector<32x2560xi1>, vector<32x2560xf32>
    %jit3A_801 = arith.constant 3.000000e+38 : f32
    %broadcast_in_dim3A_802 = vector.broadcast %jit3A_801 : f32 to vector<32x2560xf32>
    %select_n3A_803 = arith.select %le3A_791, %broadcast_in_dim3A_802, %select_n3A_723 : vector<32x2560xi1>, vector<32x2560xf32>
    %select_n3A_804 = arith.select %le3A_791, %select_n3A_725, %select_n3A_724 : vector<32x2560xi1>, vector<32x2560xi32>
    %select_n3A_805 = arith.select %le3A_791, %select_n3A_726, %select_n3A_725 : vector<32x2560xi1>, vector<32x2560xi32>
    %select_n3A_806 = arith.select %le3A_791, %slice3A_89, %select_n3A_726 : vector<32x2560xi1>, vector<32x2560xi32>
    %reduce_min3A_807 = arith.constant dense<0x7F800000> : vector<32xf32>
    %reduce_min3A_808 = vector.multi_reduction <minimumf>, %select_n3A_738, %reduce_min3A_807 [1] : vector<32x2560xf32> to vector<32xf32>
    %broadcast_in_dim3A_809 = vector.shape_cast %reduce_min3A_808 : vector<32xf32> to vector<32x1xf32>
    %le3A_810 = vector.broadcast %broadcast_in_dim3A_809 : vector<32x1xf32> to vector<32x2560xf32>
    %le3A_811 = arith.cmpf ole, %select_n3A_738, %le3A_810 : vector<32x2560xf32>
    %jit3A_812 = arith.constant 1073741824 : i32
    %broadcast_in_dim3A_813 = vector.broadcast %jit3A_812 : i32 to vector<32x2560xi32>
    %select_n3A_814 = arith.select %le3A_811, %select_n3A_744, %broadcast_in_dim3A_813 : vector<32x2560xi1>, vector<32x2560xi32>
    %reduce_min3A_815 = arith.constant dense<2147483647> : vector<32xi32>
    %reduce_min3A_816 = vector.multi_reduction <minsi>, %select_n3A_814, %reduce_min3A_815 [1] : vector<32x2560xi32> to vector<32xi32>
    %broadcast_in_dim3A_817 = vector.shape_cast %reduce_min3A_816 : vector<32xi32> to vector<32x1xi32>
    %select_n3A_818 = arith.select %le3A_811, %select_n3A_739, %select_n3A_738 : vector<32x2560xi1>, vector<32x2560xf32>
    %select_n3A_819 = arith.select %le3A_811, %select_n3A_740, %select_n3A_739 : vector<32x2560xi1>, vector<32x2560xf32>
    %select_n3A_820 = arith.select %le3A_811, %select_n3A_743, %select_n3A_740 : vector<32x2560xi1>, vector<32x2560xf32>
    %jit3A_821 = arith.constant 3.000000e+38 : f32
    %broadcast_in_dim3A_822 = vector.broadcast %jit3A_821 : f32 to vector<32x2560xf32>
    %select_n3A_823 = arith.select %le3A_811, %broadcast_in_dim3A_822, %select_n3A_743 : vector<32x2560xi1>, vector<32x2560xf32>
    %select_n3A_824 = arith.select %le3A_811, %select_n3A_745, %select_n3A_744 : vector<32x2560xi1>, vector<32x2560xi32>
    %select_n3A_825 = arith.select %le3A_811, %select_n3A_746, %select_n3A_745 : vector<32x2560xi1>, vector<32x2560xi32>
    %select_n3A_826 = arith.select %le3A_811, %slice3A_65, %select_n3A_746 : vector<32x2560xi1>, vector<32x2560xi32>
    %reduce_min3A_827 = arith.constant dense<0x7F800000> : vector<32xf32>
    %reduce_min3A_828 = vector.multi_reduction <minimumf>, %select_n3A_758, %reduce_min3A_827 [1] : vector<32x2560xf32> to vector<32xf32>
    %broadcast_in_dim3A_829 = vector.shape_cast %reduce_min3A_828 : vector<32xf32> to vector<32x1xf32>
    %le3A_830 = vector.broadcast %broadcast_in_dim3A_829 : vector<32x1xf32> to vector<32x2560xf32>
    %le3A_831 = arith.cmpf ole, %select_n3A_758, %le3A_830 : vector<32x2560xf32>
    %jit3A_832 = arith.constant 1073741824 : i32
    %broadcast_in_dim3A_833 = vector.broadcast %jit3A_832 : i32 to vector<32x2560xi32>
    %select_n3A_834 = arith.select %le3A_831, %select_n3A_764, %broadcast_in_dim3A_833 : vector<32x2560xi1>, vector<32x2560xi32>
    %reduce_min3A_835 = arith.constant dense<2147483647> : vector<32xi32>
    %reduce_min3A_836 = vector.multi_reduction <minsi>, %select_n3A_834, %reduce_min3A_835 [1] : vector<32x2560xi32> to vector<32xi32>
    %broadcast_in_dim3A_837 = vector.shape_cast %reduce_min3A_836 : vector<32xi32> to vector<32x1xi32>
    %select_n3A_838 = arith.select %le3A_831, %select_n3A_759, %select_n3A_758 : vector<32x2560xi1>, vector<32x2560xf32>
    %select_n3A_839 = arith.select %le3A_831, %select_n3A_760, %select_n3A_759 : vector<32x2560xi1>, vector<32x2560xf32>
    %select_n3A_840 = arith.select %le3A_831, %select_n3A_763, %select_n3A_760 : vector<32x2560xi1>, vector<32x2560xf32>
    %jit3A_841 = arith.constant 3.000000e+38 : f32
    %broadcast_in_dim3A_842 = vector.broadcast %jit3A_841 : f32 to vector<32x2560xf32>
    %select_n3A_843 = arith.select %le3A_831, %broadcast_in_dim3A_842, %select_n3A_763 : vector<32x2560xi1>, vector<32x2560xf32>
    %select_n3A_844 = arith.select %le3A_831, %select_n3A_765, %select_n3A_764 : vector<32x2560xi1>, vector<32x2560xi32>
    %select_n3A_845 = arith.select %le3A_831, %select_n3A_766, %select_n3A_765 : vector<32x2560xi1>, vector<32x2560xi32>
    %select_n3A_846 = arith.select %le3A_831, %slice3A_73, %select_n3A_766 : vector<32x2560xi1>, vector<32x2560xi32>
    %reduce_min3A_847 = arith.constant dense<0x7F800000> : vector<32xf32>
    %reduce_min3A_848 = vector.multi_reduction <minimumf>, %select_n3A_778, %reduce_min3A_847 [1] : vector<32x2560xf32> to vector<32xf32>
    %broadcast_in_dim3A_849 = vector.shape_cast %reduce_min3A_848 : vector<32xf32> to vector<32x1xf32>
    %le3A_850 = vector.broadcast %broadcast_in_dim3A_849 : vector<32x1xf32> to vector<32x2560xf32>
    %le3A_851 = arith.cmpf ole, %select_n3A_778, %le3A_850 : vector<32x2560xf32>
    %jit3A_852 = arith.constant 1073741824 : i32
    %broadcast_in_dim3A_853 = vector.broadcast %jit3A_852 : i32 to vector<32x2560xi32>
    %select_n3A_854 = arith.select %le3A_851, %select_n3A_784, %broadcast_in_dim3A_853 : vector<32x2560xi1>, vector<32x2560xi32>
    %reduce_min3A_855 = arith.constant dense<2147483647> : vector<32xi32>
    %reduce_min3A_856 = vector.multi_reduction <minsi>, %select_n3A_854, %reduce_min3A_855 [1] : vector<32x2560xi32> to vector<32xi32>
    %broadcast_in_dim3A_857 = vector.shape_cast %reduce_min3A_856 : vector<32xi32> to vector<32x1xi32>
    %select_n3A_858 = arith.select %le3A_851, %select_n3A_779, %select_n3A_778 : vector<32x2560xi1>, vector<32x2560xf32>
    %select_n3A_859 = arith.select %le3A_851, %select_n3A_780, %select_n3A_779 : vector<32x2560xi1>, vector<32x2560xf32>
    %select_n3A_860 = arith.select %le3A_851, %select_n3A_783, %select_n3A_780 : vector<32x2560xi1>, vector<32x2560xf32>
    %jit3A_861 = arith.constant 3.000000e+38 : f32
    %broadcast_in_dim3A_862 = vector.broadcast %jit3A_861 : f32 to vector<32x2560xf32>
    %select_n3A_863 = arith.select %le3A_851, %broadcast_in_dim3A_862, %select_n3A_783 : vector<32x2560xi1>, vector<32x2560xf32>
    %select_n3A_864 = arith.select %le3A_851, %select_n3A_785, %select_n3A_784 : vector<32x2560xi1>, vector<32x2560xi32>
    %select_n3A_865 = arith.select %le3A_851, %select_n3A_786, %select_n3A_785 : vector<32x2560xi1>, vector<32x2560xi32>
    %select_n3A_866 = arith.select %le3A_851, %slice3A_81, %select_n3A_786 : vector<32x2560xi1>, vector<32x2560xi32>
    %reduce_min3A_867 = arith.constant dense<0x7F800000> : vector<32xf32>
    %reduce_min3A_868 = vector.multi_reduction <minimumf>, %select_n3A_798, %reduce_min3A_867 [1] : vector<32x2560xf32> to vector<32xf32>
    %broadcast_in_dim3A_869 = vector.shape_cast %reduce_min3A_868 : vector<32xf32> to vector<32x1xf32>
    %le3A_870 = vector.broadcast %broadcast_in_dim3A_869 : vector<32x1xf32> to vector<32x2560xf32>
    %le3A_871 = arith.cmpf ole, %select_n3A_798, %le3A_870 : vector<32x2560xf32>
    %jit3A_872 = arith.constant 1073741824 : i32
    %broadcast_in_dim3A_873 = vector.broadcast %jit3A_872 : i32 to vector<32x2560xi32>
    %select_n3A_874 = arith.select %le3A_871, %select_n3A_804, %broadcast_in_dim3A_873 : vector<32x2560xi1>, vector<32x2560xi32>
    %reduce_min3A_875 = arith.constant dense<2147483647> : vector<32xi32>
    %reduce_min3A_876 = vector.multi_reduction <minsi>, %select_n3A_874, %reduce_min3A_875 [1] : vector<32x2560xi32> to vector<32xi32>
    %broadcast_in_dim3A_877 = vector.shape_cast %reduce_min3A_876 : vector<32xi32> to vector<32x1xi32>
    %select_n3A_878 = arith.select %le3A_871, %select_n3A_799, %select_n3A_798 : vector<32x2560xi1>, vector<32x2560xf32>
    %select_n3A_879 = arith.select %le3A_871, %select_n3A_800, %select_n3A_799 : vector<32x2560xi1>, vector<32x2560xf32>
    %select_n3A_880 = arith.select %le3A_871, %select_n3A_803, %select_n3A_800 : vector<32x2560xi1>, vector<32x2560xf32>
    %jit3A_881 = arith.constant 3.000000e+38 : f32
    %broadcast_in_dim3A_882 = vector.broadcast %jit3A_881 : f32 to vector<32x2560xf32>
    %select_n3A_883 = arith.select %le3A_871, %broadcast_in_dim3A_882, %select_n3A_803 : vector<32x2560xi1>, vector<32x2560xf32>
    %select_n3A_884 = arith.select %le3A_871, %select_n3A_805, %select_n3A_804 : vector<32x2560xi1>, vector<32x2560xi32>
    %select_n3A_885 = arith.select %le3A_871, %select_n3A_806, %select_n3A_805 : vector<32x2560xi1>, vector<32x2560xi32>
    %select_n3A_886 = arith.select %le3A_871, %slice3A_89, %select_n3A_806 : vector<32x2560xi1>, vector<32x2560xi32>
    %reduce_min3A_887 = arith.constant dense<0x7F800000> : vector<32xf32>
    %reduce_min3A_888 = vector.multi_reduction <minimumf>, %select_n3A_818, %reduce_min3A_887 [1] : vector<32x2560xf32> to vector<32xf32>
    %broadcast_in_dim3A_889 = vector.shape_cast %reduce_min3A_888 : vector<32xf32> to vector<32x1xf32>
    %le3A_890 = vector.broadcast %broadcast_in_dim3A_889 : vector<32x1xf32> to vector<32x2560xf32>
    %le3A_891 = arith.cmpf ole, %select_n3A_818, %le3A_890 : vector<32x2560xf32>
    %jit3A_892 = arith.constant 1073741824 : i32
    %broadcast_in_dim3A_893 = vector.broadcast %jit3A_892 : i32 to vector<32x2560xi32>
    %select_n3A_894 = arith.select %le3A_891, %select_n3A_824, %broadcast_in_dim3A_893 : vector<32x2560xi1>, vector<32x2560xi32>
    %reduce_min3A_895 = arith.constant dense<2147483647> : vector<32xi32>
    %reduce_min3A_896 = vector.multi_reduction <minsi>, %select_n3A_894, %reduce_min3A_895 [1] : vector<32x2560xi32> to vector<32xi32>
    %broadcast_in_dim3A_897 = vector.shape_cast %reduce_min3A_896 : vector<32xi32> to vector<32x1xi32>
    %select_n3A_898 = arith.select %le3A_891, %select_n3A_819, %select_n3A_818 : vector<32x2560xi1>, vector<32x2560xf32>
    %select_n3A_899 = arith.select %le3A_891, %select_n3A_820, %select_n3A_819 : vector<32x2560xi1>, vector<32x2560xf32>
    %select_n3A_900 = arith.select %le3A_891, %select_n3A_823, %select_n3A_820 : vector<32x2560xi1>, vector<32x2560xf32>
    %jit3A_901 = arith.constant 3.000000e+38 : f32
    %broadcast_in_dim3A_902 = vector.broadcast %jit3A_901 : f32 to vector<32x2560xf32>
    %select_n3A_903 = arith.select %le3A_891, %broadcast_in_dim3A_902, %select_n3A_823 : vector<32x2560xi1>, vector<32x2560xf32>
    %select_n3A_904 = arith.select %le3A_891, %select_n3A_825, %select_n3A_824 : vector<32x2560xi1>, vector<32x2560xi32>
    %select_n3A_905 = arith.select %le3A_891, %select_n3A_826, %select_n3A_825 : vector<32x2560xi1>, vector<32x2560xi32>
    %select_n3A_906 = arith.select %le3A_891, %slice3A_65, %select_n3A_826 : vector<32x2560xi1>, vector<32x2560xi32>
    %reduce_min3A_907 = arith.constant dense<0x7F800000> : vector<32xf32>
    %reduce_min3A_908 = vector.multi_reduction <minimumf>, %select_n3A_838, %reduce_min3A_907 [1] : vector<32x2560xf32> to vector<32xf32>
    %broadcast_in_dim3A_909 = vector.shape_cast %reduce_min3A_908 : vector<32xf32> to vector<32x1xf32>
    %le3A_910 = vector.broadcast %broadcast_in_dim3A_909 : vector<32x1xf32> to vector<32x2560xf32>
    %le3A_911 = arith.cmpf ole, %select_n3A_838, %le3A_910 : vector<32x2560xf32>
    %jit3A_912 = arith.constant 1073741824 : i32
    %broadcast_in_dim3A_913 = vector.broadcast %jit3A_912 : i32 to vector<32x2560xi32>
    %select_n3A_914 = arith.select %le3A_911, %select_n3A_844, %broadcast_in_dim3A_913 : vector<32x2560xi1>, vector<32x2560xi32>
    %reduce_min3A_915 = arith.constant dense<2147483647> : vector<32xi32>
    %reduce_min3A_916 = vector.multi_reduction <minsi>, %select_n3A_914, %reduce_min3A_915 [1] : vector<32x2560xi32> to vector<32xi32>
    %broadcast_in_dim3A_917 = vector.shape_cast %reduce_min3A_916 : vector<32xi32> to vector<32x1xi32>
    %select_n3A_918 = arith.select %le3A_911, %select_n3A_839, %select_n3A_838 : vector<32x2560xi1>, vector<32x2560xf32>
    %select_n3A_919 = arith.select %le3A_911, %select_n3A_840, %select_n3A_839 : vector<32x2560xi1>, vector<32x2560xf32>
    %select_n3A_920 = arith.select %le3A_911, %select_n3A_843, %select_n3A_840 : vector<32x2560xi1>, vector<32x2560xf32>
    %jit3A_921 = arith.constant 3.000000e+38 : f32
    %broadcast_in_dim3A_922 = vector.broadcast %jit3A_921 : f32 to vector<32x2560xf32>
    %select_n3A_923 = arith.select %le3A_911, %broadcast_in_dim3A_922, %select_n3A_843 : vector<32x2560xi1>, vector<32x2560xf32>
    %select_n3A_924 = arith.select %le3A_911, %select_n3A_845, %select_n3A_844 : vector<32x2560xi1>, vector<32x2560xi32>
    %select_n3A_925 = arith.select %le3A_911, %select_n3A_846, %select_n3A_845 : vector<32x2560xi1>, vector<32x2560xi32>
    %select_n3A_926 = arith.select %le3A_911, %slice3A_73, %select_n3A_846 : vector<32x2560xi1>, vector<32x2560xi32>
    %reduce_min3A_927 = arith.constant dense<0x7F800000> : vector<32xf32>
    %reduce_min3A_928 = vector.multi_reduction <minimumf>, %select_n3A_858, %reduce_min3A_927 [1] : vector<32x2560xf32> to vector<32xf32>
    %broadcast_in_dim3A_929 = vector.shape_cast %reduce_min3A_928 : vector<32xf32> to vector<32x1xf32>
    %le3A_930 = vector.broadcast %broadcast_in_dim3A_929 : vector<32x1xf32> to vector<32x2560xf32>
    %le3A_931 = arith.cmpf ole, %select_n3A_858, %le3A_930 : vector<32x2560xf32>
    %jit3A_932 = arith.constant 1073741824 : i32
    %broadcast_in_dim3A_933 = vector.broadcast %jit3A_932 : i32 to vector<32x2560xi32>
    %select_n3A_934 = arith.select %le3A_931, %select_n3A_864, %broadcast_in_dim3A_933 : vector<32x2560xi1>, vector<32x2560xi32>
    %reduce_min3A_935 = arith.constant dense<2147483647> : vector<32xi32>
    %reduce_min3A_936 = vector.multi_reduction <minsi>, %select_n3A_934, %reduce_min3A_935 [1] : vector<32x2560xi32> to vector<32xi32>
    %broadcast_in_dim3A_937 = vector.shape_cast %reduce_min3A_936 : vector<32xi32> to vector<32x1xi32>
    %select_n3A_938 = arith.select %le3A_931, %select_n3A_859, %select_n3A_858 : vector<32x2560xi1>, vector<32x2560xf32>
    %select_n3A_939 = arith.select %le3A_931, %select_n3A_860, %select_n3A_859 : vector<32x2560xi1>, vector<32x2560xf32>
    %select_n3A_940 = arith.select %le3A_931, %select_n3A_863, %select_n3A_860 : vector<32x2560xi1>, vector<32x2560xf32>
    %jit3A_941 = arith.constant 3.000000e+38 : f32
    %broadcast_in_dim3A_942 = vector.broadcast %jit3A_941 : f32 to vector<32x2560xf32>
    %select_n3A_943 = arith.select %le3A_931, %broadcast_in_dim3A_942, %select_n3A_863 : vector<32x2560xi1>, vector<32x2560xf32>
    %select_n3A_944 = arith.select %le3A_931, %select_n3A_865, %select_n3A_864 : vector<32x2560xi1>, vector<32x2560xi32>
    %select_n3A_945 = arith.select %le3A_931, %select_n3A_866, %select_n3A_865 : vector<32x2560xi1>, vector<32x2560xi32>
    %select_n3A_946 = arith.select %le3A_931, %slice3A_81, %select_n3A_866 : vector<32x2560xi1>, vector<32x2560xi32>
    %reduce_min3A_947 = arith.constant dense<0x7F800000> : vector<32xf32>
    %reduce_min3A_948 = vector.multi_reduction <minimumf>, %select_n3A_878, %reduce_min3A_947 [1] : vector<32x2560xf32> to vector<32xf32>
    %broadcast_in_dim3A_949 = vector.shape_cast %reduce_min3A_948 : vector<32xf32> to vector<32x1xf32>
    %le3A_950 = vector.broadcast %broadcast_in_dim3A_949 : vector<32x1xf32> to vector<32x2560xf32>
    %le3A_951 = arith.cmpf ole, %select_n3A_878, %le3A_950 : vector<32x2560xf32>
    %jit3A_952 = arith.constant 1073741824 : i32
    %broadcast_in_dim3A_953 = vector.broadcast %jit3A_952 : i32 to vector<32x2560xi32>
    %select_n3A_954 = arith.select %le3A_951, %select_n3A_884, %broadcast_in_dim3A_953 : vector<32x2560xi1>, vector<32x2560xi32>
    %reduce_min3A_955 = arith.constant dense<2147483647> : vector<32xi32>
    %reduce_min3A_956 = vector.multi_reduction <minsi>, %select_n3A_954, %reduce_min3A_955 [1] : vector<32x2560xi32> to vector<32xi32>
    %broadcast_in_dim3A_957 = vector.shape_cast %reduce_min3A_956 : vector<32xi32> to vector<32x1xi32>
    %select_n3A_958 = arith.select %le3A_951, %select_n3A_879, %select_n3A_878 : vector<32x2560xi1>, vector<32x2560xf32>
    %select_n3A_959 = arith.select %le3A_951, %select_n3A_880, %select_n3A_879 : vector<32x2560xi1>, vector<32x2560xf32>
    %select_n3A_960 = arith.select %le3A_951, %select_n3A_883, %select_n3A_880 : vector<32x2560xi1>, vector<32x2560xf32>
    %jit3A_961 = arith.constant 3.000000e+38 : f32
    %broadcast_in_dim3A_962 = vector.broadcast %jit3A_961 : f32 to vector<32x2560xf32>
    %select_n3A_963 = arith.select %le3A_951, %broadcast_in_dim3A_962, %select_n3A_883 : vector<32x2560xi1>, vector<32x2560xf32>
    %select_n3A_964 = arith.select %le3A_951, %select_n3A_885, %select_n3A_884 : vector<32x2560xi1>, vector<32x2560xi32>
    %select_n3A_965 = arith.select %le3A_951, %select_n3A_886, %select_n3A_885 : vector<32x2560xi1>, vector<32x2560xi32>
    %select_n3A_966 = arith.select %le3A_951, %slice3A_89, %select_n3A_886 : vector<32x2560xi1>, vector<32x2560xi32>
    %reduce_min3A_967 = arith.constant dense<0x7F800000> : vector<32xf32>
    %reduce_min3A_968 = vector.multi_reduction <minimumf>, %select_n3A_898, %reduce_min3A_967 [1] : vector<32x2560xf32> to vector<32xf32>
    %broadcast_in_dim3A_969 = vector.shape_cast %reduce_min3A_968 : vector<32xf32> to vector<32x1xf32>
    %le3A_970 = vector.broadcast %broadcast_in_dim3A_969 : vector<32x1xf32> to vector<32x2560xf32>
    %le3A_971 = arith.cmpf ole, %select_n3A_898, %le3A_970 : vector<32x2560xf32>
    %jit3A_972 = arith.constant 1073741824 : i32
    %broadcast_in_dim3A_973 = vector.broadcast %jit3A_972 : i32 to vector<32x2560xi32>
    %select_n3A_974 = arith.select %le3A_971, %select_n3A_904, %broadcast_in_dim3A_973 : vector<32x2560xi1>, vector<32x2560xi32>
    %reduce_min3A_975 = arith.constant dense<2147483647> : vector<32xi32>
    %reduce_min3A_976 = vector.multi_reduction <minsi>, %select_n3A_974, %reduce_min3A_975 [1] : vector<32x2560xi32> to vector<32xi32>
    %broadcast_in_dim3A_977 = vector.shape_cast %reduce_min3A_976 : vector<32xi32> to vector<32x1xi32>
    %select_n3A_978 = arith.select %le3A_971, %select_n3A_899, %select_n3A_898 : vector<32x2560xi1>, vector<32x2560xf32>
    %select_n3A_979 = arith.select %le3A_971, %select_n3A_900, %select_n3A_899 : vector<32x2560xi1>, vector<32x2560xf32>
    %select_n3A_980 = arith.select %le3A_971, %select_n3A_903, %select_n3A_900 : vector<32x2560xi1>, vector<32x2560xf32>
    %jit3A_981 = arith.constant 3.000000e+38 : f32
    %broadcast_in_dim3A_982 = vector.broadcast %jit3A_981 : f32 to vector<32x2560xf32>
    %select_n3A_983 = arith.select %le3A_971, %broadcast_in_dim3A_982, %select_n3A_903 : vector<32x2560xi1>, vector<32x2560xf32>
    %select_n3A_984 = arith.select %le3A_971, %select_n3A_905, %select_n3A_904 : vector<32x2560xi1>, vector<32x2560xi32>
    %select_n3A_985 = arith.select %le3A_971, %select_n3A_906, %select_n3A_905 : vector<32x2560xi1>, vector<32x2560xi32>
    %select_n3A_986 = arith.select %le3A_971, %slice3A_65, %select_n3A_906 : vector<32x2560xi1>, vector<32x2560xi32>
    %reduce_min3A_987 = arith.constant dense<0x7F800000> : vector<32xf32>
    %reduce_min3A_988 = vector.multi_reduction <minimumf>, %select_n3A_918, %reduce_min3A_987 [1] : vector<32x2560xf32> to vector<32xf32>
    %broadcast_in_dim3A_989 = vector.shape_cast %reduce_min3A_988 : vector<32xf32> to vector<32x1xf32>
    %le3A_990 = vector.broadcast %broadcast_in_dim3A_989 : vector<32x1xf32> to vector<32x2560xf32>
    %le3A_991 = arith.cmpf ole, %select_n3A_918, %le3A_990 : vector<32x2560xf32>
    %jit3A_992 = arith.constant 1073741824 : i32
    %broadcast_in_dim3A_993 = vector.broadcast %jit3A_992 : i32 to vector<32x2560xi32>
    %select_n3A_994 = arith.select %le3A_991, %select_n3A_924, %broadcast_in_dim3A_993 : vector<32x2560xi1>, vector<32x2560xi32>
    %reduce_min3A_995 = arith.constant dense<2147483647> : vector<32xi32>
    %reduce_min3A_996 = vector.multi_reduction <minsi>, %select_n3A_994, %reduce_min3A_995 [1] : vector<32x2560xi32> to vector<32xi32>
    %broadcast_in_dim3A_997 = vector.shape_cast %reduce_min3A_996 : vector<32xi32> to vector<32x1xi32>
    %select_n3A_998 = arith.select %le3A_991, %select_n3A_919, %select_n3A_918 : vector<32x2560xi1>, vector<32x2560xf32>
    %select_n3A_999 = arith.select %le3A_991, %select_n3A_920, %select_n3A_919 : vector<32x2560xi1>, vector<32x2560xf32>
    %select_n3A_1000 = arith.select %le3A_991, %select_n3A_923, %select_n3A_920 : vector<32x2560xi1>, vector<32x2560xf32>
    %jit3A_1001 = arith.constant 3.000000e+38 : f32
    %broadcast_in_dim3A_1002 = vector.broadcast %jit3A_1001 : f32 to vector<32x2560xf32>
    %select_n3A_1003 = arith.select %le3A_991, %broadcast_in_dim3A_1002, %select_n3A_923 : vector<32x2560xi1>, vector<32x2560xf32>
    %select_n3A_1004 = arith.select %le3A_991, %select_n3A_925, %select_n3A_924 : vector<32x2560xi1>, vector<32x2560xi32>
    %select_n3A_1005 = arith.select %le3A_991, %select_n3A_926, %select_n3A_925 : vector<32x2560xi1>, vector<32x2560xi32>
    %select_n3A_1006 = arith.select %le3A_991, %slice3A_73, %select_n3A_926 : vector<32x2560xi1>, vector<32x2560xi32>
    %reduce_min3A_1007 = arith.constant dense<0x7F800000> : vector<32xf32>
    %reduce_min3A_1008 = vector.multi_reduction <minimumf>, %select_n3A_938, %reduce_min3A_1007 [1] : vector<32x2560xf32> to vector<32xf32>
    %broadcast_in_dim3A_1009 = vector.shape_cast %reduce_min3A_1008 : vector<32xf32> to vector<32x1xf32>
    %le3A_1010 = vector.broadcast %broadcast_in_dim3A_1009 : vector<32x1xf32> to vector<32x2560xf32>
    %le3A_1011 = arith.cmpf ole, %select_n3A_938, %le3A_1010 : vector<32x2560xf32>
    %jit3A_1012 = arith.constant 1073741824 : i32
    %broadcast_in_dim3A_1013 = vector.broadcast %jit3A_1012 : i32 to vector<32x2560xi32>
    %select_n3A_1014 = arith.select %le3A_1011, %select_n3A_944, %broadcast_in_dim3A_1013 : vector<32x2560xi1>, vector<32x2560xi32>
    %reduce_min3A_1015 = arith.constant dense<2147483647> : vector<32xi32>
    %reduce_min3A_1016 = vector.multi_reduction <minsi>, %select_n3A_1014, %reduce_min3A_1015 [1] : vector<32x2560xi32> to vector<32xi32>
    %broadcast_in_dim3A_1017 = vector.shape_cast %reduce_min3A_1016 : vector<32xi32> to vector<32x1xi32>
    %select_n3A_1018 = arith.select %le3A_1011, %select_n3A_939, %select_n3A_938 : vector<32x2560xi1>, vector<32x2560xf32>
    %select_n3A_1019 = arith.select %le3A_1011, %select_n3A_940, %select_n3A_939 : vector<32x2560xi1>, vector<32x2560xf32>
    %select_n3A_1020 = arith.select %le3A_1011, %select_n3A_943, %select_n3A_940 : vector<32x2560xi1>, vector<32x2560xf32>
    %jit3A_1021 = arith.constant 3.000000e+38 : f32
    %broadcast_in_dim3A_1022 = vector.broadcast %jit3A_1021 : f32 to vector<32x2560xf32>
    %select_n3A_1023 = arith.select %le3A_1011, %broadcast_in_dim3A_1022, %select_n3A_943 : vector<32x2560xi1>, vector<32x2560xf32>
    %select_n3A_1024 = arith.select %le3A_1011, %select_n3A_945, %select_n3A_944 : vector<32x2560xi1>, vector<32x2560xi32>
    %select_n3A_1025 = arith.select %le3A_1011, %select_n3A_946, %select_n3A_945 : vector<32x2560xi1>, vector<32x2560xi32>
    %select_n3A_1026 = arith.select %le3A_1011, %slice3A_81, %select_n3A_946 : vector<32x2560xi1>, vector<32x2560xi32>
    %reduce_min3A_1027 = arith.constant dense<0x7F800000> : vector<32xf32>
    %reduce_min3A_1028 = vector.multi_reduction <minimumf>, %select_n3A_958, %reduce_min3A_1027 [1] : vector<32x2560xf32> to vector<32xf32>
    %broadcast_in_dim3A_1029 = vector.shape_cast %reduce_min3A_1028 : vector<32xf32> to vector<32x1xf32>
    %le3A_1030 = vector.broadcast %broadcast_in_dim3A_1029 : vector<32x1xf32> to vector<32x2560xf32>
    %le3A_1031 = arith.cmpf ole, %select_n3A_958, %le3A_1030 : vector<32x2560xf32>
    %jit3A_1032 = arith.constant 1073741824 : i32
    %broadcast_in_dim3A_1033 = vector.broadcast %jit3A_1032 : i32 to vector<32x2560xi32>
    %select_n3A_1034 = arith.select %le3A_1031, %select_n3A_964, %broadcast_in_dim3A_1033 : vector<32x2560xi1>, vector<32x2560xi32>
    %reduce_min3A_1035 = arith.constant dense<2147483647> : vector<32xi32>
    %reduce_min3A_1036 = vector.multi_reduction <minsi>, %select_n3A_1034, %reduce_min3A_1035 [1] : vector<32x2560xi32> to vector<32xi32>
    %broadcast_in_dim3A_1037 = vector.shape_cast %reduce_min3A_1036 : vector<32xi32> to vector<32x1xi32>
    %select_n3A_1038 = arith.select %le3A_1031, %select_n3A_959, %select_n3A_958 : vector<32x2560xi1>, vector<32x2560xf32>
    %select_n3A_1039 = arith.select %le3A_1031, %select_n3A_960, %select_n3A_959 : vector<32x2560xi1>, vector<32x2560xf32>
    %select_n3A_1040 = arith.select %le3A_1031, %select_n3A_963, %select_n3A_960 : vector<32x2560xi1>, vector<32x2560xf32>
    %jit3A_1041 = arith.constant 3.000000e+38 : f32
    %broadcast_in_dim3A_1042 = vector.broadcast %jit3A_1041 : f32 to vector<32x2560xf32>
    %select_n3A_1043 = arith.select %le3A_1031, %broadcast_in_dim3A_1042, %select_n3A_963 : vector<32x2560xi1>, vector<32x2560xf32>
    %select_n3A_1044 = arith.select %le3A_1031, %select_n3A_965, %select_n3A_964 : vector<32x2560xi1>, vector<32x2560xi32>
    %select_n3A_1045 = arith.select %le3A_1031, %select_n3A_966, %select_n3A_965 : vector<32x2560xi1>, vector<32x2560xi32>
    %select_n3A_1046 = arith.select %le3A_1031, %slice3A_89, %select_n3A_966 : vector<32x2560xi1>, vector<32x2560xi32>
    %reduce_min3A_1047 = arith.constant dense<0x7F800000> : vector<32xf32>
    %reduce_min3A_1048 = vector.multi_reduction <minimumf>, %select_n3A_978, %reduce_min3A_1047 [1] : vector<32x2560xf32> to vector<32xf32>
    %broadcast_in_dim3A_1049 = vector.shape_cast %reduce_min3A_1048 : vector<32xf32> to vector<32x1xf32>
    %le3A_1050 = vector.broadcast %broadcast_in_dim3A_1049 : vector<32x1xf32> to vector<32x2560xf32>
    %le3A_1051 = arith.cmpf ole, %select_n3A_978, %le3A_1050 : vector<32x2560xf32>
    %jit3A_1052 = arith.constant 1073741824 : i32
    %broadcast_in_dim3A_1053 = vector.broadcast %jit3A_1052 : i32 to vector<32x2560xi32>
    %select_n3A_1054 = arith.select %le3A_1051, %select_n3A_984, %broadcast_in_dim3A_1053 : vector<32x2560xi1>, vector<32x2560xi32>
    %reduce_min3A_1055 = arith.constant dense<2147483647> : vector<32xi32>
    %reduce_min3A_1056 = vector.multi_reduction <minsi>, %select_n3A_1054, %reduce_min3A_1055 [1] : vector<32x2560xi32> to vector<32xi32>
    %broadcast_in_dim3A_1057 = vector.shape_cast %reduce_min3A_1056 : vector<32xi32> to vector<32x1xi32>
    %select_n3A_1058 = arith.select %le3A_1051, %select_n3A_979, %select_n3A_978 : vector<32x2560xi1>, vector<32x2560xf32>
    %select_n3A_1059 = arith.select %le3A_1051, %select_n3A_980, %select_n3A_979 : vector<32x2560xi1>, vector<32x2560xf32>
    %select_n3A_1060 = arith.select %le3A_1051, %select_n3A_983, %select_n3A_980 : vector<32x2560xi1>, vector<32x2560xf32>
    %select_n3A_1061 = arith.select %le3A_1051, %select_n3A_985, %select_n3A_984 : vector<32x2560xi1>, vector<32x2560xi32>
    %select_n3A_1062 = arith.select %le3A_1051, %select_n3A_986, %select_n3A_985 : vector<32x2560xi1>, vector<32x2560xi32>
    %select_n3A_1063 = arith.select %le3A_1051, %slice3A_65, %select_n3A_986 : vector<32x2560xi1>, vector<32x2560xi32>
    %reduce_min3A_1064 = arith.constant dense<0x7F800000> : vector<32xf32>
    %reduce_min3A_1065 = vector.multi_reduction <minimumf>, %select_n3A_998, %reduce_min3A_1064 [1] : vector<32x2560xf32> to vector<32xf32>
    %broadcast_in_dim3A_1066 = vector.shape_cast %reduce_min3A_1065 : vector<32xf32> to vector<32x1xf32>
    %le3A_1067 = vector.broadcast %broadcast_in_dim3A_1066 : vector<32x1xf32> to vector<32x2560xf32>
    %le3A_1068 = arith.cmpf ole, %select_n3A_998, %le3A_1067 : vector<32x2560xf32>
    %jit3A_1069 = arith.constant 1073741824 : i32
    %broadcast_in_dim3A_1070 = vector.broadcast %jit3A_1069 : i32 to vector<32x2560xi32>
    %select_n3A_1071 = arith.select %le3A_1068, %select_n3A_1004, %broadcast_in_dim3A_1070 : vector<32x2560xi1>, vector<32x2560xi32>
    %reduce_min3A_1072 = arith.constant dense<2147483647> : vector<32xi32>
    %reduce_min3A_1073 = vector.multi_reduction <minsi>, %select_n3A_1071, %reduce_min3A_1072 [1] : vector<32x2560xi32> to vector<32xi32>
    %broadcast_in_dim3A_1074 = vector.shape_cast %reduce_min3A_1073 : vector<32xi32> to vector<32x1xi32>
    %select_n3A_1075 = arith.select %le3A_1068, %select_n3A_999, %select_n3A_998 : vector<32x2560xi1>, vector<32x2560xf32>
    %select_n3A_1076 = arith.select %le3A_1068, %select_n3A_1000, %select_n3A_999 : vector<32x2560xi1>, vector<32x2560xf32>
    %select_n3A_1077 = arith.select %le3A_1068, %select_n3A_1003, %select_n3A_1000 : vector<32x2560xi1>, vector<32x2560xf32>
    %select_n3A_1078 = arith.select %le3A_1068, %select_n3A_1005, %select_n3A_1004 : vector<32x2560xi1>, vector<32x2560xi32>
    %select_n3A_1079 = arith.select %le3A_1068, %select_n3A_1006, %select_n3A_1005 : vector<32x2560xi1>, vector<32x2560xi32>
    %select_n3A_1080 = arith.select %le3A_1068, %slice3A_73, %select_n3A_1006 : vector<32x2560xi1>, vector<32x2560xi32>
    %reduce_min3A_1081 = arith.constant dense<0x7F800000> : vector<32xf32>
    %reduce_min3A_1082 = vector.multi_reduction <minimumf>, %select_n3A_1018, %reduce_min3A_1081 [1] : vector<32x2560xf32> to vector<32xf32>
    %broadcast_in_dim3A_1083 = vector.shape_cast %reduce_min3A_1082 : vector<32xf32> to vector<32x1xf32>
    %le3A_1084 = vector.broadcast %broadcast_in_dim3A_1083 : vector<32x1xf32> to vector<32x2560xf32>
    %le3A_1085 = arith.cmpf ole, %select_n3A_1018, %le3A_1084 : vector<32x2560xf32>
    %jit3A_1086 = arith.constant 1073741824 : i32
    %broadcast_in_dim3A_1087 = vector.broadcast %jit3A_1086 : i32 to vector<32x2560xi32>
    %select_n3A_1088 = arith.select %le3A_1085, %select_n3A_1024, %broadcast_in_dim3A_1087 : vector<32x2560xi1>, vector<32x2560xi32>
    %reduce_min3A_1089 = arith.constant dense<2147483647> : vector<32xi32>
    %reduce_min3A_1090 = vector.multi_reduction <minsi>, %select_n3A_1088, %reduce_min3A_1089 [1] : vector<32x2560xi32> to vector<32xi32>
    %broadcast_in_dim3A_1091 = vector.shape_cast %reduce_min3A_1090 : vector<32xi32> to vector<32x1xi32>
    %select_n3A_1092 = arith.select %le3A_1085, %select_n3A_1019, %select_n3A_1018 : vector<32x2560xi1>, vector<32x2560xf32>
    %select_n3A_1093 = arith.select %le3A_1085, %select_n3A_1020, %select_n3A_1019 : vector<32x2560xi1>, vector<32x2560xf32>
    %select_n3A_1094 = arith.select %le3A_1085, %select_n3A_1023, %select_n3A_1020 : vector<32x2560xi1>, vector<32x2560xf32>
    %select_n3A_1095 = arith.select %le3A_1085, %select_n3A_1025, %select_n3A_1024 : vector<32x2560xi1>, vector<32x2560xi32>
    %select_n3A_1096 = arith.select %le3A_1085, %select_n3A_1026, %select_n3A_1025 : vector<32x2560xi1>, vector<32x2560xi32>
    %select_n3A_1097 = arith.select %le3A_1085, %slice3A_81, %select_n3A_1026 : vector<32x2560xi1>, vector<32x2560xi32>
    %reduce_min3A_1098 = arith.constant dense<0x7F800000> : vector<32xf32>
    %reduce_min3A_1099 = vector.multi_reduction <minimumf>, %select_n3A_1038, %reduce_min3A_1098 [1] : vector<32x2560xf32> to vector<32xf32>
    %broadcast_in_dim3A_1100 = vector.shape_cast %reduce_min3A_1099 : vector<32xf32> to vector<32x1xf32>
    %le3A_1101 = vector.broadcast %broadcast_in_dim3A_1100 : vector<32x1xf32> to vector<32x2560xf32>
    %le3A_1102 = arith.cmpf ole, %select_n3A_1038, %le3A_1101 : vector<32x2560xf32>
    %jit3A_1103 = arith.constant 1073741824 : i32
    %broadcast_in_dim3A_1104 = vector.broadcast %jit3A_1103 : i32 to vector<32x2560xi32>
    %select_n3A_1105 = arith.select %le3A_1102, %select_n3A_1044, %broadcast_in_dim3A_1104 : vector<32x2560xi1>, vector<32x2560xi32>
    %reduce_min3A_1106 = arith.constant dense<2147483647> : vector<32xi32>
    %reduce_min3A_1107 = vector.multi_reduction <minsi>, %select_n3A_1105, %reduce_min3A_1106 [1] : vector<32x2560xi32> to vector<32xi32>
    %broadcast_in_dim3A_1108 = vector.shape_cast %reduce_min3A_1107 : vector<32xi32> to vector<32x1xi32>
    %select_n3A_1109 = arith.select %le3A_1102, %select_n3A_1039, %select_n3A_1038 : vector<32x2560xi1>, vector<32x2560xf32>
    %select_n3A_1110 = arith.select %le3A_1102, %select_n3A_1040, %select_n3A_1039 : vector<32x2560xi1>, vector<32x2560xf32>
    %select_n3A_1111 = arith.select %le3A_1102, %select_n3A_1043, %select_n3A_1040 : vector<32x2560xi1>, vector<32x2560xf32>
    %select_n3A_1112 = arith.select %le3A_1102, %select_n3A_1045, %select_n3A_1044 : vector<32x2560xi1>, vector<32x2560xi32>
    %select_n3A_1113 = arith.select %le3A_1102, %select_n3A_1046, %select_n3A_1045 : vector<32x2560xi1>, vector<32x2560xi32>
    %select_n3A_1114 = arith.select %le3A_1102, %slice3A_89, %select_n3A_1046 : vector<32x2560xi1>, vector<32x2560xi32>
    %reduce_min3A_1115 = arith.constant dense<0x7F800000> : vector<32xf32>
    %reduce_min3A_1116 = vector.multi_reduction <minimumf>, %select_n3A_1058, %reduce_min3A_1115 [1] : vector<32x2560xf32> to vector<32xf32>
    %broadcast_in_dim3A_1117 = vector.shape_cast %reduce_min3A_1116 : vector<32xf32> to vector<32x1xf32>
    %le3A_1118 = vector.broadcast %broadcast_in_dim3A_1117 : vector<32x1xf32> to vector<32x2560xf32>
    %le3A_1119 = arith.cmpf ole, %select_n3A_1058, %le3A_1118 : vector<32x2560xf32>
    %jit3A_1120 = arith.constant 1073741824 : i32
    %broadcast_in_dim3A_1121 = vector.broadcast %jit3A_1120 : i32 to vector<32x2560xi32>
    %select_n3A_1122 = arith.select %le3A_1119, %select_n3A_1061, %broadcast_in_dim3A_1121 : vector<32x2560xi1>, vector<32x2560xi32>
    %reduce_min3A_1123 = arith.constant dense<2147483647> : vector<32xi32>
    %reduce_min3A_1124 = vector.multi_reduction <minsi>, %select_n3A_1122, %reduce_min3A_1123 [1] : vector<32x2560xi32> to vector<32xi32>
    %broadcast_in_dim3A_1125 = vector.shape_cast %reduce_min3A_1124 : vector<32xi32> to vector<32x1xi32>
    %select_n3A_1126 = arith.select %le3A_1119, %select_n3A_1059, %select_n3A_1058 : vector<32x2560xi1>, vector<32x2560xf32>
    %select_n3A_1127 = arith.select %le3A_1119, %select_n3A_1060, %select_n3A_1059 : vector<32x2560xi1>, vector<32x2560xf32>
    %select_n3A_1128 = arith.select %le3A_1119, %select_n3A_1062, %select_n3A_1061 : vector<32x2560xi1>, vector<32x2560xi32>
    %select_n3A_1129 = arith.select %le3A_1119, %select_n3A_1063, %select_n3A_1062 : vector<32x2560xi1>, vector<32x2560xi32>
    %reduce_min3A_1130 = arith.constant dense<0x7F800000> : vector<32xf32>
    %reduce_min3A_1131 = vector.multi_reduction <minimumf>, %select_n3A_1075, %reduce_min3A_1130 [1] : vector<32x2560xf32> to vector<32xf32>
    %broadcast_in_dim3A_1132 = vector.shape_cast %reduce_min3A_1131 : vector<32xf32> to vector<32x1xf32>
    %le3A_1133 = vector.broadcast %broadcast_in_dim3A_1132 : vector<32x1xf32> to vector<32x2560xf32>
    %le3A_1134 = arith.cmpf ole, %select_n3A_1075, %le3A_1133 : vector<32x2560xf32>
    %jit3A_1135 = arith.constant 1073741824 : i32
    %broadcast_in_dim3A_1136 = vector.broadcast %jit3A_1135 : i32 to vector<32x2560xi32>
    %select_n3A_1137 = arith.select %le3A_1134, %select_n3A_1078, %broadcast_in_dim3A_1136 : vector<32x2560xi1>, vector<32x2560xi32>
    %reduce_min3A_1138 = arith.constant dense<2147483647> : vector<32xi32>
    %reduce_min3A_1139 = vector.multi_reduction <minsi>, %select_n3A_1137, %reduce_min3A_1138 [1] : vector<32x2560xi32> to vector<32xi32>
    %broadcast_in_dim3A_1140 = vector.shape_cast %reduce_min3A_1139 : vector<32xi32> to vector<32x1xi32>
    %select_n3A_1141 = arith.select %le3A_1134, %select_n3A_1076, %select_n3A_1075 : vector<32x2560xi1>, vector<32x2560xf32>
    %select_n3A_1142 = arith.select %le3A_1134, %select_n3A_1077, %select_n3A_1076 : vector<32x2560xi1>, vector<32x2560xf32>
    %select_n3A_1143 = arith.select %le3A_1134, %select_n3A_1079, %select_n3A_1078 : vector<32x2560xi1>, vector<32x2560xi32>
    %select_n3A_1144 = arith.select %le3A_1134, %select_n3A_1080, %select_n3A_1079 : vector<32x2560xi1>, vector<32x2560xi32>
    %reduce_min3A_1145 = arith.constant dense<0x7F800000> : vector<32xf32>
    %reduce_min3A_1146 = vector.multi_reduction <minimumf>, %select_n3A_1092, %reduce_min3A_1145 [1] : vector<32x2560xf32> to vector<32xf32>
    %broadcast_in_dim3A_1147 = vector.shape_cast %reduce_min3A_1146 : vector<32xf32> to vector<32x1xf32>
    %le3A_1148 = vector.broadcast %broadcast_in_dim3A_1147 : vector<32x1xf32> to vector<32x2560xf32>
    %le3A_1149 = arith.cmpf ole, %select_n3A_1092, %le3A_1148 : vector<32x2560xf32>
    %jit3A_1150 = arith.constant 1073741824 : i32
    %broadcast_in_dim3A_1151 = vector.broadcast %jit3A_1150 : i32 to vector<32x2560xi32>
    %select_n3A_1152 = arith.select %le3A_1149, %select_n3A_1095, %broadcast_in_dim3A_1151 : vector<32x2560xi1>, vector<32x2560xi32>
    %reduce_min3A_1153 = arith.constant dense<2147483647> : vector<32xi32>
    %reduce_min3A_1154 = vector.multi_reduction <minsi>, %select_n3A_1152, %reduce_min3A_1153 [1] : vector<32x2560xi32> to vector<32xi32>
    %broadcast_in_dim3A_1155 = vector.shape_cast %reduce_min3A_1154 : vector<32xi32> to vector<32x1xi32>
    %select_n3A_1156 = arith.select %le3A_1149, %select_n3A_1093, %select_n3A_1092 : vector<32x2560xi1>, vector<32x2560xf32>
    %select_n3A_1157 = arith.select %le3A_1149, %select_n3A_1094, %select_n3A_1093 : vector<32x2560xi1>, vector<32x2560xf32>
    %select_n3A_1158 = arith.select %le3A_1149, %select_n3A_1096, %select_n3A_1095 : vector<32x2560xi1>, vector<32x2560xi32>
    %select_n3A_1159 = arith.select %le3A_1149, %select_n3A_1097, %select_n3A_1096 : vector<32x2560xi1>, vector<32x2560xi32>
    %reduce_min3A_1160 = arith.constant dense<0x7F800000> : vector<32xf32>
    %reduce_min3A_1161 = vector.multi_reduction <minimumf>, %select_n3A_1109, %reduce_min3A_1160 [1] : vector<32x2560xf32> to vector<32xf32>
    %broadcast_in_dim3A_1162 = vector.shape_cast %reduce_min3A_1161 : vector<32xf32> to vector<32x1xf32>
    %le3A_1163 = vector.broadcast %broadcast_in_dim3A_1162 : vector<32x1xf32> to vector<32x2560xf32>
    %le3A_1164 = arith.cmpf ole, %select_n3A_1109, %le3A_1163 : vector<32x2560xf32>
    %jit3A_1165 = arith.constant 1073741824 : i32
    %broadcast_in_dim3A_1166 = vector.broadcast %jit3A_1165 : i32 to vector<32x2560xi32>
    %select_n3A_1167 = arith.select %le3A_1164, %select_n3A_1112, %broadcast_in_dim3A_1166 : vector<32x2560xi1>, vector<32x2560xi32>
    %reduce_min3A_1168 = arith.constant dense<2147483647> : vector<32xi32>
    %reduce_min3A_1169 = vector.multi_reduction <minsi>, %select_n3A_1167, %reduce_min3A_1168 [1] : vector<32x2560xi32> to vector<32xi32>
    %broadcast_in_dim3A_1170 = vector.shape_cast %reduce_min3A_1169 : vector<32xi32> to vector<32x1xi32>
    %select_n3A_1171 = arith.select %le3A_1164, %select_n3A_1110, %select_n3A_1109 : vector<32x2560xi1>, vector<32x2560xf32>
    %select_n3A_1172 = arith.select %le3A_1164, %select_n3A_1111, %select_n3A_1110 : vector<32x2560xi1>, vector<32x2560xf32>
    %select_n3A_1173 = arith.select %le3A_1164, %select_n3A_1113, %select_n3A_1112 : vector<32x2560xi1>, vector<32x2560xi32>
    %select_n3A_1174 = arith.select %le3A_1164, %select_n3A_1114, %select_n3A_1113 : vector<32x2560xi1>, vector<32x2560xi32>
    %reduce_min3A_1175 = arith.constant dense<0x7F800000> : vector<32xf32>
    %reduce_min3A_1176 = vector.multi_reduction <minimumf>, %select_n3A_1126, %reduce_min3A_1175 [1] : vector<32x2560xf32> to vector<32xf32>
    %broadcast_in_dim3A_1177 = vector.shape_cast %reduce_min3A_1176 : vector<32xf32> to vector<32x1xf32>
    %le3A_1178 = vector.broadcast %broadcast_in_dim3A_1177 : vector<32x1xf32> to vector<32x2560xf32>
    %le3A_1179 = arith.cmpf ole, %select_n3A_1126, %le3A_1178 : vector<32x2560xf32>
    %jit3A_1180 = arith.constant 1073741824 : i32
    %broadcast_in_dim3A_1181 = vector.broadcast %jit3A_1180 : i32 to vector<32x2560xi32>
    %select_n3A_1182 = arith.select %le3A_1179, %select_n3A_1128, %broadcast_in_dim3A_1181 : vector<32x2560xi1>, vector<32x2560xi32>
    %reduce_min3A_1183 = arith.constant dense<2147483647> : vector<32xi32>
    %reduce_min3A_1184 = vector.multi_reduction <minsi>, %select_n3A_1182, %reduce_min3A_1183 [1] : vector<32x2560xi32> to vector<32xi32>
    %broadcast_in_dim3A_1185 = vector.shape_cast %reduce_min3A_1184 : vector<32xi32> to vector<32x1xi32>
    %select_n3A_1186 = arith.select %le3A_1179, %select_n3A_1127, %select_n3A_1126 : vector<32x2560xi1>, vector<32x2560xf32>
    %select_n3A_1187 = arith.select %le3A_1179, %select_n3A_1129, %select_n3A_1128 : vector<32x2560xi1>, vector<32x2560xi32>
    %reduce_min3A_1188 = arith.constant dense<0x7F800000> : vector<32xf32>
    %reduce_min3A_1189 = vector.multi_reduction <minimumf>, %select_n3A_1141, %reduce_min3A_1188 [1] : vector<32x2560xf32> to vector<32xf32>
    %broadcast_in_dim3A_1190 = vector.shape_cast %reduce_min3A_1189 : vector<32xf32> to vector<32x1xf32>
    %le3A_1191 = vector.broadcast %broadcast_in_dim3A_1190 : vector<32x1xf32> to vector<32x2560xf32>
    %le3A_1192 = arith.cmpf ole, %select_n3A_1141, %le3A_1191 : vector<32x2560xf32>
    %jit3A_1193 = arith.constant 1073741824 : i32
    %broadcast_in_dim3A_1194 = vector.broadcast %jit3A_1193 : i32 to vector<32x2560xi32>
    %select_n3A_1195 = arith.select %le3A_1192, %select_n3A_1143, %broadcast_in_dim3A_1194 : vector<32x2560xi1>, vector<32x2560xi32>
    %reduce_min3A_1196 = arith.constant dense<2147483647> : vector<32xi32>
    %reduce_min3A_1197 = vector.multi_reduction <minsi>, %select_n3A_1195, %reduce_min3A_1196 [1] : vector<32x2560xi32> to vector<32xi32>
    %broadcast_in_dim3A_1198 = vector.shape_cast %reduce_min3A_1197 : vector<32xi32> to vector<32x1xi32>
    %select_n3A_1199 = arith.select %le3A_1192, %select_n3A_1142, %select_n3A_1141 : vector<32x2560xi1>, vector<32x2560xf32>
    %select_n3A_1200 = arith.select %le3A_1192, %select_n3A_1144, %select_n3A_1143 : vector<32x2560xi1>, vector<32x2560xi32>
    %reduce_min3A_1201 = arith.constant dense<0x7F800000> : vector<32xf32>
    %reduce_min3A_1202 = vector.multi_reduction <minimumf>, %select_n3A_1156, %reduce_min3A_1201 [1] : vector<32x2560xf32> to vector<32xf32>
    %broadcast_in_dim3A_1203 = vector.shape_cast %reduce_min3A_1202 : vector<32xf32> to vector<32x1xf32>
    %le3A_1204 = vector.broadcast %broadcast_in_dim3A_1203 : vector<32x1xf32> to vector<32x2560xf32>
    %le3A_1205 = arith.cmpf ole, %select_n3A_1156, %le3A_1204 : vector<32x2560xf32>
    %jit3A_1206 = arith.constant 1073741824 : i32
    %broadcast_in_dim3A_1207 = vector.broadcast %jit3A_1206 : i32 to vector<32x2560xi32>
    %select_n3A_1208 = arith.select %le3A_1205, %select_n3A_1158, %broadcast_in_dim3A_1207 : vector<32x2560xi1>, vector<32x2560xi32>
    %reduce_min3A_1209 = arith.constant dense<2147483647> : vector<32xi32>
    %reduce_min3A_1210 = vector.multi_reduction <minsi>, %select_n3A_1208, %reduce_min3A_1209 [1] : vector<32x2560xi32> to vector<32xi32>
    %broadcast_in_dim3A_1211 = vector.shape_cast %reduce_min3A_1210 : vector<32xi32> to vector<32x1xi32>
    %select_n3A_1212 = arith.select %le3A_1205, %select_n3A_1157, %select_n3A_1156 : vector<32x2560xi1>, vector<32x2560xf32>
    %select_n3A_1213 = arith.select %le3A_1205, %select_n3A_1159, %select_n3A_1158 : vector<32x2560xi1>, vector<32x2560xi32>
    %reduce_min3A_1214 = arith.constant dense<0x7F800000> : vector<32xf32>
    %reduce_min3A_1215 = vector.multi_reduction <minimumf>, %select_n3A_1171, %reduce_min3A_1214 [1] : vector<32x2560xf32> to vector<32xf32>
    %broadcast_in_dim3A_1216 = vector.shape_cast %reduce_min3A_1215 : vector<32xf32> to vector<32x1xf32>
    %le3A_1217 = vector.broadcast %broadcast_in_dim3A_1216 : vector<32x1xf32> to vector<32x2560xf32>
    %le3A_1218 = arith.cmpf ole, %select_n3A_1171, %le3A_1217 : vector<32x2560xf32>
    %jit3A_1219 = arith.constant 1073741824 : i32
    %broadcast_in_dim3A_1220 = vector.broadcast %jit3A_1219 : i32 to vector<32x2560xi32>
    %select_n3A_1221 = arith.select %le3A_1218, %select_n3A_1173, %broadcast_in_dim3A_1220 : vector<32x2560xi1>, vector<32x2560xi32>
    %reduce_min3A_1222 = arith.constant dense<2147483647> : vector<32xi32>
    %reduce_min3A_1223 = vector.multi_reduction <minsi>, %select_n3A_1221, %reduce_min3A_1222 [1] : vector<32x2560xi32> to vector<32xi32>
    %broadcast_in_dim3A_1224 = vector.shape_cast %reduce_min3A_1223 : vector<32xi32> to vector<32x1xi32>
    %select_n3A_1225 = arith.select %le3A_1218, %select_n3A_1172, %select_n3A_1171 : vector<32x2560xi1>, vector<32x2560xf32>
    %select_n3A_1226 = arith.select %le3A_1218, %select_n3A_1174, %select_n3A_1173 : vector<32x2560xi1>, vector<32x2560xi32>
    %reduce_min3A_1227 = arith.constant dense<0x7F800000> : vector<32xf32>
    %reduce_min3A_1228 = vector.multi_reduction <minimumf>, %select_n3A_1186, %reduce_min3A_1227 [1] : vector<32x2560xf32> to vector<32xf32>
    %broadcast_in_dim3A_1229 = vector.shape_cast %reduce_min3A_1228 : vector<32xf32> to vector<32x1xf32>
    %le3A_1230 = vector.broadcast %broadcast_in_dim3A_1229 : vector<32x1xf32> to vector<32x2560xf32>
    %le3A_1231 = arith.cmpf ole, %select_n3A_1186, %le3A_1230 : vector<32x2560xf32>
    %jit3A_1232 = arith.constant 1073741824 : i32
    %broadcast_in_dim3A_1233 = vector.broadcast %jit3A_1232 : i32 to vector<32x2560xi32>
    %select_n3A_1234 = arith.select %le3A_1231, %select_n3A_1187, %broadcast_in_dim3A_1233 : vector<32x2560xi1>, vector<32x2560xi32>
    %reduce_min3A_1235 = arith.constant dense<2147483647> : vector<32xi32>
    %reduce_min3A_1236 = vector.multi_reduction <minsi>, %select_n3A_1234, %reduce_min3A_1235 [1] : vector<32x2560xi32> to vector<32xi32>
    %broadcast_in_dim3A_1237 = vector.shape_cast %reduce_min3A_1236 : vector<32xi32> to vector<32x1xi32>
    %reduce_min3A_1238 = arith.constant dense<0x7F800000> : vector<32xf32>
    %reduce_min3A_1239 = vector.multi_reduction <minimumf>, %select_n3A_1199, %reduce_min3A_1238 [1] : vector<32x2560xf32> to vector<32xf32>
    %broadcast_in_dim3A_1240 = vector.shape_cast %reduce_min3A_1239 : vector<32xf32> to vector<32x1xf32>
    %le3A_1241 = vector.broadcast %broadcast_in_dim3A_1240 : vector<32x1xf32> to vector<32x2560xf32>
    %le3A_1242 = arith.cmpf ole, %select_n3A_1199, %le3A_1241 : vector<32x2560xf32>
    %jit3A_1243 = arith.constant 1073741824 : i32
    %broadcast_in_dim3A_1244 = vector.broadcast %jit3A_1243 : i32 to vector<32x2560xi32>
    %select_n3A_1245 = arith.select %le3A_1242, %select_n3A_1200, %broadcast_in_dim3A_1244 : vector<32x2560xi1>, vector<32x2560xi32>
    %reduce_min3A_1246 = arith.constant dense<2147483647> : vector<32xi32>
    %reduce_min3A_1247 = vector.multi_reduction <minsi>, %select_n3A_1245, %reduce_min3A_1246 [1] : vector<32x2560xi32> to vector<32xi32>
    %broadcast_in_dim3A_1248 = vector.shape_cast %reduce_min3A_1247 : vector<32xi32> to vector<32x1xi32>
    %reduce_min3A_1249 = arith.constant dense<0x7F800000> : vector<32xf32>
    %reduce_min3A_1250 = vector.multi_reduction <minimumf>, %select_n3A_1212, %reduce_min3A_1249 [1] : vector<32x2560xf32> to vector<32xf32>
    %broadcast_in_dim3A_1251 = vector.shape_cast %reduce_min3A_1250 : vector<32xf32> to vector<32x1xf32>
    %le3A_1252 = vector.broadcast %broadcast_in_dim3A_1251 : vector<32x1xf32> to vector<32x2560xf32>
    %le3A_1253 = arith.cmpf ole, %select_n3A_1212, %le3A_1252 : vector<32x2560xf32>
    %jit3A_1254 = arith.constant 1073741824 : i32
    %broadcast_in_dim3A_1255 = vector.broadcast %jit3A_1254 : i32 to vector<32x2560xi32>
    %select_n3A_1256 = arith.select %le3A_1253, %select_n3A_1213, %broadcast_in_dim3A_1255 : vector<32x2560xi1>, vector<32x2560xi32>
    %reduce_min3A_1257 = arith.constant dense<2147483647> : vector<32xi32>
    %reduce_min3A_1258 = vector.multi_reduction <minsi>, %select_n3A_1256, %reduce_min3A_1257 [1] : vector<32x2560xi32> to vector<32xi32>
    %broadcast_in_dim3A_1259 = vector.shape_cast %reduce_min3A_1258 : vector<32xi32> to vector<32x1xi32>
    %reduce_min3A_1260 = arith.constant dense<0x7F800000> : vector<32xf32>
    %reduce_min3A_1261 = vector.multi_reduction <minimumf>, %select_n3A_1225, %reduce_min3A_1260 [1] : vector<32x2560xf32> to vector<32xf32>
    %broadcast_in_dim3A_1262 = vector.shape_cast %reduce_min3A_1261 : vector<32xf32> to vector<32x1xf32>
    %le3A_1263 = vector.broadcast %broadcast_in_dim3A_1262 : vector<32x1xf32> to vector<32x2560xf32>
    %le3A_1264 = arith.cmpf ole, %select_n3A_1225, %le3A_1263 : vector<32x2560xf32>
    %jit3A_1265 = arith.constant 1073741824 : i32
    %broadcast_in_dim3A_1266 = vector.broadcast %jit3A_1265 : i32 to vector<32x2560xi32>
    %select_n3A_1267 = arith.select %le3A_1264, %select_n3A_1226, %broadcast_in_dim3A_1266 : vector<32x2560xi1>, vector<32x2560xi32>
    %reduce_min3A_1268 = arith.constant dense<2147483647> : vector<32xi32>
    %reduce_min3A_1269 = vector.multi_reduction <minsi>, %select_n3A_1267, %reduce_min3A_1268 [1] : vector<32x2560xi32> to vector<32xi32>
    %broadcast_in_dim3A_1270 = vector.shape_cast %reduce_min3A_1269 : vector<32xi32> to vector<32x1xi32>
    %concatenate3A = tpu.concatenate %broadcast_in_dim3A_97, %broadcast_in_dim3A_177, %broadcast_in_dim3A_257, %broadcast_in_dim3A_337, %broadcast_in_dim3A_417, %broadcast_in_dim3A_497, %broadcast_in_dim3A_577, %broadcast_in_dim3A_657, %broadcast_in_dim3A_737, %broadcast_in_dim3A_817, %broadcast_in_dim3A_897, %broadcast_in_dim3A_977, %broadcast_in_dim3A_1057, %broadcast_in_dim3A_1125, %broadcast_in_dim3A_1185, %broadcast_in_dim3A_1237 in 1 : vector<32x1xi32>, vector<32x1xi32>, vector<32x1xi32>, vector<32x1xi32>, vector<32x1xi32>, vector<32x1xi32>, vector<32x1xi32>, vector<32x1xi32>, vector<32x1xi32>, vector<32x1xi32>, vector<32x1xi32>, vector<32x1xi32>, vector<32x1xi32>, vector<32x1xi32>, vector<32x1xi32>, vector<32x1xi32> -> vector<32x16xi32>
    %concatenate3A_1271 = tpu.concatenate %broadcast_in_dim3A_117, %broadcast_in_dim3A_197, %broadcast_in_dim3A_277, %broadcast_in_dim3A_357, %broadcast_in_dim3A_437, %broadcast_in_dim3A_517, %broadcast_in_dim3A_597, %broadcast_in_dim3A_677, %broadcast_in_dim3A_757, %broadcast_in_dim3A_837, %broadcast_in_dim3A_917, %broadcast_in_dim3A_997, %broadcast_in_dim3A_1074, %broadcast_in_dim3A_1140, %broadcast_in_dim3A_1198, %broadcast_in_dim3A_1248 in 1 : vector<32x1xi32>, vector<32x1xi32>, vector<32x1xi32>, vector<32x1xi32>, vector<32x1xi32>, vector<32x1xi32>, vector<32x1xi32>, vector<32x1xi32>, vector<32x1xi32>, vector<32x1xi32>, vector<32x1xi32>, vector<32x1xi32>, vector<32x1xi32>, vector<32x1xi32>, vector<32x1xi32>, vector<32x1xi32> -> vector<32x16xi32>
    %concatenate3A_1272 = tpu.concatenate %broadcast_in_dim3A_137, %broadcast_in_dim3A_217, %broadcast_in_dim3A_297, %broadcast_in_dim3A_377, %broadcast_in_dim3A_457, %broadcast_in_dim3A_537, %broadcast_in_dim3A_617, %broadcast_in_dim3A_697, %broadcast_in_dim3A_777, %broadcast_in_dim3A_857, %broadcast_in_dim3A_937, %broadcast_in_dim3A_1017, %broadcast_in_dim3A_1091, %broadcast_in_dim3A_1155, %broadcast_in_dim3A_1211, %broadcast_in_dim3A_1259 in 1 : vector<32x1xi32>, vector<32x1xi32>, vector<32x1xi32>, vector<32x1xi32>, vector<32x1xi32>, vector<32x1xi32>, vector<32x1xi32>, vector<32x1xi32>, vector<32x1xi32>, vector<32x1xi32>, vector<32x1xi32>, vector<32x1xi32>, vector<32x1xi32>, vector<32x1xi32>, vector<32x1xi32>, vector<32x1xi32> -> vector<32x16xi32>
    %concatenate3A_1273 = tpu.concatenate %broadcast_in_dim3A_157, %broadcast_in_dim3A_237, %broadcast_in_dim3A_317, %broadcast_in_dim3A_397, %broadcast_in_dim3A_477, %broadcast_in_dim3A_557, %broadcast_in_dim3A_637, %broadcast_in_dim3A_717, %broadcast_in_dim3A_797, %broadcast_in_dim3A_877, %broadcast_in_dim3A_957, %broadcast_in_dim3A_1037, %broadcast_in_dim3A_1108, %broadcast_in_dim3A_1170, %broadcast_in_dim3A_1224, %broadcast_in_dim3A_1270 in 1 : vector<32x1xi32>, vector<32x1xi32>, vector<32x1xi32>, vector<32x1xi32>, vector<32x1xi32>, vector<32x1xi32>, vector<32x1xi32>, vector<32x1xi32>, vector<32x1xi32>, vector<32x1xi32>, vector<32x1xi32>, vector<32x1xi32>, vector<32x1xi32>, vector<32x1xi32>, vector<32x1xi32>, vector<32x1xi32> -> vector<32x16xi32>
    %concatenate3A_1274 = tpu.concatenate %concatenate3A, %concatenate3A_1271, %concatenate3A_1272, %concatenate3A_1273 in 0 : vector<32x16xi32>, vector<32x16xi32>, vector<32x16xi32>, vector<32x16xi32> -> vector<128x16xi32>
    %swap3A = arith.constant 0 : index
    %swap3A_1275 = arith.constant 0 : index
    %swap3A_1276 = vector.load %arg3[%swap3A, %swap3A_1275] : memref<128x16xi32, #tpu.memory_space<vmem>>, vector<128x16xi32>
    tpu.vector_store %arg3[%swap3A, %swap3A_1275], %concatenate3A_1274 {strides = array<i32>} : memref<128x16xi32, #tpu.memory_space<vmem>>, vector<128x16xi32>,
    return
  }
  func.func @transform_0(%arg0: i32) -> (i32, i32) {
    %c0_i32 = arith.constant 0 : i32
    %c0_i32_0 = arith.constant 0 : i32
    return %arg0, %c0_i32 : i32, i32
  }
  func.func @transform_1(%arg0: i32) -> (i32, i32) {
    %c0_i32 = arith.constant 0 : i32
    %c0_i32_0 = arith.constant 0 : i32
    %c0_i32_1 = arith.constant 0 : i32
    return %c0_i32, %c0_i32_0 : i32, i32
  }
  func.func @transform_2(%arg0: i32) -> (i32, i32) {
    %c0_i32 = arith.constant 0 : i32
    %c0_i32_0 = arith.constant 0 : i32
    return %arg0, %c0_i32 : i32, i32
  }
}

module attributes {stable_mosaic.version = 14 : i64} {
  func.func @_proj_body(%arg0: i32, %arg1: memref<2000x128xf32, #tpu.memory_space<vmem>>, %arg2: memref<128x128xf32, #tpu.memory_space<vmem>>, %arg3: memref<128x128xf32, #tpu.memory_space<vmem>>, %arg4: memref<128x128xf32, #tpu.memory_space<vmem>>, %arg5: memref<1x128xf32, #tpu.memory_space<vmem>>, %arg6: memref<1x128xf32, #tpu.memory_space<vmem>>, %arg7: memref<1x128xf32, #tpu.memory_space<vmem>>, %arg8: memref<2000x128xf32, #tpu.memory_space<vmem>>, %arg9: memref<2000x128xf32, #tpu.memory_space<vmem>>, %arg10: memref<2000x128xf32, #tpu.memory_space<vmem>>) attributes {dimension_semantics = [#tpu.dimension_semantics<arbitrary>], iteration_bounds = array<i64: 5>, scalar_prefetch = 0 : i64, scratch_operands = 0 : i64, tpu.core_type = #tpu.core_type<tc>, window_params = [{transform_indices = @transform_0, window_bounds = array<i64: 2000, 128>}, {pipeline_mode = #tpu.pipeline_mode<synchronous>, transform_indices = @transform_1, window_bounds = array<i64: 128, 128>}, {pipeline_mode = #tpu.pipeline_mode<synchronous>, transform_indices = @transform_2, window_bounds = array<i64: 128, 128>}, {pipeline_mode = #tpu.pipeline_mode<synchronous>, transform_indices = @transform_3, window_bounds = array<i64: 128, 128>}, {pipeline_mode = #tpu.pipeline_mode<synchronous>, transform_indices = @transform_4, window_bounds = array<i64: 1, 128>}, {pipeline_mode = #tpu.pipeline_mode<synchronous>, transform_indices = @transform_5, window_bounds = array<i64: 1, 128>}, {pipeline_mode = #tpu.pipeline_mode<synchronous>, transform_indices = @transform_6, window_bounds = array<i64: 1, 128>}, {transform_indices = @transform_7, window_bounds = array<i64: 2000, 128>}, {transform_indices = @transform_8, window_bounds = array<i64: 2000, 128>}, {transform_indices = @transform_9, window_bounds = array<i64: 2000, 128>}]} {
    %get3A = arith.constant 0 : index
    %get3A_0 = arith.constant 0 : index
    %get3A_1 = vector.load %arg1[%get3A, %get3A_0] : memref<2000x128xf32, #tpu.memory_space<vmem>>, vector<2000x128xf32>
    %get3A_2 = arith.constant 0 : index
    %get3A_3 = arith.constant 0 : index
    %get3A_4 = vector.load %arg2[%get3A_2, %get3A_3] : memref<128x128xf32, #tpu.memory_space<vmem>>, vector<128x128xf32>
    %dot_general3A = arith.constant dense<0.000000e+00> : vector<2000x128xf32>
    %dot_general3A_5 = tpu.matmul %get3A_1, %get3A_4, %dot_general3A {dimension_numbers = #tpu.dot_dimension_numbers<[1], [0], [0], [1], [0, 0, 1, 1], [], []>, transpose_lhs_hint = false} : vector<2000x128xf32>, vector<128x128xf32>, vector<2000x128xf32> -> vector<2000x128xf32>
    %get3A_6 = arith.constant 0 : index
    %get3A_7 = arith.constant 0 : index
    %get3A_8 = vector.load %arg5[%get3A_6, %get3A_7] : memref<1x128xf32, #tpu.memory_space<vmem>>, vector<1x128xf32>
    %add3A = vector.broadcast %get3A_8 : vector<1x128xf32> to vector<2000x128xf32>
    %add3A_9 = arith.addf %dot_general3A_5, %add3A : vector<2000x128xf32>
    %swap3A = arith.constant 0 : index
    %swap3A_10 = arith.constant 0 : index
    %swap3A_11 = vector.load %arg8[%swap3A, %swap3A_10] : memref<2000x128xf32, #tpu.memory_space<vmem>>, vector<2000x128xf32>
    tpu.vector_store %arg8[%swap3A, %swap3A_10], %add3A_9 {strides = array<i32>} : memref<2000x128xf32, #tpu.memory_space<vmem>>, vector<2000x128xf32>,
    %get3A_12 = arith.constant 0 : index
    %get3A_13 = arith.constant 0 : index
    %get3A_14 = vector.load %arg3[%get3A_12, %get3A_13] : memref<128x128xf32, #tpu.memory_space<vmem>>, vector<128x128xf32>
    %dot_general3A_15 = arith.constant dense<0.000000e+00> : vector<2000x128xf32>
    %dot_general3A_16 = tpu.matmul %get3A_1, %get3A_14, %dot_general3A_15 {dimension_numbers = #tpu.dot_dimension_numbers<[1], [0], [0], [1], [0, 0, 1, 1], [], []>, transpose_lhs_hint = false} : vector<2000x128xf32>, vector<128x128xf32>, vector<2000x128xf32> -> vector<2000x128xf32>
    %get3A_17 = arith.constant 0 : index
    %get3A_18 = arith.constant 0 : index
    %get3A_19 = vector.load %arg6[%get3A_17, %get3A_18] : memref<1x128xf32, #tpu.memory_space<vmem>>, vector<1x128xf32>
    %add3A_20 = vector.broadcast %get3A_19 : vector<1x128xf32> to vector<2000x128xf32>
    %add3A_21 = arith.addf %dot_general3A_16, %add3A_20 : vector<2000x128xf32>
    %swap3A_22 = arith.constant 0 : index
    %swap3A_23 = arith.constant 0 : index
    %swap3A_24 = vector.load %arg9[%swap3A_22, %swap3A_23] : memref<2000x128xf32, #tpu.memory_space<vmem>>, vector<2000x128xf32>
    tpu.vector_store %arg9[%swap3A_22, %swap3A_23], %add3A_21 {strides = array<i32>} : memref<2000x128xf32, #tpu.memory_space<vmem>>, vector<2000x128xf32>,
    %get3A_25 = arith.constant 0 : index
    %get3A_26 = arith.constant 0 : index
    %get3A_27 = vector.load %arg4[%get3A_25, %get3A_26] : memref<128x128xf32, #tpu.memory_space<vmem>>, vector<128x128xf32>
    %dot_general3A_28 = arith.constant dense<0.000000e+00> : vector<2000x128xf32>
    %dot_general3A_29 = tpu.matmul %get3A_1, %get3A_27, %dot_general3A_28 {dimension_numbers = #tpu.dot_dimension_numbers<[1], [0], [0], [1], [0, 0, 1, 1], [], []>, transpose_lhs_hint = false} : vector<2000x128xf32>, vector<128x128xf32>, vector<2000x128xf32> -> vector<2000x128xf32>
    %get3A_30 = arith.constant 0 : index
    %get3A_31 = arith.constant 0 : index
    %get3A_32 = vector.load %arg7[%get3A_30, %get3A_31] : memref<1x128xf32, #tpu.memory_space<vmem>>, vector<1x128xf32>
    %add3A_33 = vector.broadcast %get3A_32 : vector<1x128xf32> to vector<2000x128xf32>
    %add3A_34 = arith.addf %dot_general3A_29, %add3A_33 : vector<2000x128xf32>
    %swap3A_35 = arith.constant 0 : index
    %swap3A_36 = arith.constant 0 : index
    %swap3A_37 = vector.load %arg10[%swap3A_35, %swap3A_36] : memref<2000x128xf32, #tpu.memory_space<vmem>>, vector<2000x128xf32>
    tpu.vector_store %arg10[%swap3A_35, %swap3A_36], %add3A_34 {strides = array<i32>} : memref<2000x128xf32, #tpu.memory_space<vmem>>, vector<2000x128xf32>,
    return
  }
  func.func @transform_0(%arg0: i32) -> (i32, i32) {
    %c0_i32 = arith.constant 0 : i32
    %c0_i32_0 = arith.constant 0 : i32
    return %arg0, %c0_i32 : i32, i32
  }
  func.func @transform_1(%arg0: i32) -> (i32, i32) {
    %c0_i32 = arith.constant 0 : i32
    %c0_i32_0 = arith.constant 0 : i32
    %c0_i32_1 = arith.constant 0 : i32
    return %c0_i32, %c0_i32_0 : i32, i32
  }
  func.func @transform_2(%arg0: i32) -> (i32, i32) {
    %c0_i32 = arith.constant 0 : i32
    %c0_i32_0 = arith.constant 0 : i32
    %c0_i32_1 = arith.constant 0 : i32
    return %c0_i32, %c0_i32_0 : i32, i32
  }
  func.func @transform_3(%arg0: i32) -> (i32, i32) {
    %c0_i32 = arith.constant 0 : i32
    %c0_i32_0 = arith.constant 0 : i32
    %c0_i32_1 = arith.constant 0 : i32
    return %c0_i32, %c0_i32_0 : i32, i32
  }
  func.func @transform_4(%arg0: i32) -> (i32, i32) {
    %c0_i32 = arith.constant 0 : i32
    %c0_i32_0 = arith.constant 0 : i32
    %c0_i32_1 = arith.constant 0 : i32
    return %c0_i32, %c0_i32_0 : i32, i32
  }
  func.func @transform_5(%arg0: i32) -> (i32, i32) {
    %c0_i32 = arith.constant 0 : i32
    %c0_i32_0 = arith.constant 0 : i32
    %c0_i32_1 = arith.constant 0 : i32
    return %c0_i32, %c0_i32_0 : i32, i32
  }
  func.func @transform_6(%arg0: i32) -> (i32, i32) {
    %c0_i32 = arith.constant 0 : i32
    %c0_i32_0 = arith.constant 0 : i32
    %c0_i32_1 = arith.constant 0 : i32
    return %c0_i32, %c0_i32_0 : i32, i32
  }
  func.func @transform_7(%arg0: i32) -> (i32, i32) {
    %c0_i32 = arith.constant 0 : i32
    %c0_i32_0 = arith.constant 0 : i32
    return %arg0, %c0_i32 : i32, i32
  }
  func.func @transform_8(%arg0: i32) -> (i32, i32) {
    %c0_i32 = arith.constant 0 : i32
    %c0_i32_0 = arith.constant 0 : i32
    return %arg0, %c0_i32 : i32, i32
  }
  func.func @transform_9(%arg0: i32) -> (i32, i32) {
    %c0_i32 = arith.constant 0 : i32
    %c0_i32_0 = arith.constant 0 : i32
    return %arg0, %c0_i32 : i32, i32
  }
}

module attributes {stable_mosaic.version = 14 : i64} {
  func.func @_tstat_body(%arg0: i32, %arg1: memref<3200x16xf32, #tpu.memory_space<vmem>>, %arg2: memref<200x16xf32, #tpu.memory_space<vmem>>, %arg3: memref<16x16xf32, #tpu.memory_space<vmem>>, %arg4: memref<1x16xf32, #tpu.memory_space<vmem>>, %arg5: memref<8x16xf32, #tpu.memory_space<vmem>>) attributes {dimension_semantics = [#tpu.dimension_semantics<arbitrary>], iteration_bounds = array<i64: 50>, scalar_prefetch = 0 : i64, scratch_operands = 0 : i64, tpu.core_type = #tpu.core_type<tc>, window_params = [{transform_indices = @transform_0, window_bounds = array<i64: 3200, 16>}, {transform_indices = @transform_1, window_bounds = array<i64: 200, 16>}, {pipeline_mode = #tpu.pipeline_mode<synchronous>, transform_indices = @transform_2, window_bounds = array<i64: 16, 16>}, {pipeline_mode = #tpu.pipeline_mode<synchronous>, transform_indices = @transform_3, window_bounds = array<i64: 1, 16>}, {pipeline_mode = #tpu.pipeline_mode<synchronous>, transform_indices = @transform_4, window_bounds = array<i64: 8, 16>}]} {
    %get3A = arith.constant 0 : index
    %get3A_0 = arith.constant 0 : index
    %get3A_1 = vector.load %arg1[%get3A, %get3A_0] : memref<3200x16xf32, #tpu.memory_space<vmem>>, vector<3200x16xf32>
    %reshape3A = vector.shape_cast %get3A_1 : vector<3200x16xf32> to vector<200x16x16xf32>
    %get3A_2 = arith.constant 0 : index
    %get3A_3 = arith.constant 0 : index
    %get3A_4 = vector.load %arg2[%get3A_2, %get3A_3] : memref<200x16xf32, #tpu.memory_space<vmem>>, vector<200x16xf32>
    %broadcast_in_dim3A = vector.shape_cast %get3A_4 : vector<200x16xf32> to vector<200x1x16xf32>
    %sub3A = vector.broadcast %broadcast_in_dim3A : vector<200x1x16xf32> to vector<200x16x16xf32>
    %sub3A_5 = arith.subf %reshape3A, %sub3A : vector<200x16x16xf32>
    %reshape3A_6 = vector.shape_cast %sub3A_5 : vector<200x16x16xf32> to vector<3200x16xf32>
    %get3A_7 = arith.constant 0 : index
    %get3A_8 = arith.constant 0 : index
    %get3A_9 = vector.load %arg3[%get3A_7, %get3A_8] : memref<16x16xf32, #tpu.memory_space<vmem>>, vector<16x16xf32>
    %dot_general3A = arith.constant dense<0.000000e+00> : vector<3200x16xf32>
    %dot_general3A_10 = tpu.matmul %reshape3A_6, %get3A_9, %dot_general3A {dimension_numbers = #tpu.dot_dimension_numbers<[1], [0], [0], [1], [0, 0, 1, 1], [], []>, transpose_lhs_hint = false} : vector<3200x16xf32>, vector<16x16xf32>, vector<3200x16xf32> -> vector<3200x16xf32>
    %get3A_11 = arith.constant 0 : index
    %get3A_12 = arith.constant 0 : index
    %get3A_13 = vector.load %arg4[%get3A_11, %get3A_12] : memref<1x16xf32, #tpu.memory_space<vmem>>, vector<1x16xf32>
    %add3A = vector.broadcast %get3A_13 : vector<1x16xf32> to vector<3200x16xf32>
    %add3A_14 = arith.addf %dot_general3A_10, %add3A : vector<3200x16xf32>
    %reduce_sum3A = arith.constant dense<0.000000e+00> : vector<16xf32>
    %reduce_sum3A_15 = vector.multi_reduction <add>, %add3A_14, %reduce_sum3A [0] : vector<3200x16xf32> to vector<16xf32>
    %broadcast_in_dim3A_16 = vector.shape_cast %reduce_sum3A_15 : vector<16xf32> to vector<1x16xf32>
    %mul3A = arith.mulf %add3A_14, %add3A_14 : vector<3200x16xf32>
    %reduce_sum3A_17 = arith.constant dense<0.000000e+00> : vector<16xf32>
    %reduce_sum3A_18 = vector.multi_reduction <add>, %mul3A, %reduce_sum3A_17 [0] : vector<3200x16xf32> to vector<16xf32>
    %broadcast_in_dim3A_19 = vector.shape_cast %reduce_sum3A_18 : vector<16xf32> to vector<1x16xf32>
    %broadcast_in_dim3A_20 = arith.constant 0.000000e+00 : f32
    %broadcast_in_dim3A_21 = vector.broadcast %broadcast_in_dim3A_20 : f32 to vector<6x16xf32>
    %concatenate3A = tpu.concatenate %broadcast_in_dim3A_16, %broadcast_in_dim3A_19, %broadcast_in_dim3A_21 in 0 : vector<1x16xf32>, vector<1x16xf32>, vector<6x16xf32> -> vector<8x16xf32>
    %eq3A = arith.constant 0 : i32
    %eq3A_22 = arith.cmpi eq, %arg0, %eq3A : i32
    %convert_element_type3A = arith.extui %eq3A_22 : i1 to i32
    %cond3A = arith.constant 0 : i32
    %cond3A_23 = arith.cmpi ne, %convert_element_type3A, %cond3A : i32
    scf.if %cond3A_23 {
      %swap3A = arith.constant 0 : index
      %swap3A_28 = arith.constant 0 : index
      %swap3A_29 = vector.load %arg5[%swap3A, %swap3A_28] : memref<8x16xf32, #tpu.memory_space<vmem>>, vector<8x16xf32>
      tpu.vector_store %arg5[%swap3A, %swap3A_28], %concatenate3A {strides = array<i32>} : memref<8x16xf32, #tpu.memory_space<vmem>>, vector<8x16xf32>,
    } else {
    }
    %ne3A = arith.constant 0 : i32
    %ne3A_24 = arith.cmpi ne, %arg0, %ne3A : i32
    %convert_element_type3A_25 = arith.extui %ne3A_24 : i1 to i32
    %cond3A_26 = arith.constant 0 : i32
    %cond3A_27 = arith.cmpi ne, %convert_element_type3A_25, %cond3A_26 : i32
    scf.if %cond3A_27 {
      %get3A_28 = arith.constant 0 : index
      %get3A_29 = arith.constant 0 : index
      %get3A_30 = vector.load %arg5[%get3A_28, %get3A_29] : memref<8x16xf32, #tpu.memory_space<vmem>>, vector<8x16xf32>
      %add3A_31 = arith.addf %get3A_30, %concatenate3A : vector<8x16xf32>
      %swap3A = arith.constant 0 : index
      %swap3A_32 = arith.constant 0 : index
      %swap3A_33 = vector.load %arg5[%swap3A, %swap3A_32] : memref<8x16xf32, #tpu.memory_space<vmem>>, vector<8x16xf32>
      tpu.vector_store %arg5[%swap3A, %swap3A_32], %add3A_31 {strides = array<i32>} : memref<8x16xf32, #tpu.memory_space<vmem>>, vector<8x16xf32>,
    } else {
    }
    return
  }
  func.func @transform_0(%arg0: i32) -> (i32, i32) {
    %c0_i32 = arith.constant 0 : i32
    %c0_i32_0 = arith.constant 0 : i32
    return %arg0, %c0_i32 : i32, i32
  }
  func.func @transform_1(%arg0: i32) -> (i32, i32) {
    %c0_i32 = arith.constant 0 : i32
    %c0_i32_0 = arith.constant 0 : i32
    return %arg0, %c0_i32 : i32, i32
  }
  func.func @transform_2(%arg0: i32) -> (i32, i32) {
    %c0_i32 = arith.constant 0 : i32
    %c0_i32_0 = arith.constant 0 : i32
    %c0_i32_1 = arith.constant 0 : i32
    return %c0_i32, %c0_i32_0 : i32, i32
  }
  func.func @transform_3(%arg0: i32) -> (i32, i32) {
    %c0_i32 = arith.constant 0 : i32
    %c0_i32_0 = arith.constant 0 : i32
    %c0_i32_1 = arith.constant 0 : i32
    return %c0_i32, %c0_i32_0 : i32, i32
  }
  func.func @transform_4(%arg0: i32) -> (i32, i32) {
    %c0_i32 = arith.constant 0 : i32
    %c0_i32_0 = arith.constant 0 : i32
    %c0_i32_1 = arith.constant 0 : i32
    return %c0_i32, %c0_i32_0 : i32, i32
  }
}

module attributes {stable_mosaic.version = 14 : i64} {
  func.func @_wstat_body(%arg0: i32, %arg1: memref<3200x128xf32, #tpu.memory_space<vmem>>, %arg2: memref<3200x16xf32, #tpu.memory_space<vmem>>, %arg3: memref<200x16xf32, #tpu.memory_space<vmem>>, %arg4: memref<200x128xf32, #tpu.memory_space<vmem>>, %arg5: memref<16x16xf32, #tpu.memory_space<vmem>>, %arg6: memref<1x16xf32, #tpu.memory_space<vmem>>, %arg7: memref<1x16xf32, #tpu.memory_space<vmem>>, %arg8: memref<1x16xf32, #tpu.memory_space<vmem>>, %arg9: memref<16x128xf32, #tpu.memory_space<vmem>>, %arg10: memref<1x128xf32, #tpu.memory_space<vmem>>, %arg11: memref<8x128xf32, #tpu.memory_space<vmem>>) attributes {dimension_semantics = [#tpu.dimension_semantics<arbitrary>], iteration_bounds = array<i64: 50>, scalar_prefetch = 0 : i64, scratch_operands = 0 : i64, tpu.core_type = #tpu.core_type<tc>, window_params = [{transform_indices = @transform_0, window_bounds = array<i64: 3200, 128>}, {transform_indices = @transform_1, window_bounds = array<i64: 3200, 16>}, {transform_indices = @transform_2, window_bounds = array<i64: 200, 16>}, {transform_indices = @transform_3, window_bounds = array<i64: 200, 128>}, {pipeline_mode = #tpu.pipeline_mode<synchronous>, transform_indices = @transform_4, window_bounds = array<i64: 16, 16>}, {pipeline_mode = #tpu.pipeline_mode<synchronous>, transform_indices = @transform_5, window_bounds = array<i64: 1, 16>}, {pipeline_mode = #tpu.pipeline_mode<synchronous>, transform_indices = @transform_6, window_bounds = array<i64: 1, 16>}, {pipeline_mode = #tpu.pipeline_mode<synchronous>, transform_indices = @transform_7, window_bounds = array<i64: 1, 16>}, {pipeline_mode = #tpu.pipeline_mode<synchronous>, transform_indices = @transform_8, window_bounds = array<i64: 16, 128>}, {pipeline_mode = #tpu.pipeline_mode<synchronous>, transform_indices = @transform_9, window_bounds = array<i64: 1, 128>}, {pipeline_mode = #tpu.pipeline_mode<synchronous>, transform_indices = @transform_10, window_bounds = array<i64: 8, 128>}]} {
    %get3A = arith.constant 0 : index
    %get3A_0 = arith.constant 0 : index
    %get3A_1 = vector.load %arg2[%get3A, %get3A_0] : memref<3200x16xf32, #tpu.memory_space<vmem>>, vector<3200x16xf32>
    %get3A_2 = arith.constant 0 : index
    %get3A_3 = arith.constant 0 : index
    %get3A_4 = vector.load %arg3[%get3A_2, %get3A_3] : memref<200x16xf32, #tpu.memory_space<vmem>>, vector<200x16xf32>
    %get3A_5 = arith.constant 0 : index
    %get3A_6 = arith.constant 0 : index
    %get3A_7 = vector.load %arg5[%get3A_5, %get3A_6] : memref<16x16xf32, #tpu.memory_space<vmem>>, vector<16x16xf32>
    %get3A_8 = arith.constant 0 : index
    %get3A_9 = arith.constant 0 : index
    %get3A_10 = vector.load %arg6[%get3A_8, %get3A_9] : memref<1x16xf32, #tpu.memory_space<vmem>>, vector<1x16xf32>
    %get3A_11 = arith.constant 0 : index
    %get3A_12 = arith.constant 0 : index
    %get3A_13 = vector.load %arg7[%get3A_11, %get3A_12] : memref<1x16xf32, #tpu.memory_space<vmem>>, vector<1x16xf32>
    %get3A_14 = arith.constant 0 : index
    %get3A_15 = arith.constant 0 : index
    %get3A_16 = vector.load %arg8[%get3A_14, %get3A_15] : memref<1x16xf32, #tpu.memory_space<vmem>>, vector<1x16xf32>
    %get3A_17 = arith.constant 0 : index
    %get3A_18 = arith.constant 0 : index
    %get3A_19 = vector.load %arg9[%get3A_17, %get3A_18] : memref<16x128xf32, #tpu.memory_space<vmem>>, vector<16x128xf32>
    %get3A_20 = arith.constant 0 : index
    %get3A_21 = arith.constant 0 : index
    %get3A_22 = vector.load %arg10[%get3A_20, %get3A_21] : memref<1x128xf32, #tpu.memory_space<vmem>>, vector<1x128xf32>
    %reshape3A = vector.shape_cast %get3A_1 : vector<3200x16xf32> to vector<200x16x16xf32>
    %broadcast_in_dim3A = vector.shape_cast %get3A_4 : vector<200x16xf32> to vector<200x1x16xf32>
    %sub3A = vector.broadcast %broadcast_in_dim3A : vector<200x1x16xf32> to vector<200x16x16xf32>
    %sub3A_23 = arith.subf %reshape3A, %sub3A : vector<200x16x16xf32>
    %reshape3A_24 = vector.shape_cast %sub3A_23 : vector<200x16x16xf32> to vector<3200x16xf32>
    %dot_general3A = arith.constant dense<0.000000e+00> : vector<3200x16xf32>
    %dot_general3A_25 = tpu.matmul %reshape3A_24, %get3A_7, %dot_general3A {dimension_numbers = #tpu.dot_dimension_numbers<[1], [0], [0], [1], [0, 0, 1, 1], [], []>, transpose_lhs_hint = false} : vector<3200x16xf32>, vector<16x16xf32>, vector<3200x16xf32> -> vector<3200x16xf32>
    %add3A = vector.broadcast %get3A_10 : vector<1x16xf32> to vector<3200x16xf32>
    %add3A_26 = arith.addf %dot_general3A_25, %add3A : vector<3200x16xf32>
    %mul3A = vector.broadcast %get3A_13 : vector<1x16xf32> to vector<3200x16xf32>
    %mul3A_27 = arith.mulf %add3A_26, %mul3A : vector<3200x16xf32>
    %add3A_28 = vector.broadcast %get3A_16 : vector<1x16xf32> to vector<3200x16xf32>
    %add3A_29 = arith.addf %mul3A_27, %add3A_28 : vector<3200x16xf32>
    %max3A = arith.constant 0.000000e+00 : f32
    %max3A_30 = vector.broadcast %max3A : f32 to vector<3200x16xf32>
    %max3A_31 = arith.maximumf %add3A_29, %max3A_30 : vector<3200x16xf32>
    %dot_general3A_32 = arith.constant dense<0.000000e+00> : vector<3200x128xf32>
    %dot_general3A_33 = tpu.matmul %max3A_31, %get3A_19, %dot_general3A_32 {dimension_numbers = #tpu.dot_dimension_numbers<[1], [0], [0], [1], [0, 0, 1, 1], [], []>, transpose_lhs_hint = false} : vector<3200x16xf32>, vector<16x128xf32>, vector<3200x128xf32> -> vector<3200x128xf32>
    %add3A_34 = vector.broadcast %get3A_22 : vector<1x128xf32> to vector<3200x128xf32>
    %add3A_35 = arith.addf %dot_general3A_33, %add3A_34 : vector<3200x128xf32>
    %get3A_36 = arith.constant 0 : index
    %get3A_37 = arith.constant 0 : index
    %get3A_38 = vector.load %arg1[%get3A_36, %get3A_37] : memref<3200x128xf32, #tpu.memory_space<vmem>>, vector<3200x128xf32>
    %add3A_39 = arith.addf %get3A_38, %add3A_35 : vector<3200x128xf32>
    %reshape3A_40 = vector.shape_cast %add3A_39 : vector<3200x128xf32> to vector<200x16x128xf32>
    %get3A_41 = arith.constant 0 : index
    %get3A_42 = arith.constant 0 : index
    %get3A_43 = vector.load %arg4[%get3A_41, %get3A_42] : memref<200x128xf32, #tpu.memory_space<vmem>>, vector<200x128xf32>
    %broadcast_in_dim3A_44 = vector.shape_cast %get3A_43 : vector<200x128xf32> to vector<200x1x128xf32>
    %sub3A_45 = vector.broadcast %broadcast_in_dim3A_44 : vector<200x1x128xf32> to vector<200x16x128xf32>
    %sub3A_46 = arith.subf %reshape3A_40, %sub3A_45 : vector<200x16x128xf32>
    %reshape3A_47 = vector.shape_cast %sub3A_46 : vector<200x16x128xf32> to vector<3200x128xf32>
    %reduce_sum3A = arith.constant dense<0.000000e+00> : vector<128xf32>
    %reduce_sum3A_48 = vector.multi_reduction <add>, %reshape3A_47, %reduce_sum3A [0] : vector<3200x128xf32> to vector<128xf32>
    %broadcast_in_dim3A_49 = vector.shape_cast %reduce_sum3A_48 : vector<128xf32> to vector<1x128xf32>
    %mul3A_50 = arith.mulf %reshape3A_47, %reshape3A_47 : vector<3200x128xf32>
    %reduce_sum3A_51 = arith.constant dense<0.000000e+00> : vector<128xf32>
    %reduce_sum3A_52 = vector.multi_reduction <add>, %mul3A_50, %reduce_sum3A_51 [0] : vector<3200x128xf32> to vector<128xf32>
    %broadcast_in_dim3A_53 = vector.shape_cast %reduce_sum3A_52 : vector<128xf32> to vector<1x128xf32>
    %broadcast_in_dim3A_54 = arith.constant 0.000000e+00 : f32
    %broadcast_in_dim3A_55 = vector.broadcast %broadcast_in_dim3A_54 : f32 to vector<6x128xf32>
    %concatenate3A = tpu.concatenate %broadcast_in_dim3A_49, %broadcast_in_dim3A_53, %broadcast_in_dim3A_55 in 0 : vector<1x128xf32>, vector<1x128xf32>, vector<6x128xf32> -> vector<8x128xf32>
    %eq3A = arith.constant 0 : i32
    %eq3A_56 = arith.cmpi eq, %arg0, %eq3A : i32
    %convert_element_type3A = arith.extui %eq3A_56 : i1 to i32
    %cond3A = arith.constant 0 : i32
    %cond3A_57 = arith.cmpi ne, %convert_element_type3A, %cond3A : i32
    scf.if %cond3A_57 {
      %swap3A = arith.constant 0 : index
      %swap3A_62 = arith.constant 0 : index
      %swap3A_63 = vector.load %arg11[%swap3A, %swap3A_62] : memref<8x128xf32, #tpu.memory_space<vmem>>, vector<8x128xf32>
      tpu.vector_store %arg11[%swap3A, %swap3A_62], %concatenate3A {strides = array<i32>} : memref<8x128xf32, #tpu.memory_space<vmem>>, vector<8x128xf32>,
    } else {
    }
    %ne3A = arith.constant 0 : i32
    %ne3A_58 = arith.cmpi ne, %arg0, %ne3A : i32
    %convert_element_type3A_59 = arith.extui %ne3A_58 : i1 to i32
    %cond3A_60 = arith.constant 0 : i32
    %cond3A_61 = arith.cmpi ne, %convert_element_type3A_59, %cond3A_60 : i32
    scf.if %cond3A_61 {
      %get3A_62 = arith.constant 0 : index
      %get3A_63 = arith.constant 0 : index
      %get3A_64 = vector.load %arg11[%get3A_62, %get3A_63] : memref<8x128xf32, #tpu.memory_space<vmem>>, vector<8x128xf32>
      %add3A_65 = arith.addf %get3A_64, %concatenate3A : vector<8x128xf32>
      %swap3A = arith.constant 0 : index
      %swap3A_66 = arith.constant 0 : index
      %swap3A_67 = vector.load %arg11[%swap3A, %swap3A_66] : memref<8x128xf32, #tpu.memory_space<vmem>>, vector<8x128xf32>
      tpu.vector_store %arg11[%swap3A, %swap3A_66], %add3A_65 {strides = array<i32>} : memref<8x128xf32, #tpu.memory_space<vmem>>, vector<8x128xf32>,
    } else {
    }
    return
  }
  func.func @transform_0(%arg0: i32) -> (i32, i32) {
    %c0_i32 = arith.constant 0 : i32
    %c0_i32_0 = arith.constant 0 : i32
    return %arg0, %c0_i32 : i32, i32
  }
  func.func @transform_1(%arg0: i32) -> (i32, i32) {
    %c0_i32 = arith.constant 0 : i32
    %c0_i32_0 = arith.constant 0 : i32
    return %arg0, %c0_i32 : i32, i32
  }
  func.func @transform_2(%arg0: i32) -> (i32, i32) {
    %c0_i32 = arith.constant 0 : i32
    %c0_i32_0 = arith.constant 0 : i32
    return %arg0, %c0_i32 : i32, i32
  }
  func.func @transform_3(%arg0: i32) -> (i32, i32) {
    %c0_i32 = arith.constant 0 : i32
    %c0_i32_0 = arith.constant 0 : i32
    return %arg0, %c0_i32 : i32, i32
  }
  func.func @transform_4(%arg0: i32) -> (i32, i32) {
    %c0_i32 = arith.constant 0 : i32
    %c0_i32_0 = arith.constant 0 : i32
    %c0_i32_1 = arith.constant 0 : i32
    return %c0_i32, %c0_i32_0 : i32, i32
  }
  func.func @transform_5(%arg0: i32) -> (i32, i32) {
    %c0_i32 = arith.constant 0 : i32
    %c0_i32_0 = arith.constant 0 : i32
    %c0_i32_1 = arith.constant 0 : i32
    return %c0_i32, %c0_i32_0 : i32, i32
  }
  func.func @transform_6(%arg0: i32) -> (i32, i32) {
    %c0_i32 = arith.constant 0 : i32
    %c0_i32_0 = arith.constant 0 : i32
    %c0_i32_1 = arith.constant 0 : i32
    return %c0_i32, %c0_i32_0 : i32, i32
  }
  func.func @transform_7(%arg0: i32) -> (i32, i32) {
    %c0_i32 = arith.constant 0 : i32
    %c0_i32_0 = arith.constant 0 : i32
    %c0_i32_1 = arith.constant 0 : i32
    return %c0_i32, %c0_i32_0 : i32, i32
  }
  func.func @transform_8(%arg0: i32) -> (i32, i32) {
    %c0_i32 = arith.constant 0 : i32
    %c0_i32_0 = arith.constant 0 : i32
    %c0_i32_1 = arith.constant 0 : i32
    return %c0_i32, %c0_i32_0 : i32, i32
  }
  func.func @transform_9(%arg0: i32) -> (i32, i32) {
    %c0_i32 = arith.constant 0 : i32
    %c0_i32_0 = arith.constant 0 : i32
    %c0_i32_1 = arith.constant 0 : i32
    return %c0_i32, %c0_i32_0 : i32, i32
  }
  func.func @transform_10(%arg0: i32) -> (i32, i32) {
    %c0_i32 = arith.constant 0 : i32
    %c0_i32_0 = arith.constant 0 : i32
    %c0_i32_1 = arith.constant 0 : i32
    return %c0_i32, %c0_i32_0 : i32, i32
  }
}

module attributes {stable_mosaic.version = 14 : i64} {
  func.func @_u_body(%arg0: i32, %arg1: memref<3200x128xf32, #tpu.memory_space<vmem>>, %arg2: memref<3200x16xf32, #tpu.memory_space<vmem>>, %arg3: memref<200x16xf32, #tpu.memory_space<vmem>>, %arg4: memref<200x128xf32, #tpu.memory_space<vmem>>, %arg5: memref<16x16xf32, #tpu.memory_space<vmem>>, %arg6: memref<1x16xf32, #tpu.memory_space<vmem>>, %arg7: memref<1x16xf32, #tpu.memory_space<vmem>>, %arg8: memref<1x16xf32, #tpu.memory_space<vmem>>, %arg9: memref<16x128xf32, #tpu.memory_space<vmem>>, %arg10: memref<1x128xf32, #tpu.memory_space<vmem>>, %arg11: memref<1x128xf32, #tpu.memory_space<vmem>>, %arg12: memref<1x128xf32, #tpu.memory_space<vmem>>, %arg13: memref<128x16xf32, #tpu.memory_space<vmem>>, %arg14: memref<1x16xf32, #tpu.memory_space<vmem>>, %arg15: memref<3200x16xf32, #tpu.memory_space<vmem>>, %arg16: memref<8x16xf32, #tpu.memory_space<vmem>>) attributes {dimension_semantics = [#tpu.dimension_semantics<arbitrary>], iteration_bounds = array<i64: 50>, scalar_prefetch = 0 : i64, scratch_operands = 0 : i64, tpu.core_type = #tpu.core_type<tc>, window_params = [{transform_indices = @transform_0, window_bounds = array<i64: 3200, 128>}, {transform_indices = @transform_1, window_bounds = array<i64: 3200, 16>}, {transform_indices = @transform_2, window_bounds = array<i64: 200, 16>}, {transform_indices = @transform_3, window_bounds = array<i64: 200, 128>}, {pipeline_mode = #tpu.pipeline_mode<synchronous>, transform_indices = @transform_4, window_bounds = array<i64: 16, 16>}, {pipeline_mode = #tpu.pipeline_mode<synchronous>, transform_indices = @transform_5, window_bounds = array<i64: 1, 16>}, {pipeline_mode = #tpu.pipeline_mode<synchronous>, transform_indices = @transform_6, window_bounds = array<i64: 1, 16>}, {pipeline_mode = #tpu.pipeline_mode<synchronous>, transform_indices = @transform_7, window_bounds = array<i64: 1, 16>}, {pipeline_mode = #tpu.pipeline_mode<synchronous>, transform_indices = @transform_8, window_bounds = array<i64: 16, 128>}, {pipeline_mode = #tpu.pipeline_mode<synchronous>, transform_indices = @transform_9, window_bounds = array<i64: 1, 128>}, {pipeline_mode = #tpu.pipeline_mode<synchronous>, transform_indices = @transform_10, window_bounds = array<i64: 1, 128>}, {pipeline_mode = #tpu.pipeline_mode<synchronous>, transform_indices = @transform_11, window_bounds = array<i64: 1, 128>}, {pipeline_mode = #tpu.pipeline_mode<synchronous>, transform_indices = @transform_12, window_bounds = array<i64: 128, 16>}, {pipeline_mode = #tpu.pipeline_mode<synchronous>, transform_indices = @transform_13, window_bounds = array<i64: 1, 16>}, {transform_indices = @transform_14, window_bounds = array<i64: 3200, 16>}, {pipeline_mode = #tpu.pipeline_mode<synchronous>, transform_indices = @transform_15, window_bounds = array<i64: 8, 16>}]} {
    %get3A = arith.constant 0 : index
    %get3A_0 = arith.constant 0 : index
    %get3A_1 = vector.load %arg2[%get3A, %get3A_0] : memref<3200x16xf32, #tpu.memory_space<vmem>>, vector<3200x16xf32>
    %get3A_2 = arith.constant 0 : index
    %get3A_3 = arith.constant 0 : index
    %get3A_4 = vector.load %arg3[%get3A_2, %get3A_3] : memref<200x16xf32, #tpu.memory_space<vmem>>, vector<200x16xf32>
    %get3A_5 = arith.constant 0 : index
    %get3A_6 = arith.constant 0 : index
    %get3A_7 = vector.load %arg5[%get3A_5, %get3A_6] : memref<16x16xf32, #tpu.memory_space<vmem>>, vector<16x16xf32>
    %get3A_8 = arith.constant 0 : index
    %get3A_9 = arith.constant 0 : index
    %get3A_10 = vector.load %arg6[%get3A_8, %get3A_9] : memref<1x16xf32, #tpu.memory_space<vmem>>, vector<1x16xf32>
    %get3A_11 = arith.constant 0 : index
    %get3A_12 = arith.constant 0 : index
    %get3A_13 = vector.load %arg7[%get3A_11, %get3A_12] : memref<1x16xf32, #tpu.memory_space<vmem>>, vector<1x16xf32>
    %get3A_14 = arith.constant 0 : index
    %get3A_15 = arith.constant 0 : index
    %get3A_16 = vector.load %arg8[%get3A_14, %get3A_15] : memref<1x16xf32, #tpu.memory_space<vmem>>, vector<1x16xf32>
    %get3A_17 = arith.constant 0 : index
    %get3A_18 = arith.constant 0 : index
    %get3A_19 = vector.load %arg9[%get3A_17, %get3A_18] : memref<16x128xf32, #tpu.memory_space<vmem>>, vector<16x128xf32>
    %get3A_20 = arith.constant 0 : index
    %get3A_21 = arith.constant 0 : index
    %get3A_22 = vector.load %arg10[%get3A_20, %get3A_21] : memref<1x128xf32, #tpu.memory_space<vmem>>, vector<1x128xf32>
    %reshape3A = vector.shape_cast %get3A_1 : vector<3200x16xf32> to vector<200x16x16xf32>
    %broadcast_in_dim3A = vector.shape_cast %get3A_4 : vector<200x16xf32> to vector<200x1x16xf32>
    %sub3A = vector.broadcast %broadcast_in_dim3A : vector<200x1x16xf32> to vector<200x16x16xf32>
    %sub3A_23 = arith.subf %reshape3A, %sub3A : vector<200x16x16xf32>
    %reshape3A_24 = vector.shape_cast %sub3A_23 : vector<200x16x16xf32> to vector<3200x16xf32>
    %dot_general3A = arith.constant dense<0.000000e+00> : vector<3200x16xf32>
    %dot_general3A_25 = tpu.matmul %reshape3A_24, %get3A_7, %dot_general3A {dimension_numbers = #tpu.dot_dimension_numbers<[1], [0], [0], [1], [0, 0, 1, 1], [], []>, transpose_lhs_hint = false} : vector<3200x16xf32>, vector<16x16xf32>, vector<3200x16xf32> -> vector<3200x16xf32>
    %add3A = vector.broadcast %get3A_10 : vector<1x16xf32> to vector<3200x16xf32>
    %add3A_26 = arith.addf %dot_general3A_25, %add3A : vector<3200x16xf32>
    %mul3A = vector.broadcast %get3A_13 : vector<1x16xf32> to vector<3200x16xf32>
    %mul3A_27 = arith.mulf %add3A_26, %mul3A : vector<3200x16xf32>
    %add3A_28 = vector.broadcast %get3A_16 : vector<1x16xf32> to vector<3200x16xf32>
    %add3A_29 = arith.addf %mul3A_27, %add3A_28 : vector<3200x16xf32>
    %max3A = arith.constant 0.000000e+00 : f32
    %max3A_30 = vector.broadcast %max3A : f32 to vector<3200x16xf32>
    %max3A_31 = arith.maximumf %add3A_29, %max3A_30 : vector<3200x16xf32>
    %dot_general3A_32 = arith.constant dense<0.000000e+00> : vector<3200x128xf32>
    %dot_general3A_33 = tpu.matmul %max3A_31, %get3A_19, %dot_general3A_32 {dimension_numbers = #tpu.dot_dimension_numbers<[1], [0], [0], [1], [0, 0, 1, 1], [], []>, transpose_lhs_hint = false} : vector<3200x16xf32>, vector<16x128xf32>, vector<3200x128xf32> -> vector<3200x128xf32>
    %add3A_34 = vector.broadcast %get3A_22 : vector<1x128xf32> to vector<3200x128xf32>
    %add3A_35 = arith.addf %dot_general3A_33, %add3A_34 : vector<3200x128xf32>
    %get3A_36 = arith.constant 0 : index
    %get3A_37 = arith.constant 0 : index
    %get3A_38 = vector.load %arg1[%get3A_36, %get3A_37] : memref<3200x128xf32, #tpu.memory_space<vmem>>, vector<3200x128xf32>
    %add3A_39 = arith.addf %get3A_38, %add3A_35 : vector<3200x128xf32>
    %reshape3A_40 = vector.shape_cast %add3A_39 : vector<3200x128xf32> to vector<200x16x128xf32>
    %get3A_41 = arith.constant 0 : index
    %get3A_42 = arith.constant 0 : index
    %get3A_43 = vector.load %arg4[%get3A_41, %get3A_42] : memref<200x128xf32, #tpu.memory_space<vmem>>, vector<200x128xf32>
    %broadcast_in_dim3A_44 = vector.shape_cast %get3A_43 : vector<200x128xf32> to vector<200x1x128xf32>
    %sub3A_45 = vector.broadcast %broadcast_in_dim3A_44 : vector<200x1x128xf32> to vector<200x16x128xf32>
    %sub3A_46 = arith.subf %reshape3A_40, %sub3A_45 : vector<200x16x128xf32>
    %reshape3A_47 = vector.shape_cast %sub3A_46 : vector<200x16x128xf32> to vector<3200x128xf32>
    %get3A_48 = arith.constant 0 : index
    %get3A_49 = arith.constant 0 : index
    %get3A_50 = vector.load %arg11[%get3A_48, %get3A_49] : memref<1x128xf32, #tpu.memory_space<vmem>>, vector<1x128xf32>
    %mul3A_51 = vector.broadcast %get3A_50 : vector<1x128xf32> to vector<3200x128xf32>
    %mul3A_52 = arith.mulf %reshape3A_47, %mul3A_51 : vector<3200x128xf32>
    %get3A_53 = arith.constant 0 : index
    %get3A_54 = arith.constant 0 : index
    %get3A_55 = vector.load %arg12[%get3A_53, %get3A_54] : memref<1x128xf32, #tpu.memory_space<vmem>>, vector<1x128xf32>
    %add3A_56 = vector.broadcast %get3A_55 : vector<1x128xf32> to vector<3200x128xf32>
    %add3A_57 = arith.addf %mul3A_52, %add3A_56 : vector<3200x128xf32>
    %max3A_58 = arith.constant 0.000000e+00 : f32
    %max3A_59 = vector.broadcast %max3A_58 : f32 to vector<3200x128xf32>
    %max3A_60 = arith.maximumf %add3A_57, %max3A_59 : vector<3200x128xf32>
    %get3A_61 = arith.constant 0 : index
    %get3A_62 = arith.constant 0 : index
    %get3A_63 = vector.load %arg13[%get3A_61, %get3A_62] : memref<128x16xf32, #tpu.memory_space<vmem>>, vector<128x16xf32>
    %dot_general3A_64 = arith.constant dense<0.000000e+00> : vector<3200x16xf32>
    %dot_general3A_65 = tpu.matmul %max3A_60, %get3A_63, %dot_general3A_64 {dimension_numbers = #tpu.dot_dimension_numbers<[1], [0], [0], [1], [0, 0, 1, 1], [], []>, transpose_lhs_hint = false} : vector<3200x128xf32>, vector<128x16xf32>, vector<3200x16xf32> -> vector<3200x16xf32>
    %get3A_66 = arith.constant 0 : index
    %get3A_67 = arith.constant 0 : index
    %get3A_68 = vector.load %arg14[%get3A_66, %get3A_67] : memref<1x16xf32, #tpu.memory_space<vmem>>, vector<1x16xf32>
    %add3A_69 = vector.broadcast %get3A_68 : vector<1x16xf32> to vector<3200x16xf32>
    %add3A_70 = arith.addf %dot_general3A_65, %add3A_69 : vector<3200x16xf32>
    %swap3A = arith.constant 0 : index
    %swap3A_71 = arith.constant 0 : index
    %swap3A_72 = vector.load %arg15[%swap3A, %swap3A_71] : memref<3200x16xf32, #tpu.memory_space<vmem>>, vector<3200x16xf32>
    tpu.vector_store %arg15[%swap3A, %swap3A_71], %add3A_70 {strides = array<i32>} : memref<3200x16xf32, #tpu.memory_space<vmem>>, vector<3200x16xf32>,
    %reduce_sum3A = arith.constant dense<0.000000e+00> : vector<16xf32>
    %reduce_sum3A_73 = vector.multi_reduction <add>, %add3A_70, %reduce_sum3A [0] : vector<3200x16xf32> to vector<16xf32>
    %broadcast_in_dim3A_74 = vector.shape_cast %reduce_sum3A_73 : vector<16xf32> to vector<1x16xf32>
    %mul3A_75 = arith.mulf %add3A_70, %add3A_70 : vector<3200x16xf32>
    %reduce_sum3A_76 = arith.constant dense<0.000000e+00> : vector<16xf32>
    %reduce_sum3A_77 = vector.multi_reduction <add>, %mul3A_75, %reduce_sum3A_76 [0] : vector<3200x16xf32> to vector<16xf32>
    %broadcast_in_dim3A_78 = vector.shape_cast %reduce_sum3A_77 : vector<16xf32> to vector<1x16xf32>
    %broadcast_in_dim3A_79 = arith.constant 0.000000e+00 : f32
    %broadcast_in_dim3A_80 = vector.broadcast %broadcast_in_dim3A_79 : f32 to vector<6x16xf32>
    %concatenate3A = tpu.concatenate %broadcast_in_dim3A_74, %broadcast_in_dim3A_78, %broadcast_in_dim3A_80 in 0 : vector<1x16xf32>, vector<1x16xf32>, vector<6x16xf32> -> vector<8x16xf32>
    %eq3A = arith.constant 0 : i32
    %eq3A_81 = arith.cmpi eq, %arg0, %eq3A : i32
    %convert_element_type3A = arith.extui %eq3A_81 : i1 to i32
    %cond3A = arith.constant 0 : i32
    %cond3A_82 = arith.cmpi ne, %convert_element_type3A, %cond3A : i32
    scf.if %cond3A_82 {
      %swap3A_87 = arith.constant 0 : index
      %swap3A_88 = arith.constant 0 : index
      %swap3A_89 = vector.load %arg16[%swap3A_87, %swap3A_88] : memref<8x16xf32, #tpu.memory_space<vmem>>, vector<8x16xf32>
      tpu.vector_store %arg16[%swap3A_87, %swap3A_88], %concatenate3A {strides = array<i32>} : memref<8x16xf32, #tpu.memory_space<vmem>>, vector<8x16xf32>,
    } else {
    }
    %ne3A = arith.constant 0 : i32
    %ne3A_83 = arith.cmpi ne, %arg0, %ne3A : i32
    %convert_element_type3A_84 = arith.extui %ne3A_83 : i1 to i32
    %cond3A_85 = arith.constant 0 : i32
    %cond3A_86 = arith.cmpi ne, %convert_element_type3A_84, %cond3A_85 : i32
    scf.if %cond3A_86 {
      %get3A_87 = arith.constant 0 : index
      %get3A_88 = arith.constant 0 : index
      %get3A_89 = vector.load %arg16[%get3A_87, %get3A_88] : memref<8x16xf32, #tpu.memory_space<vmem>>, vector<8x16xf32>
      %add3A_90 = arith.addf %get3A_89, %concatenate3A : vector<8x16xf32>
      %swap3A_91 = arith.constant 0 : index
      %swap3A_92 = arith.constant 0 : index
      %swap3A_93 = vector.load %arg16[%swap3A_91, %swap3A_92] : memref<8x16xf32, #tpu.memory_space<vmem>>, vector<8x16xf32>
      tpu.vector_store %arg16[%swap3A_91, %swap3A_92], %add3A_90 {strides = array<i32>} : memref<8x16xf32, #tpu.memory_space<vmem>>, vector<8x16xf32>,
    } else {
    }
    return
  }
  func.func @transform_0(%arg0: i32) -> (i32, i32) {
    %c0_i32 = arith.constant 0 : i32
    %c0_i32_0 = arith.constant 0 : i32
    return %arg0, %c0_i32 : i32, i32
  }
  func.func @transform_1(%arg0: i32) -> (i32, i32) {
    %c0_i32 = arith.constant 0 : i32
    %c0_i32_0 = arith.constant 0 : i32
    return %arg0, %c0_i32 : i32, i32
  }
  func.func @transform_2(%arg0: i32) -> (i32, i32) {
    %c0_i32 = arith.constant 0 : i32
    %c0_i32_0 = arith.constant 0 : i32
    return %arg0, %c0_i32 : i32, i32
  }
  func.func @transform_3(%arg0: i32) -> (i32, i32) {
    %c0_i32 = arith.constant 0 : i32
    %c0_i32_0 = arith.constant 0 : i32
    return %arg0, %c0_i32 : i32, i32
  }
  func.func @transform_4(%arg0: i32) -> (i32, i32) {
    %c0_i32 = arith.constant 0 : i32
    %c0_i32_0 = arith.constant 0 : i32
    %c0_i32_1 = arith.constant 0 : i32
    return %c0_i32, %c0_i32_0 : i32, i32
  }
  func.func @transform_5(%arg0: i32) -> (i32, i32) {
    %c0_i32 = arith.constant 0 : i32
    %c0_i32_0 = arith.constant 0 : i32
    %c0_i32_1 = arith.constant 0 : i32
    return %c0_i32, %c0_i32_0 : i32, i32
  }
  func.func @transform_6(%arg0: i32) -> (i32, i32) {
    %c0_i32 = arith.constant 0 : i32
    %c0_i32_0 = arith.constant 0 : i32
    %c0_i32_1 = arith.constant 0 : i32
    return %c0_i32, %c0_i32_0 : i32, i32
  }
  func.func @transform_7(%arg0: i32) -> (i32, i32) {
    %c0_i32 = arith.constant 0 : i32
    %c0_i32_0 = arith.constant 0 : i32
    %c0_i32_1 = arith.constant 0 : i32
    return %c0_i32, %c0_i32_0 : i32, i32
  }
  func.func @transform_8(%arg0: i32) -> (i32, i32) {
    %c0_i32 = arith.constant 0 : i32
    %c0_i32_0 = arith.constant 0 : i32
    %c0_i32_1 = arith.constant 0 : i32
    return %c0_i32, %c0_i32_0 : i32, i32
  }
  func.func @transform_9(%arg0: i32) -> (i32, i32) {
    %c0_i32 = arith.constant 0 : i32
    %c0_i32_0 = arith.constant 0 : i32
    %c0_i32_1 = arith.constant 0 : i32
    return %c0_i32, %c0_i32_0 : i32, i32
  }
  func.func @transform_10(%arg0: i32) -> (i32, i32) {
    %c0_i32 = arith.constant 0 : i32
    %c0_i32_0 = arith.constant 0 : i32
    %c0_i32_1 = arith.constant 0 : i32
    return %c0_i32, %c0_i32_0 : i32, i32
  }
  func.func @transform_11(%arg0: i32) -> (i32, i32) {
    %c0_i32 = arith.constant 0 : i32
    %c0_i32_0 = arith.constant 0 : i32
    %c0_i32_1 = arith.constant 0 : i32
    return %c0_i32, %c0_i32_0 : i32, i32
  }
  func.func @transform_12(%arg0: i32) -> (i32, i32) {
    %c0_i32 = arith.constant 0 : i32
    %c0_i32_0 = arith.constant 0 : i32
    %c0_i32_1 = arith.constant 0 : i32
    return %c0_i32, %c0_i32_0 : i32, i32
  }
  func.func @transform_13(%arg0: i32) -> (i32, i32) {
    %c0_i32 = arith.constant 0 : i32
    %c0_i32_0 = arith.constant 0 : i32
    %c0_i32_1 = arith.constant 0 : i32
    return %c0_i32, %c0_i32_0 : i32, i32
  }
  func.func @transform_14(%arg0: i32) -> (i32, i32) {
    %c0_i32 = arith.constant 0 : i32
    %c0_i32_0 = arith.constant 0 : i32
    return %arg0, %c0_i32 : i32, i32
  }
  func.func @transform_15(%arg0: i32) -> (i32, i32) {
    %c0_i32 = arith.constant 0 : i32
    %c0_i32_0 = arith.constant 0 : i32
    %c0_i32_1 = arith.constant 0 : i32
    return %c0_i32, %c0_i32_0 : i32, i32
  }
}

module attributes {stable_mosaic.version = 14 : i64} {
  func.func @_out_body(%arg0: i32, %arg1: memref<3200x16xf32, #tpu.memory_space<vmem>>, %arg2: memref<3200x128xf32, #tpu.memory_space<vmem>>, %arg3: memref<3200x16xf32, #tpu.memory_space<vmem>>, %arg4: memref<200x16xf32, #tpu.memory_space<vmem>>, %arg5: memref<16x16xf32, #tpu.memory_space<vmem>>, %arg6: memref<1x16xf32, #tpu.memory_space<vmem>>, %arg7: memref<1x16xf32, #tpu.memory_space<vmem>>, %arg8: memref<1x16xf32, #tpu.memory_space<vmem>>, %arg9: memref<16x128xf32, #tpu.memory_space<vmem>>, %arg10: memref<1x128xf32, #tpu.memory_space<vmem>>, %arg11: memref<1x16xf32, #tpu.memory_space<vmem>>, %arg12: memref<1x16xf32, #tpu.memory_space<vmem>>, %arg13: memref<16x16xf32, #tpu.memory_space<vmem>>, %arg14: memref<1x16xf32, #tpu.memory_space<vmem>>, %arg15: memref<200x128xf32, #tpu.memory_space<vmem>>) attributes {dimension_semantics = [#tpu.dimension_semantics<arbitrary>], iteration_bounds = array<i64: 50>, scalar_prefetch = 0 : i64, scratch_operands = 0 : i64, tpu.core_type = #tpu.core_type<tc>, window_params = [{transform_indices = @transform_0, window_bounds = array<i64: 3200, 16>}, {transform_indices = @transform_1, window_bounds = array<i64: 3200, 128>}, {transform_indices = @transform_2, window_bounds = array<i64: 3200, 16>}, {transform_indices = @transform_3, window_bounds = array<i64: 200, 16>}, {pipeline_mode = #tpu.pipeline_mode<synchronous>, transform_indices = @transform_4, window_bounds = array<i64: 16, 16>}, {pipeline_mode = #tpu.pipeline_mode<synchronous>, transform_indices = @transform_5, window_bounds = array<i64: 1, 16>}, {pipeline_mode = #tpu.pipeline_mode<synchronous>, transform_indices = @transform_6, window_bounds = array<i64: 1, 16>}, {pipeline_mode = #tpu.pipeline_mode<synchronous>, transform_indices = @transform_7, window_bounds = array<i64: 1, 16>}, {pipeline_mode = #tpu.pipeline_mode<synchronous>, transform_indices = @transform_8, window_bounds = array<i64: 16, 128>}, {pipeline_mode = #tpu.pipeline_mode<synchronous>, transform_indices = @transform_9, window_bounds = array<i64: 1, 128>}, {pipeline_mode = #tpu.pipeline_mode<synchronous>, transform_indices = @transform_10, window_bounds = array<i64: 1, 16>}, {pipeline_mode = #tpu.pipeline_mode<synchronous>, transform_indices = @transform_11, window_bounds = array<i64: 1, 16>}, {pipeline_mode = #tpu.pipeline_mode<synchronous>, transform_indices = @transform_12, window_bounds = array<i64: 16, 16>}, {pipeline_mode = #tpu.pipeline_mode<synchronous>, transform_indices = @transform_13, window_bounds = array<i64: 1, 16>}, {transform_indices = @transform_14, window_bounds = array<i64: 200, 128>}]} {
    %get3A = arith.constant 0 : index
    %get3A_0 = arith.constant 0 : index
    %get3A_1 = vector.load %arg3[%get3A, %get3A_0] : memref<3200x16xf32, #tpu.memory_space<vmem>>, vector<3200x16xf32>
    %get3A_2 = arith.constant 0 : index
    %get3A_3 = arith.constant 0 : index
    %get3A_4 = vector.load %arg4[%get3A_2, %get3A_3] : memref<200x16xf32, #tpu.memory_space<vmem>>, vector<200x16xf32>
    %get3A_5 = arith.constant 0 : index
    %get3A_6 = arith.constant 0 : index
    %get3A_7 = vector.load %arg5[%get3A_5, %get3A_6] : memref<16x16xf32, #tpu.memory_space<vmem>>, vector<16x16xf32>
    %get3A_8 = arith.constant 0 : index
    %get3A_9 = arith.constant 0 : index
    %get3A_10 = vector.load %arg6[%get3A_8, %get3A_9] : memref<1x16xf32, #tpu.memory_space<vmem>>, vector<1x16xf32>
    %get3A_11 = arith.constant 0 : index
    %get3A_12 = arith.constant 0 : index
    %get3A_13 = vector.load %arg7[%get3A_11, %get3A_12] : memref<1x16xf32, #tpu.memory_space<vmem>>, vector<1x16xf32>
    %get3A_14 = arith.constant 0 : index
    %get3A_15 = arith.constant 0 : index
    %get3A_16 = vector.load %arg8[%get3A_14, %get3A_15] : memref<1x16xf32, #tpu.memory_space<vmem>>, vector<1x16xf32>
    %get3A_17 = arith.constant 0 : index
    %get3A_18 = arith.constant 0 : index
    %get3A_19 = vector.load %arg9[%get3A_17, %get3A_18] : memref<16x128xf32, #tpu.memory_space<vmem>>, vector<16x128xf32>
    %get3A_20 = arith.constant 0 : index
    %get3A_21 = arith.constant 0 : index
    %get3A_22 = vector.load %arg10[%get3A_20, %get3A_21] : memref<1x128xf32, #tpu.memory_space<vmem>>, vector<1x128xf32>
    %reshape3A = vector.shape_cast %get3A_1 : vector<3200x16xf32> to vector<200x16x16xf32>
    %broadcast_in_dim3A = vector.shape_cast %get3A_4 : vector<200x16xf32> to vector<200x1x16xf32>
    %sub3A = vector.broadcast %broadcast_in_dim3A : vector<200x1x16xf32> to vector<200x16x16xf32>
    %sub3A_23 = arith.subf %reshape3A, %sub3A : vector<200x16x16xf32>
    %reshape3A_24 = vector.shape_cast %sub3A_23 : vector<200x16x16xf32> to vector<3200x16xf32>
    %dot_general3A = arith.constant dense<0.000000e+00> : vector<3200x16xf32>
    %dot_general3A_25 = tpu.matmul %reshape3A_24, %get3A_7, %dot_general3A {dimension_numbers = #tpu.dot_dimension_numbers<[1], [0], [0], [1], [0, 0, 1, 1], [], []>, transpose_lhs_hint = false} : vector<3200x16xf32>, vector<16x16xf32>, vector<3200x16xf32> -> vector<3200x16xf32>
    %add3A = vector.broadcast %get3A_10 : vector<1x16xf32> to vector<3200x16xf32>
    %add3A_26 = arith.addf %dot_general3A_25, %add3A : vector<3200x16xf32>
    %mul3A = vector.broadcast %get3A_13 : vector<1x16xf32> to vector<3200x16xf32>
    %mul3A_27 = arith.mulf %add3A_26, %mul3A : vector<3200x16xf32>
    %add3A_28 = vector.broadcast %get3A_16 : vector<1x16xf32> to vector<3200x16xf32>
    %add3A_29 = arith.addf %mul3A_27, %add3A_28 : vector<3200x16xf32>
    %max3A = arith.constant 0.000000e+00 : f32
    %max3A_30 = vector.broadcast %max3A : f32 to vector<3200x16xf32>
    %max3A_31 = arith.maximumf %add3A_29, %max3A_30 : vector<3200x16xf32>
    %dot_general3A_32 = arith.constant dense<0.000000e+00> : vector<3200x128xf32>
    %dot_general3A_33 = tpu.matmul %max3A_31, %get3A_19, %dot_general3A_32 {dimension_numbers = #tpu.dot_dimension_numbers<[1], [0], [0], [1], [0, 0, 1, 1], [], []>, transpose_lhs_hint = false} : vector<3200x16xf32>, vector<16x128xf32>, vector<3200x128xf32> -> vector<3200x128xf32>
    %add3A_34 = vector.broadcast %get3A_22 : vector<1x128xf32> to vector<3200x128xf32>
    %add3A_35 = arith.addf %dot_general3A_33, %add3A_34 : vector<3200x128xf32>
    %get3A_36 = arith.constant 0 : index
    %get3A_37 = arith.constant 0 : index
    %get3A_38 = vector.load %arg1[%get3A_36, %get3A_37] : memref<3200x16xf32, #tpu.memory_space<vmem>>, vector<3200x16xf32>
    %get3A_39 = arith.constant 0 : index
    %get3A_40 = arith.constant 0 : index
    %get3A_41 = vector.load %arg11[%get3A_39, %get3A_40] : memref<1x16xf32, #tpu.memory_space<vmem>>, vector<1x16xf32>
    %mul3A_42 = vector.broadcast %get3A_41 : vector<1x16xf32> to vector<3200x16xf32>
    %mul3A_43 = arith.mulf %get3A_38, %mul3A_42 : vector<3200x16xf32>
    %get3A_44 = arith.constant 0 : index
    %get3A_45 = arith.constant 0 : index
    %get3A_46 = vector.load %arg12[%get3A_44, %get3A_45] : memref<1x16xf32, #tpu.memory_space<vmem>>, vector<1x16xf32>
    %add3A_47 = vector.broadcast %get3A_46 : vector<1x16xf32> to vector<3200x16xf32>
    %add3A_48 = arith.addf %mul3A_43, %add3A_47 : vector<3200x16xf32>
    %max3A_49 = arith.constant 0.000000e+00 : f32
    %max3A_50 = vector.broadcast %max3A_49 : f32 to vector<3200x16xf32>
    %max3A_51 = arith.maximumf %add3A_48, %max3A_50 : vector<3200x16xf32>
    %get3A_52 = arith.constant 0 : index
    %get3A_53 = arith.constant 0 : index
    %get3A_54 = vector.load %arg13[%get3A_52, %get3A_53] : memref<16x16xf32, #tpu.memory_space<vmem>>, vector<16x16xf32>
    %dot_general3A_55 = arith.constant dense<0.000000e+00> : vector<3200x16xf32>
    %dot_general3A_56 = tpu.matmul %max3A_51, %get3A_54, %dot_general3A_55 {dimension_numbers = #tpu.dot_dimension_numbers<[1], [0], [0], [1], [0, 0, 1, 1], [], []>, transpose_lhs_hint = false} : vector<3200x16xf32>, vector<16x16xf32>, vector<3200x16xf32> -> vector<3200x16xf32>
    %get3A_57 = arith.constant 0 : index
    %get3A_58 = arith.constant 0 : index
    %get3A_59 = vector.load %arg14[%get3A_57, %get3A_58] : memref<1x16xf32, #tpu.memory_space<vmem>>, vector<1x16xf32>
    %add3A_60 = vector.broadcast %get3A_59 : vector<1x16xf32> to vector<3200x16xf32>
    %add3A_61 = arith.addf %dot_general3A_56, %add3A_60 : vector<3200x16xf32>
    %reshape3A_62 = vector.shape_cast %add3A_61 : vector<3200x16xf32> to vector<200x16x16xf32>
    %reduce_max3A = arith.constant dense<0xFF800000> : vector<200x16xf32>
    %reduce_max3A_63 = vector.multi_reduction <maximumf>, %reshape3A_62, %reduce_max3A [1] : vector<200x16x16xf32> to vector<200x16xf32>
    %broadcast_in_dim3A_64 = vector.shape_cast %reduce_max3A_63 : vector<200x16xf32> to vector<200x1x16xf32>
    %sub3A_65 = vector.broadcast %broadcast_in_dim3A_64 : vector<200x1x16xf32> to vector<200x16x16xf32>
    %sub3A_66 = arith.subf %reshape3A_62, %sub3A_65 : vector<200x16x16xf32>
    %exp3A = math.exp %sub3A_66 : vector<200x16x16xf32>
    %reduce_sum3A = arith.constant dense<0.000000e+00> : vector<200x16xf32>
    %reduce_sum3A_67 = vector.multi_reduction <add>, %exp3A, %reduce_sum3A [1] : vector<200x16x16xf32> to vector<200x16xf32>
    %broadcast_in_dim3A_68 = vector.shape_cast %reduce_sum3A_67 : vector<200x16xf32> to vector<200x1x16xf32>
    %div3A = vector.broadcast %broadcast_in_dim3A_68 : vector<200x1x16xf32> to vector<200x16x16xf32>
    %div3A_69 = arith.divf %exp3A, %div3A : vector<200x16x16xf32>
    %concatenate3A = tpu.concatenate %div3A_69, %div3A_69, %div3A_69, %div3A_69, %div3A_69, %div3A_69, %div3A_69, %div3A_69 in 2 : vector<200x16x16xf32>, vector<200x16x16xf32>, vector<200x16x16xf32>, vector<200x16x16xf32>, vector<200x16x16xf32>, vector<200x16x16xf32>, vector<200x16x16xf32>, vector<200x16x16xf32> -> vector<200x16x128xf32>
    %get3A_70 = arith.constant 0 : index
    %get3A_71 = arith.constant 0 : index
    %get3A_72 = vector.load %arg2[%get3A_70, %get3A_71] : memref<3200x128xf32, #tpu.memory_space<vmem>>, vector<3200x128xf32>
    %add3A_73 = arith.addf %get3A_72, %add3A_35 : vector<3200x128xf32>
    %reshape3A_74 = vector.shape_cast %add3A_73 : vector<3200x128xf32> to vector<200x16x128xf32>
    %mul3A_75 = arith.mulf %reshape3A_74, %concatenate3A : vector<200x16x128xf32>
    %reduce_sum3A_76 = arith.constant dense<0.000000e+00> : vector<200x128xf32>
    %reduce_sum3A_77 = vector.multi_reduction <add>, %mul3A_75, %reduce_sum3A_76 [1] : vector<200x16x128xf32> to vector<200x128xf32>
    %swap3A = arith.constant 0 : index
    %swap3A_78 = arith.constant 0 : index
    %swap3A_79 = vector.load %arg15[%swap3A, %swap3A_78] : memref<200x128xf32, #tpu.memory_space<vmem>>, vector<200x128xf32>
    tpu.vector_store %arg15[%swap3A, %swap3A_78], %reduce_sum3A_77 {strides = array<i32>} : memref<200x128xf32, #tpu.memory_space<vmem>>, vector<200x128xf32>,
    return
  }
  func.func @transform_0(%arg0: i32) -> (i32, i32) {
    %c0_i32 = arith.constant 0 : i32
    %c0_i32_0 = arith.constant 0 : i32
    return %arg0, %c0_i32 : i32, i32
  }
  func.func @transform_1(%arg0: i32) -> (i32, i32) {
    %c0_i32 = arith.constant 0 : i32
    %c0_i32_0 = arith.constant 0 : i32
    return %arg0, %c0_i32 : i32, i32
  }
  func.func @transform_2(%arg0: i32) -> (i32, i32) {
    %c0_i32 = arith.constant 0 : i32
    %c0_i32_0 = arith.constant 0 : i32
    return %arg0, %c0_i32 : i32, i32
  }
  func.func @transform_3(%arg0: i32) -> (i32, i32) {
    %c0_i32 = arith.constant 0 : i32
    %c0_i32_0 = arith.constant 0 : i32
    return %arg0, %c0_i32 : i32, i32
  }
  func.func @transform_4(%arg0: i32) -> (i32, i32) {
    %c0_i32 = arith.constant 0 : i32
    %c0_i32_0 = arith.constant 0 : i32
    %c0_i32_1 = arith.constant 0 : i32
    return %c0_i32, %c0_i32_0 : i32, i32
  }
  func.func @transform_5(%arg0: i32) -> (i32, i32) {
    %c0_i32 = arith.constant 0 : i32
    %c0_i32_0 = arith.constant 0 : i32
    %c0_i32_1 = arith.constant 0 : i32
    return %c0_i32, %c0_i32_0 : i32, i32
  }
  func.func @transform_6(%arg0: i32) -> (i32, i32) {
    %c0_i32 = arith.constant 0 : i32
    %c0_i32_0 = arith.constant 0 : i32
    %c0_i32_1 = arith.constant 0 : i32
    return %c0_i32, %c0_i32_0 : i32, i32
  }
  func.func @transform_7(%arg0: i32) -> (i32, i32) {
    %c0_i32 = arith.constant 0 : i32
    %c0_i32_0 = arith.constant 0 : i32
    %c0_i32_1 = arith.constant 0 : i32
    return %c0_i32, %c0_i32_0 : i32, i32
  }
  func.func @transform_8(%arg0: i32) -> (i32, i32) {
    %c0_i32 = arith.constant 0 : i32
    %c0_i32_0 = arith.constant 0 : i32
    %c0_i32_1 = arith.constant 0 : i32
    return %c0_i32, %c0_i32_0 : i32, i32
  }
  func.func @transform_9(%arg0: i32) -> (i32, i32) {
    %c0_i32 = arith.constant 0 : i32
    %c0_i32_0 = arith.constant 0 : i32
    %c0_i32_1 = arith.constant 0 : i32
    return %c0_i32, %c0_i32_0 : i32, i32
  }
  func.func @transform_10(%arg0: i32) -> (i32, i32) {
    %c0_i32 = arith.constant 0 : i32
    %c0_i32_0 = arith.constant 0 : i32
    %c0_i32_1 = arith.constant 0 : i32
    return %c0_i32, %c0_i32_0 : i32, i32
  }
  func.func @transform_11(%arg0: i32) -> (i32, i32) {
    %c0_i32 = arith.constant 0 : i32
    %c0_i32_0 = arith.constant 0 : i32
    %c0_i32_1 = arith.constant 0 : i32
    return %c0_i32, %c0_i32_0 : i32, i32
  }
  func.func @transform_12(%arg0: i32) -> (i32, i32) {
    %c0_i32 = arith.constant 0 : i32
    %c0_i32_0 = arith.constant 0 : i32
    %c0_i32_1 = arith.constant 0 : i32
    return %c0_i32, %c0_i32_0 : i32, i32
  }
  func.func @transform_13(%arg0: i32) -> (i32, i32) {
    %c0_i32 = arith.constant 0 : i32
    %c0_i32_0 = arith.constant 0 : i32
    %c0_i32_1 = arith.constant 0 : i32
    return %c0_i32, %c0_i32_0 : i32, i32
  }
  func.func @transform_14(%arg0: i32) -> (i32, i32) {
    %c0_i32 = arith.constant 0 : i32
    %c0_i32_0 = arith.constant 0 : i32
    return %arg0, %c0_i32 : i32, i32
  }
}

</mosaic_0001>

<sc_bundles>
// kernel: kernel.9.cloned.1.call-start
scs
__scs_entry_jumppad:
0x0: {  	(pc) =	sbr.rel $0x88, $3  }
0x1: {  	(tag) =	ssettag $0x0;
	lr =	simm.s32 $0x1  }
0x2: {  	[smem:$0x3F8B] =	sst lr;
	_ =	strace $0xD0000000  }
0x3: {  	_ = 	snop  }
0x4: {  	_ = 	snop  }
0x5: {  	_ = 	snop  }
0x6: {  	_ = 	snop  }
0x7: {  	_ = 	snop  }
__scs_overlays_trampoline_lowered:
0x8: {  	[smem:$0x3F9A] =	sst s0  }
0x9: {  	[smem:$0x3F9B] =	sst s1  }
0xa: {  	[smem:$0x3F9C] =	sst s2  }
0xb: {  	[smem:$0x3F9D] =	sst s3  }
0xc: {  	[smem:$0x3F9E] =	sst s4  }
0xd: {  	[smem:$0x3F9F] =	sst s5  }
0xe: {  	[smem:$0x3FA0] =	sst s6  }
0xf: {  	[smem:$0x3FA1] =	sst s7  }
0x10: {  	[smem:$0x3FA2] =	sst s8  }
0x11: {  	[smem:$0x3FA3] =	sst s9;
	s0 =	simm.s32 @!p0 $0x0  }
0x12: {  	s1 =	sld [smem:$0x3F89];
	s0 =	simm.s32 @p0 $0x1  }
0x13: {  	[smem:$0x3FA4] =	sst s0;
	s0 =	simm.s32 @!p1 $0x0  }
0x14: {  	s2 =	sld [smem:$0x3F88];
	s0 =	simm.s32 @p1 $0x1  }
0x15: {  	[smem:$0x3FA5] =	sst s0;
	s0 =	simm.s32 @!p2 $0x0  }
0x16: {  	s3 =	sld [smem:$0x3FDB];
	s0 =	simm.s32 @p2 $0x1  }
0x17: {  	s4 =	simm.s32 $0x1BF5;
	[smem:$0x3FA7] =	sst s0  }
0x18: {  	s0 =	sld [smem:$0x3F8A];
	_ =	swait.ge [sflag:s4], $0x0  }
0x19: {  	s7 =	sld [smem:$0x3F8B]  }
0x1a: {  	s8 =	sadd.s32 $0xFFFFE003, lr  }
0x1b: {  	s9 =	sadd.s32 $0xFFFFFEF7, lr;
	s5 =	simm.s32 $0xFFFFFFFF;
	p2 =	slt.u32 s8, $0xFFFFF086  }
0x1c: {  	p1 =	slt.u32 s9, $0xF7A;
	s5 =	simm.s32 @!p2 $0x0  }
0x1d: {  	s5 =	simm.s32 @p1 $0x1;
	p0 =	seq.s32 s7, s2  }
0x1e: {  	s7 =	smul.u32 @!p0 $0xF7A, s2;
	p2 =	seq.s32 @!p0 s5, $0x0  }
0x1f: {  	s9 =	smul.u32 $0xF7A, s1;
	s8 =	simm.s32 @!p0 $0x1BF5;
	p2 =	por !p2, p0  }
0x20: {  	[sflag:s8] =	ssyncset.s32 @!p0 $0xFFFFF086;
	s6 =	sadd.s32 @!p0 s3, s7;
	s7 =	simm.s32 @!p0 $0x108  }
0x21: {  	s3 =	sadd.s32 s3, s9;
	s6 =	sadd.s32 @!p0 $0x88, s6;
	s7 =	simm.s32 @p2 $0x1082  }
0x22: {  	[simem:s7], [sflag:s8] =	dma.local @!p0 [hbm:s6], $0xF7A  }
0x23: {  	s9 =	sor.u32 $0xD0000000, s2;
	s6 =	simm.s32 $0x108;
	_ =	swait.ge @!p0 [sflag:s8], $0x0  }
0x24: {  	s3 =	sadd.s32 $0x88, s3;
	s6 =	simm.s32 @!p1 $0x1082;
	[sflag:s4] =	ssyncset.s32 $0xFFFFF086  }
0x25: {  	[simem:s6], [sflag:s4] =	dma.local [hbm:s3], $0xF7A  }
0x26: {  	[smem:$0x3F8B] =	sst s1;
	(tag) =	ssettag s2;
	_ =	strace s9  }
0x27: {  	s1 =	sld [smem:$0x3F9B]  }
0x28: {  	s2 =	sld [smem:$0x3F9C]  }
0x29: {  	s4 =	sld [smem:$0x3F9E]  }
0x2a: {  	p0 =	seq.s32 s5, $0x0;
	s5 =	sld [smem:$0x3F9F]  }
0x2b: {  	s6 =	sld [smem:$0x3FA0]  }
0x2c: {  	s7 =	sld [smem:$0x3FA1]  }
0x2d: {  	s3 =	simm.s32 $0x108;
	s8 =	sld [smem:$0x3FA2]  }
0x2e: {  	s3 =	simm.s32 @!p0 $0x1082;
	s9 =	sld [smem:$0x3FA3]  }
0x2f: {  	lr =	sadd.s32 s0, s3;
	s0 =	sld [smem:$0x3F9A]  }
0x30: {  	s3 =	sld [smem:$0x3F9D]  }
0x31: {  	[smem:$0x3FA6] =	sst s10  }
0x32: {  	s10 =	sld [smem:$0x3FA4];
	_ =	sdelay $0x3  }
0x33: {  	p0 =	seq.s32 s10, $0x1;
	s10 =	sld [smem:$0x3FA6];
	_ =	sdelay $0x3  }
0x34: {  	[smem:$0x3FA6] =	sst s10  }
0x35: {  	s10 =	sld [smem:$0x3FA5];
	_ =	sdelay $0x3  }
0x36: {  	p1 =	seq.s32 s10, $0x1;
	s10 =	sld [smem:$0x3FA6];
	_ =	sdelay $0x3  }
0x37: {  	[smem:$0x3FA6] =	sst s10  }
0x38: {  	s10 =	sld [smem:$0x3FA7]  }
0x39: {  	_ = 	snop;
	(pc) =	sbr.ind lr, $3  }
0x3a: {  	_ = 	snop  }
0x3b: {  	_ = 	snop  }
0x3c: {  	p2 =	seq.s32 s10, $0x1;
	s10 =	sld [smem:$0x3FA6]  }
0x3d: {  	_ =	shalt  }
0x3e: {  	_ =	shalt  }
0x3f: {  	_ =	shalt  }
0x40: {  	_ =	shalt  }
0x41: {  	_ =	shalt  }
0x42: {  	_ =	shalt  }
0x43: {  	_ =	shalt  }
0x44: {  	_ =	shalt  }
0x45: {  	_ =	shalt  }
0x46: {  	_ =	shalt  }
0x47: {  	_ =	shalt  }
0x48: {  	_ =	shalt  }
0x49: {  	_ =	shalt  }
0x4a: {  	_ =	shalt  }
0x4b: {  	_ =	shalt  }
0x4c: {  	_ =	shalt  }
0x4d: {  	_ =	shalt  }
0x4e: {  	_ =	shalt  }
0x4f: {  	_ =	shalt  }
0x50: {  	_ =	shalt  }
0x51: {  	_ =	shalt  }
0x52: {  	_ =	shalt  }
0x53: {  	_ =	shalt  }
0x54: {  	_ =	shalt  }
0x55: {  	_ =	shalt  }
0x56: {  	_ =	shalt  }
0x57: {  	_ =	shalt  }
0x58: {  	_ =	shalt  }
0x59: {  	_ =	shalt  }
0x5a: {  	_ =	shalt  }
0x5b: {  	_ =	shalt  }
0x5c: {  	_ =	shalt  }
0x5d: {  	_ =	shalt  }
0x5e: {  	_ =	shalt  }
0x5f: {  	_ =	shalt  }
0x60: {  	_ =	shalt  }
0x61: {  	_ =	shalt  }
0x62: {  	_ =	shalt  }
0x63: {  	_ =	shalt  }
0x64: {  	_ =	shalt  }
0x65: {  	_ =	shalt  }
0x66: {  	_ =	shalt  }
0x67: {  	_ =	shalt  }
0x68: {  	_ =	shalt  }
0x69: {  	_ =	shalt  }
0x6a: {  	_ =	shalt  }
0x6b: {  	_ =	shalt  }
0x6c: {  	_ =	shalt  }
0x6d: {  	_ =	shalt  }
0x6e: {  	_ =	shalt  }
0x6f: {  	_ =	shalt  }
0x70: {  	_ =	shalt  }
0x71: {  	_ =	shalt  }
0x72: {  	_ =	shalt  }
0x73: {  	_ =	shalt  }
0x74: {  	_ =	shalt  }
0x75: {  	_ =	shalt  }
0x76: {  	_ =	shalt  }
0x77: {  	_ =	shalt  }
0x78: {  	_ =	shalt  }
0x79: {  	_ =	shalt  }
0x7a: {  	_ =	shalt  }
0x7b: {  	_ =	shalt  }
0x7c: {  	_ =	shalt  }
0x7d: {  	_ =	shalt  }
0x7e: {  	_ =	shalt  }
0x7f: {  	_ =	shalt  }
0x80: {  	_ =	shalt  }
0x81: {  	_ =	shalt  }
0x82: {  	_ =	shalt  }
0x83: {  	_ =	shalt  }
0x84: {  	_ =	shalt  }
0x85: {  	_ =	shalt  }
0x86: {  	_ =	shalt  }
0x87: {  	_ =	shalt  }
.Lfunc_end0:
.L_simem_size_0:
called_computation_lowered:
.L_overlay_start_0:
0x88: {  	s2 =	sld [smem:$0x3FD9]  }
0x89: {  	s3 =	sld [smem:$0x3FFE];
	_ =	sdelay $0x1  }
0x8a: {  	s1 =	srdreg.scid  }
0x8b: {  	s0 =	sand.u32 $0x1, s1  }
0x8c: {  	s17 =	sshll.u32 s0, $0xA;
	s2 =	sadd.s32 s3, s2  }
0x8d: {  	s2 =	sadd.s32 s2, s17  }
0x8e: {  	[smem:$0x3FB2] =	sst s2  }
0x8f: {  	_ = 	snop  }
0x90: {  	s2 =	sld [smem:$0x3FD0];
	(tm) =	ssettm $0x1  }
0x91: {  	s18 =	sld [smem:$0x3FFB];
	_ =	sdelay $0x3  }
0x92: {  	_ =	strace s18  }
0x93: {  	s3 =	sld [smem:$0x3FFC];
	_ =	sdelay $0x3  }
0x94: {  	_ =	strace s3  }
0x95: {  	s3 =	sld [smem:$0x3FFD];
	_ =	sdelay $0x3  }
0x96: {  	_ =	strace s3  }
0x97: {  	_ =	strace $0x8FFFFFFF  }
0x98: {  	s19 =	sld [smem:$0x3FDB];
	_ =	sdelay $0x1  }
0x99: {  	s4 =	simm.s32 $_scs_section_size  }
0x9a: {  	s5 =	simm.s32 $_size__tile_overlayer_lowered;
	s6 =	simm.s32 $_tile_overlayer_lowered  }
0x9b: {  	s22 =	simm.s32 $0x1BFF;
	s21 =	sshll.u32 s6, $0x1;
	s3 =	sadd.s32 s4, s19  }
0x9c: {  	s7 =	simm.s32 $0x0;
	s20 =	sshll.u32 s5, $0x1;
	s5 =	sadd.s32 s21, s3  }
0x9d: {  	[timem:s7], [sflag:s22] =	dma.local [hbm:s5], s20  }
0x9e: {  	_ =	swait.ge [sflag:s22], s20  }
0x9f: {  	s4 =	ssub.s32 $0x0, s20;
	[sflag:s22] =	ssyncset.done $0x0  }
0xa0: {  	[sflag:s22] =	ssyncadd.s32 s4;
	_ =	sdelay $0x1  }
0xa1: {  	s23 =	simm.s32 $0x1B8B  }
0xa2: {  	_ =	swait.ge [sflag:s23], $0x1  }
0xa3: {  	[sflag:s23] =	ssyncset.done $0x0  }
0xa4: {  	s25 =	simm.s32 $0x1B8E;
	s24 =	sld [smem:$0x3FFE];
	[sflag:s23] =	ssyncadd.s32 $0xFFFFFFFF  }
0xa5: {  	s26 =	simm.s32 $execute0_lowered;
	[smem:$0x3FD2] =	sst s25  }
0xa6: {  	s5 =	sshll.u32 s26, $0x1;
	_ =	strace $0x80000046;
	[dreg:$0x1] =	wrdreg $0xFFFFFFFF  }
0xa7: {  	s28 =	simm.s32 $_size_execute0_lowered;
	s3 =	sadd.s32 s3, s5;
	[dreg:$0x0] =	wrdreg $0x0  }
0xa8: {  	s5 =	sshll.u32 s28, $0x1;
	[dreg:$0x2] =	wrdreg s3  }
0xa9: {  	[dreg:$0x3] =	wrdreg s5  }
0xaa: {  	[dreg:$0x4] =	wrdreg $0xC0  }
0xab: {  	_ =	task [dreg:s7], $0x5FFFF  }
0xac: {  	[dreg:$0x1] =	wrdreg $0xFFFFFFFF  }
0xad: {  	[dreg:$0x0] =	wrdreg $0x60  }
0xae: {  	[dreg:$0x2] =	wrdreg s2  }
0xaf: {  	[dreg:$0x3] =	wrdreg s24  }
0xb0: {  	[dreg:$0x4] =	wrdreg $0x9  }
0xb1: {  	_ =	task.clear_ibuf [dreg:s7], $0x5FFFF;
	_ =	strace $0x90000046  }
0xb2: {  	s29 =	simm.s32 $0x9;
	_ =	strace $0x80000048  }
0xb3: {  	_ =	swait.ge [sflag:s29], $0x1  }
0xb4: {  	[sflag:s29] =	ssyncadd.s32 $0xFFFFFFFF  }
0xb5: {  	_ =	strace $0x90000048  }
0xb6: {  	_ =	sfence  }
0xb7: {  	s30 =	sld [smem:$0x0];
	_ =	sdelay $0x2  }
0xb8: {  	s31 =	sshll.u32 s1, $0xD;
	s1 =	sshrl.u32 s1, $0x2  }
0xb9: {  	s3 =	sand.u32 $0x4000, s31;
	s1 =	sadd.s32 s1, s30  }
0xba: {  	s0 =	sor.u32 s3, s0;
	s1 =	sshll.u32 s1, $0x11  }
0xbb: {  	s0 =	sor.u32 s1, s0  }
0xbc: {  	s0 =	sadd.s32 $0x8F2B, s0  }
0xbd: {  	[sflag:s0] =	ssyncadd.remote.s32 $0x1  }
0xbe: {  	_ =	sfence.sel $0xFFFF  }
0xbf: {  	[dreg:$0x0] =	wrdreg $0xFFFFFFFF;
	(pc) =	sbr.abs _section_cstart, $3  }
0xc0: {  	[dreg:$0x1] =	wrdreg $0xFFFFFFFF  }
0xc1: {  	_ =	task.clear_ibuf [dreg:s7], $0x2FFFF;
	_ =	strace $0x9FFFFFFF  }
0xc2: {  	(tm) =	ssettm $0x7FFFFFFF  }
0xc3: {  	_ =	shalt  }
tec
execute0_lowered:
.L_overlay_start_1:
0x0: {  	(tag) =	ssettag $0x1  }
0x1: {  	s1 =	rddreg [dreg:$0x0]  }
0x2: {  	s6 =	rddreg [dreg:$0x1]  }
0x3: {  	s0 =	rddreg [dreg:$0x2];
	s3 =	simm.s32 $0x0;
	s5 =	srdreg.scid  }
0x4: {  	s2 =	stileid.u32;
	s21 =	simm.s32 $0x8;
	s22 =	simm.s32 $0x8888  }
0x5: {  	s23 =	simm.s32 $0x8C88;
	s24 =	simm.s32 $0x9088;
	s16 =	smul.u32 $0x4E20, s2  }
0x6: {  	[smem:$0x7FF] =	sst s3;
	s4 =	sadd.s32 $0xE400, s6;
	s18 =	smul.u32 $0x27100, s2  }
0x7: {  	s12 =	sand.u32 $0x1, s5;
	s7 =	sshll.u32 s2, $0x1;
	s19 =	smul.u32 $0x2710, s2  }
0x8: {  	s5 =	sadd.s32 $0x4400, s6;
	s14 =	sadd.s32 $0x9400, s6;
	s17 =	smul.u32 $0x2710, s12  }
0x9: {  	s13 =	sadd.s32 $0x83800, s6;
	s15 =	sadd.s32 $0x2F4800, s6;
	s20 =	smul.u32 $0x1388, s12  }
0xa: {  	s10 =	sadd.s32 $0x35600, s6;
	s7 =	sor.u32 s12, s7;
	s29 =	smul.u32 $0x13880, s12  }
0xb: {  	_ =	strace $0x80000047;
	s8 =	ssub.s32 $0x2, s12;
	s7 =	smul.u32 $0x1388, s7  }
0xc: {  	s25 =	sshrl.u32 s8, $0x1;
	s16 =	sadd.s32 s16, s10;
	s30 =	sadd.s32 s18, s15  }
0xd: {  	s11 =	ssub.s32 s8, s25;
	s31 =	sadd.s32 s20, s19;
	s12 =	sadd.s32 s29, s30  }
0xe: {  	s19 =	simm.s32 $0x4088;
	s20 =	simm.s32 $0x8088;
	s9 =	sadd.s32 $0x1380, s7  }
0xf: {  	s25 =	simm.s32 $0x0;
	s26 =	sshrl.u32 s9, $0x3;
	s28 =	sshll.u32 s9, $0x4  }
0x10: {  	s9 =	sshll.u32 s9, $0x1;
	s6 =	sadd.s32 s14, s26;
	s7 =	sadd.s32 s13, s28  }
0x11: {  	s8 =	sadd.s32 s15, s28;
	s9 =	sadd.s32 s10, s9;
	s10 =	smax.u32 s11, $0x1  }
0x12: {  	s11 =	sadd.s32 s17, s16;
	s13 =	sadd.s32 s18, s13;
	s15 =	sshrl.u32 s31, $0x3  }
0x13: {  	s16 =	simm.s32 $0x80;
	s17 =	simm.s32 $0x88;
	s18 =	simm.s32 $0x1  }
0x14: {  	s13 =	sadd.s32 s29, s13;
	s14 =	sadd.s32 s15, s14;
	s15 =	simm.s32 $0x2  }
.LBB2_1:
0x15: {  	[tilespmem:s3], [sflag:$0x2] =	stream.linear.gather [hbm4b:s14+s3], $0x80, $0x38;
	[tilespmem:$0x9108] =	vst v63  }
0x16: {  	_ =	swait.ge [sflag:s15], $0x80  }
0x17: {  	[sflag:s15] =	ssyncset.done $0x0  }
0x18: {  	[sflag:s15] =	ssyncadd.s32 $0xFFFFFF80  }
0x19: {  	[tilespmem:s17], [sflag:$0x1] =	stream.indirect.gather [hbm4b:s1+s16], $0x80, s3, s16, $0xb8;
	[tilespmem:$0x9108] =	vst v63  }
0x1a: {  	_ =	swait.ge [sflag:s18], $0x4000  }
0x1b: {  	[sflag:s18] =	ssyncset.done $0x0  }
0x1c: {  	s26 =	sadd.s32 $0x0, s13;
	[sflag:s18] =	ssyncadd.s32 $0xFFFFC000  }
0x1d: {  	[hbm4b:s26+s3] =	stream.linear.scatter [tilespmem:s17], [sflag:$0x2], $0x4000, $0x38;
	[tilespmem:$0x9108] =	vst v63  }
0x1e: {  	_ =	swait.ge [sflag:s15], $0x4000  }
0x1f: {  	[sflag:s15] =	ssyncset.done $0x0  }
0x20: {  	[sflag:s15] =	ssyncadd.s32 $0xFFFFC000  }
0x21: {  	[tilespmem:s19], [sflag:$0x1] =	stream.indirect.gather [hbm4b:s4+s16], $0x80, s3, s16, $0xb8;
	[tilespmem:$0x9108] =	vst v63  }
0x22: {  	_ =	swait.ge [sflag:s18], $0x4000  }
0x23: {  	[sflag:s18] =	ssyncset.done $0x0  }
0x24: {  	s31 =	sadd.s32 $0x0, s12;
	[sflag:s18] =	ssyncadd.s32 $0xFFFFC000  }
0x25: {  	[hbm4b:s31+s3] =	stream.linear.scatter [tilespmem:s19], [sflag:$0x2], $0x4000, $0x38;
	[tilespmem:$0x9108] =	vst v63  }
0x26: {  	_ =	swait.ge [sflag:s15], $0x4000  }
0x27: {  	[sflag:s15] =	ssyncset.done $0x0  }
0x28: {  	[sflag:s15] =	ssyncadd.s32 $0xFFFFC000  }
0x29: {  	[tilespmem:s20], [sflag:$0x1] =	stream.indirect.gather [hbm4b:s5+s16], $0x10, s3, s16, $0xb8;
	[tilespmem:$0x9108] =	vst v63  }
0x2a: {  	_ =	swait.ge [sflag:s18], $0x800  }
0x2b: {  	[sflag:s18] =	ssyncset.done $0x0  }
0x2c: {  	[sflag:s18] =	ssyncadd.s32 $0xFFFFF800  }
0x2d: {  	[hbm4b:s11+s3] =	stream.linear.scatter [tilespmem:s20], [sflag:$0x2], $0x800, $0x38;
	[tilespmem:$0x9108] =	vst v63  }
0x2e: {  	s28 =	smov.u32 s11;
	_ =	swait.ge [sflag:s15], $0x800  }
0x2f: {  	s29 =	smov.u32 s14;
	s26 =	simm.s32 $0x800;
	[sflag:s15] =	ssyncset.done $0x0  }
.LBB2_2:
0x30: {  	[sflag:s15] =	ssyncadd.s32 $0xFFFFF800  }
0x31: {  	s28 =	sadd.s32 $0x100, s28;
	s29 =	sadd.s32 $0x10, s29;
	s30 =	smov.u32 s26  }
0x32: {  	[tilespmem:s3], [sflag:$0x2] =	stream.linear.gather [hbm4b:s29+s3], $0x80, $0x38;
	[tilespmem:$0x9108] =	vst v63  }
0x33: {  	p0 =	sne.s32 s26, $0x13000;
	s26 =	sadd.s32 $0x800, s26;
	_ =	swait.ge [sflag:s15], $0x80  }
0x34: {  	[sflag:s15] =	ssyncset.done $0x0  }
0x35: {  	[sflag:s15] =	ssyncadd.s32 $0xFFFFFF80  }
0x36: {  	[tilespmem:s17], [sflag:$0x1] =	stream.indirect.gather [hbm4b:s1+s16], $0x80, s3, s16, $0xb8;
	[tilespmem:$0x9108] =	vst v63  }
0x37: {  	_ =	swait.ge [sflag:s18], $0x4000  }
0x38: {  	[sflag:s18] =	ssyncset.done $0x0  }
0x39: {  	s31 =	sadd.s32 s30, s13;
	[sflag:s18] =	ssyncadd.s32 $0xFFFFC000  }
0x3a: {  	[hbm4b:s31+s3] =	stream.linear.scatter [tilespmem:s17], [sflag:$0x2], $0x4000, $0x38;
	[tilespmem:$0x9108] =	vst v63  }
0x3b: {  	_ =	swait.ge [sflag:s15], $0x4000  }
0x3c: {  	[sflag:s15] =	ssyncset.done $0x0  }
0x3d: {  	[sflag:s15] =	ssyncadd.s32 $0xFFFFC000  }
0x3e: {  	[tilespmem:s19], [sflag:$0x1] =	stream.indirect.gather [hbm4b:s4+s16], $0x80, s3, s16, $0xb8;
	[tilespmem:$0x9108] =	vst v63  }
0x3f: {  	_ =	swait.ge [sflag:s18], $0x4000  }
0x40: {  	[sflag:s18] =	ssyncset.done $0x0  }
0x41: {  	s30 =	sadd.s32 s30, s12;
	[sflag:s18] =	ssyncadd.s32 $0xFFFFC000  }
0x42: {  	[hbm4b:s30+s3] =	stream.linear.scatter [tilespmem:s19], [sflag:$0x2], $0x4000, $0x38;
	[tilespmem:$0x9108] =	vst v63  }
0x43: {  	_ =	swait.ge [sflag:s15], $0x4000  }
0x44: {  	[sflag:s15] =	ssyncset.done $0x0  }
0x45: {  	[sflag:s15] =	ssyncadd.s32 $0xFFFFC000  }
0x46: {  	[tilespmem:s20], [sflag:$0x1] =	stream.indirect.gather [hbm4b:s5+s16], $0x10, s3, s16, $0xb8;
	[tilespmem:$0x9108] =	vst v63  }
0x47: {  	_ =	swait.ge [sflag:s18], $0x800  }
.Ltmp0:
0x48: {  	[sflag:s18] =	ssyncset.done $0x0;
	(pc) =	sbr.rel @p0 .LBB2_2-.Ltmp0, $4  }
0x49: {  	[sflag:s18] =	ssyncadd.s32 $0xFFFFF800  }
0x4a: {  	[hbm4b:s28+s3] =	stream.linear.scatter [tilespmem:s20], [sflag:$0x2], $0x800, $0x38;
	[tilespmem:$0x9108] =	vst v63  }
0x4b: {  	_ =	swait.ge [sflag:s15], $0x800  }
0x4c: {  	[sflag:s15] =	ssyncset.done $0x0  }
0x4d: {  	[sflag:s15] =	ssyncadd.s32 $0xFFFFF800  }
0x4e: {  	[tilespmem:s16], [sflag:$0x2] =	stream.linear.gather [hbm4b:s6+s3], $0x8, $0x38;
	[tilespmem:$0x9108] =	vst v63  }
0x4f: {  	_ =	swait.ge [sflag:s15], $0x8  }
0x50: {  	[sflag:s15] =	ssyncset.done $0x0  }
0x51: {  	[sflag:s15] =	ssyncadd.s32 $0xFFFFFFF8  }
0x52: {  	[tilespmem:s22], [sflag:$0x1] =	stream.indirect.gather [hbm4b:s1+s21], $0x80, s16, s21, $0xb8;
	[tilespmem:$0x9108] =	vst v63  }
0x53: {  	_ =	swait.ge [sflag:s18], $0x400  }
0x54: {  	[sflag:s18] =	ssyncset.done $0x0  }
0x55: {  	[sflag:s18] =	ssyncadd.s32 $0xFFFFFC00  }
0x56: {  	[hbm4b:s7+s3] =	stream.linear.scatter [tilespmem:s22], [sflag:$0x2], $0x400, $0x38;
	[tilespmem:$0x9108] =	vst v63  }
0x57: {  	_ =	swait.ge [sflag:s15], $0x400  }
0x58: {  	[sflag:s15] =	ssyncset.done $0x0  }
0x59: {  	[sflag:s15] =	ssyncadd.s32 $0xFFFFFC00  }
0x5a: {  	[tilespmem:s23], [sflag:$0x1] =	stream.indirect.gather [hbm4b:s4+s21], $0x80, s16, s21, $0xb8;
	[tilespmem:$0x9108] =	vst v63  }
0x5b: {  	_ =	swait.ge [sflag:s18], $0x400  }
0x5c: {  	[sflag:s18] =	ssyncset.done $0x0  }
0x5d: {  	[sflag:s18] =	ssyncadd.s32 $0xFFFFFC00  }
0x5e: {  	[hbm4b:s8+s3] =	stream.linear.scatter [tilespmem:s23], [sflag:$0x2], $0x400, $0x38;
	[tilespmem:$0x9108] =	vst v63  }
0x5f: {  	_ =	swait.ge [sflag:s15], $0x400  }
0x60: {  	[sflag:s15] =	ssyncset.done $0x0  }
0x61: {  	[sflag:s15] =	ssyncadd.s32 $0xFFFFFC00  }
0x62: {  	[tilespmem:s24], [sflag:$0x1] =	stream.indirect.gather [hbm4b:s5+s21], $0x10, s16, s21, $0xb8;
	[tilespmem:$0x9108] =	vst v63  }
0x63: {  	s25 =	sadd.s32 $0x1, s25;
	_ =	swait.ge [sflag:s18], $0x80  }
0x64: {  	p0 =	sne.s32 s25, s10;
	[sflag:s18] =	ssyncset.done $0x0  }
.Ltmp1:
0x65: {  	[sflag:s18] =	ssyncadd.s32 $0xFFFFFF80;
	(pc) =	sbr.rel @p0 .LBB2_1-.Ltmp1, $4  }
0x66: {  	[hbm4b:s9+s3] =	stream.linear.scatter [tilespmem:s24], [sflag:$0x2], $0x80, $0x38;
	[tilespmem:$0x9108] =	vst v63  }
0x67: {  	_ =	swait.ge [sflag:s15], $0x80  }
0x68: {  	[sflag:s15] =	ssyncset.done $0x0  }
0x69: {  	[sflag:s15] =	ssyncadd.s32 $0xFFFFFF80  }
0x6a: {  	_ =	sfence.sel $0x180000  }
0x6b: {  	[bflag:$0x0] =	sbarrier.arrive $0xFFFF  }
0x6c: {  	p0 =	sne.s32 s2, $0x0;
	_ =	strace $0x90000047  }
0x6d: {  	s0 =	sadd.s32 @!p0 $0x100000, s0;
	[bflag:$0x2] =	sbarrier.arrive $0xFFFF  }
0x6e: {  	[sflag:s0] =	ssyncadd.tile.s32 @!p0 $0x1;
	_ =	shalt  }
.Lfunc_end2:
_tile_overlayer_lowered:
.L_overlay_start_2:
0x6f: {  	(tag) =	ssettag $0x2  }
0x70: {  	s0 =	rddreg [dreg:$0x0];
	s2 =	stileid.u32  }
0x71: {  	s1 =	rddreg [dreg:$0x1];
	p0 =	sne.s32 s2, $0x0  }
0x72: {  	s3 =	rddreg [dreg:$0x2];
	[bflag:$0x3] =	sbarrier.arrive $0xFFFF;
	s2 =	simm.s32 @!p0 $0x1C02  }
0x73: {  	[timem:s3], [sflag:s2] =	dma.local @!p0 [hbm:s0], s1  }
0x74: {  	s0 =	simm.s32 @!p0 $0x2  }
0x75: {  	_ =	swait.ge @!p0 [sflag:s0], s1  }
0x76: {  	s1 =	ssub.s32 @!p0 $0x0, s1;
	[sflag:s0] =	ssyncset.done @!p0 $0x0  }
0x77: {  	[sflag:s0] =	ssyncadd.s32 @!p0 s1  }
0x78: {  	[bflag:$0x3] =	sbarrier.arrive $0xFFFF  }
0x79: {  	_ =	shalt  }

</sc_bundles>
